<compile_context>
chip_gen: v7x
topology: tpu7x:2x2x1
jax: 0.10.2.dev20260603
libtpu: 0.0.44.dev20260713+nightly
codegen_flags: <defaults>
</compile_context>

<pallas_src>
import functools

import jax
import jax.numpy as jnp
from jax import lax
from jax.experimental import pallas as pl
from jax.experimental.pallas import tpu as pltpu
from jax.experimental.pallas import tpu_sc as plsc

NC = 2
NS = 16
NW = NC * NS

SPC = 4
NSTR = 8
IPS = 100


def _sc_fused(b, l, e, v):
  chunks_total = b // SPC
  assert chunks_total % NW == 0
  n = chunks_total // NW
  assert n % 2 == 0
  nwords = SPC * e * l

  mesh = plsc.VectorSubcoreMesh(core_axis_name="c", subcore_axis_name="s")

  @functools.partial(
      pl.kernel,
      mesh=mesh,
      out_type=jax.ShapeDtypeStruct((b * e * l,), jnp.float32),
      scratch_types=[
          pltpu.VMEM((2, NSTR, IPS), jnp.int32),
          pltpu.VMEM((2, SPC, l, e), jnp.float32),
          pltpu.VMEM((2, nwords), jnp.float32),
          pltpu.SemaphoreType.DMA,
          pltpu.SemaphoreType.DMA,
          pltpu.SemaphoreType.DMA,
          pltpu.SemaphoreType.DMA,
          pltpu.SemaphoreType.DMA,
          pltpu.SemaphoreType.DMA,
      ],
      compiler_params=pltpu.CompilerParams(
          use_tc_tiling_on_sc=False, needs_layout_passes=False),
  )
  def k(idx_hbm, table_hbm, out_hbm, idx_v, rows_v, outt_v, sg0, sg1, so0,
        so1, si0, si1):
    wid = lax.axis_index("s") * NC + lax.axis_index("c")
    iota = lax.iota(jnp.int32, 16)
    tbl = table_hbm
    idx3 = idx_hbm
    sg = (sg0, sg1)
    so = (so0, so1)
    si = (si0, si1)

    def idx_desc(c0, p):
      return pltpu.make_async_copy(idx3.at[c0], idx_v.at[p], si[p])

    def fire_streams(p):
      for j in range(NSTR):
        s, half = j // 2, j % 2
        pltpu.async_copy(
            tbl.at[idx_v.at[p, j]],
            rows_v.at[p, s, pl.ds(half * IPS, IPS)], sg[p])

    def drain_gather(p):
      for j in range(NSTR):
        s, half = j // 2, j % 2
        pltpu.make_async_copy(
            tbl.at[idx_v.at[p, j]],
            rows_v.at[p, s, pl.ds(half * IPS, IPS)], sg[p]).wait()

    def out_desc(c0, p):
      return pltpu.make_async_copy(
          outt_v.at[p], out_hbm.at[pl.ds(c0 * nwords, nwords)], so[p])

    idx_desc(wid * n, 0).start()
    idx_desc(wid * n, 0).wait()
    fire_streams(0)

    def body(i2, carry):
      for p in (0, 1):
        i = 2 * i2 + p
        c0 = wid * n + i

        @pl.when(i < n - 1)
        def _():
          idx_desc(c0 + 1, 1 - p).start()

        drain_gather(p)

        @pl.when(i < n - 1)
        def _():
          idx_desc(c0 + 1, 1 - p).wait()
          fire_streams(1 - p)

        @pl.when(i >= 2)
        def _():
          out_desc(c0 - 2, p).wait()

        def tr_body(ll, cc):
          for s in range(SPC):
            base = s * e * l + ll
            v0 = rows_v[p, s, ll, pl.ds(0, 16)]
            v1 = rows_v[p, s, ll, pl.ds(16, 16)]
            plsc.store_scatter(outt_v.at[p], [base + iota * l], v0)
            plsc.store_scatter(outt_v.at[p], [base + (iota + 16) * l], v1)
          return cc

        plsc.parallel_loop(0, l, 1, unroll=4, carry=jnp.int32(0))(tr_body)
        out_desc(c0, p).start()
      return carry

    lax.fori_loop(0, n // 2, body, 0)
    out_desc(wid * n + n - 2, 0).wait()
    out_desc(wid * n + n - 1, 1).wait()

  return k


def kernel(x, table):
  b, _, l = x.shape
  v, e = table.shape
  idx3 = x.reshape(b // SPC, NSTR, IPS)
  flat = _sc_fused(b, l, e, v)(idx3, table)
  return flat.reshape(b, e, l)

# --- scband reference (transcript-rebuilt; emitter-appended) ---
"""Pipeline reference for scband-my-embedding-80290118631477 (READ-ONLY COPY).

The authoritative reference and input builder live on the scoring server;
editing this copy changes nothing except your own understanding.
"""

import jax, jax.numpy as jnp
import numpy as np

NC_OUT = 1000000
NC_EMBEDDING = 32
BATCH = 4096
HIST = 200

def setup_inputs(seed: int = 0) -> dict:
    key = jax.random.key(seed)
    k1, k2 = jax.random.split(key)
    x = jax.random.randint(k1, (BATCH, 1, HIST), 0, NC_OUT, dtype=jnp.int32)
    table = jax.random.normal(k2, (NC_OUT, NC_EMBEDDING), dtype=jnp.float32)
    return {"x": x, "table": table}

def reference(x, table):
    # temporal_dim is None -> single embedding path
    out = jnp.take(table, x, axis=0)        # [B, 1, L, E]
    out = jnp.transpose(out, (0, 1, 3, 2))   # [B, 1, E, L]
    out = jnp.squeeze(out, axis=1)           # [B, E, L]
    return out

if __name__ == "__main__":
    import jax
    _d = setup_inputs()
    print(jax.jit(kernel)(*tuple(_d.values())))

</pallas_src>

<mosaic_0001>
#map = affine_map<(d0, d1) -> (0, 0, 0)>
#map1 = affine_map<(d0, d1) -> (0, 0)>
#map2 = affine_map<(d0, d1) -> (0)>
module attributes {stable_mosaic.version = 14 : i64} {
  func.func @k(%arg0: i32, %arg1: i32, %arg2: memref<1024x8x100xi32, #tpu.memory_space<hbm>>, %arg3: memref<1000000x32xf32, #tpu.memory_space<hbm>>, %arg4: memref<26214400xf32, #tpu.memory_space<hbm>>, %arg5: memref<2x8x100xi32, #tpu.memory_space<vmem>>, %arg6: memref<2x4x200x32xf32, #tpu.memory_space<vmem>>, %arg7: memref<2x25600xf32, #tpu.memory_space<vmem>>, %arg8: memref<!tpu.dma_semaphore, #tpu.memory_space<semaphore_mem>>, %arg9: memref<!tpu.dma_semaphore, #tpu.memory_space<semaphore_mem>>, %arg10: memref<!tpu.dma_semaphore, #tpu.memory_space<semaphore_mem>>, %arg11: memref<!tpu.dma_semaphore, #tpu.memory_space<semaphore_mem>>, %arg12: memref<!tpu.dma_semaphore, #tpu.memory_space<semaphore_mem>>, %arg13: memref<!tpu.dma_semaphore, #tpu.memory_space<semaphore_mem>>) attributes {dimension_semantics = [#tpu.dimension_semantics<core_parallel>, #tpu.dimension_semantics<subcore_parallel>], iteration_bounds = array<i64: 2, 16>, scalar_prefetch = 0 : i64, scratch_operands = 9 : i64, tpu.core_type = #tpu.core_type<sc_vector_subcore>, window_params = [{transform_indices = #map}, {transform_indices = #map1}, {transform_indices = #map2}]} {
    %mul3A = arith.constant 2 : i32
    %mul3A_0 = arith.muli %arg1, %mul3A : i32
    %add3A = arith.addi %mul3A_0, %arg0 : i32
    %iota3A = tpu.iota {dimensions = array<i32: 0>} : vector<16xi32>
    %mul3A_1 = arith.constant 32 : i32
    %mul3A_2 = arith.muli %add3A, %mul3A_1 : i32
    %dma_start3A = arith.constant 0 : i32
    %dma_start3A_3 = arith.constant 0 : i32
    %dma_start3A_4 = arith.constant 0 : i32
    %dma_start3A_5 = tpu.memref_slice %arg5[%dma_start3A, %dma_start3A_3, %dma_start3A_4] : memref<2x8x100xi32, #tpu.memory_space<vmem>> -> memref<1x8x100xi32, #tpu.memory_space<vmem>>
    %dma_start3A_6 = tpu.memref_squeeze %dma_start3A_5 : memref<1x8x100xi32, #tpu.memory_space<vmem>> -> memref<8x100xi32, #tpu.memory_space<vmem>>
    %dma_start3A_7 = arith.constant 0 : i32
    %dma_start3A_8 = arith.constant 0 : i32
    %dma_start3A_9 = tpu.memref_slice %arg2[%mul3A_2, %dma_start3A_7, %dma_start3A_8] : memref<1024x8x100xi32, #tpu.memory_space<hbm>> -> memref<1x8x100xi32, #tpu.memory_space<hbm>>
    %dma_start3A_10 = tpu.memref_squeeze %dma_start3A_9 : memref<1x8x100xi32, #tpu.memory_space<hbm>> -> memref<8x100xi32, #tpu.memory_space<hbm>>
    %dma_start3A_11 = arith.constant 0 : i32
    %dma_start3A_12 = arith.constant 0 : i32
    %dma_start3A_13 = tpu.memref_slice %arg5[%dma_start3A, %dma_start3A_11, %dma_start3A_12] : memref<2x8x100xi32, #tpu.memory_space<vmem>> -> memref<1x8x100xi32, #tpu.memory_space<vmem>>
    %dma_start3A_14 = tpu.memref_squeeze %dma_start3A_13 : memref<1x8x100xi32, #tpu.memory_space<vmem>> -> memref<8x100xi32, #tpu.memory_space<vmem>>
    %dma_start3A_15 = arith.constant 0 : i32
    %dma_start3A_16 = arith.constant 0 : i32
    %dma_start3A_17 = tpu.memref_slice %arg2[%mul3A_2, %dma_start3A_15, %dma_start3A_16] : memref<1024x8x100xi32, #tpu.memory_space<hbm>> -> memref<1x8x100xi32, #tpu.memory_space<hbm>>
    %dma_start3A_18 = tpu.memref_squeeze %dma_start3A_17 : memref<1x8x100xi32, #tpu.memory_space<hbm>> -> memref<8x100xi32, #tpu.memory_space<hbm>>
    tpu.enqueue_dma source(%dma_start3A_18 : memref<8x100xi32, #tpu.memory_space<hbm>>) target(%dma_start3A_14 : memref<8x100xi32, #tpu.memory_space<vmem>>) target_semaphore(%arg12 : memref<!tpu.dma_semaphore, #tpu.memory_space<semaphore_mem>>)
    %mul3A_19 = arith.constant 32 : i32
    %mul3A_20 = arith.muli %add3A, %mul3A_19 : i32
    %dma_wait3A = arith.constant 0 : i32
    %dma_wait3A_21 = arith.constant 0 : i32
    %dma_wait3A_22 = arith.constant 0 : i32
    %dma_wait3A_23 = tpu.memref_slice %arg5[%dma_wait3A, %dma_wait3A_21, %dma_wait3A_22] : memref<2x8x100xi32, #tpu.memory_space<vmem>> -> memref<1x8x100xi32, #tpu.memory_space<vmem>>
    %dma_wait3A_24 = tpu.memref_squeeze %dma_wait3A_23 : memref<1x8x100xi32, #tpu.memory_space<vmem>> -> memref<8x100xi32, #tpu.memory_space<vmem>>
    %dma_wait3A_25 = arith.constant 0 : i32
    %dma_wait3A_26 = arith.constant 0 : i32
    %dma_wait3A_27 = tpu.memref_slice %arg2[%mul3A_20, %dma_wait3A_25, %dma_wait3A_26] : memref<1024x8x100xi32, #tpu.memory_space<hbm>> -> memref<1x8x100xi32, #tpu.memory_space<hbm>>
    %dma_wait3A_28 = tpu.memref_squeeze %dma_wait3A_27 : memref<1x8x100xi32, #tpu.memory_space<hbm>> -> memref<8x100xi32, #tpu.memory_space<hbm>>
    %dma_wait3A_29 = arith.constant 0 : i32
    %dma_wait3A_30 = arith.constant 0 : i32
    %dma_wait3A_31 = tpu.memref_slice %arg5[%dma_wait3A, %dma_wait3A_29, %dma_wait3A_30] : memref<2x8x100xi32, #tpu.memory_space<vmem>> -> memref<1x8x100xi32, #tpu.memory_space<vmem>>
    %dma_wait3A_32 = tpu.memref_squeeze %dma_wait3A_31 : memref<1x8x100xi32, #tpu.memory_space<vmem>> -> memref<8x100xi32, #tpu.memory_space<vmem>>
    %dma_wait3A_33 = arith.constant 0 : i32
    %dma_wait3A_34 = arith.constant 0 : i32
    %dma_wait3A_35 = tpu.memref_slice %arg2[%mul3A_20, %dma_wait3A_33, %dma_wait3A_34] : memref<1024x8x100xi32, #tpu.memory_space<hbm>> -> memref<1x8x100xi32, #tpu.memory_space<hbm>>
    %dma_wait3A_36 = tpu.memref_squeeze %dma_wait3A_35 : memref<1x8x100xi32, #tpu.memory_space<hbm>> -> memref<8x100xi32, #tpu.memory_space<hbm>>
    tpu.wait_dma2 semaphore(%arg12 : memref<!tpu.dma_semaphore, #tpu.memory_space<semaphore_mem>>) src(%dma_wait3A_36 : memref<8x100xi32, #tpu.memory_space<hbm>>) dst(%dma_wait3A_32 : memref<8x100xi32, #tpu.memory_space<vmem>>)
    %dma_start3A_37 = arith.constant 0 : i32
    %dma_start3A_38 = arith.constant 0 : i32
    %dma_start3A_39 = arith.constant 0 : i32
    %dma_start3A_40 = arith.constant 0 : i32
    %dma_start3A_41 = arith.constant 0 : i32
    %dma_start3A_42 = arith.constant 0 : i32
    %dma_start3A_43 = tpu.memref_slice %arg6[%dma_start3A_39, %dma_start3A_40, %dma_start3A_41, %dma_start3A_42] : memref<2x4x200x32xf32, #tpu.memory_space<vmem>> -> memref<1x1x100x32xf32, #tpu.memory_space<vmem>>
    %dma_start3A_44 = tpu.memref_squeeze %dma_start3A_43 : memref<1x1x100x32xf32, #tpu.memory_space<vmem>> -> memref<100x32xf32, #tpu.memory_space<vmem>>
    %dma_start3A_45 = arith.constant 0 : i32
    %dma_start3A_46 = tpu.memref_slice %arg5[%dma_start3A_37, %dma_start3A_38, %dma_start3A_45] : memref<2x8x100xi32, #tpu.memory_space<vmem>> -> memref<1x1x100xi32, #tpu.memory_space<vmem>>
    %dma_start3A_47 = tpu.memref_squeeze %dma_start3A_46 : memref<1x1x100xi32, #tpu.memory_space<vmem>> -> memref<100xi32, #tpu.memory_space<vmem>>
    %dma_start3A_48 = arith.constant 0 : i32
    %dma_start3A_49 = arith.constant 0 : i32
    %dma_start3A_50 = tpu.memref_slice %arg3[%dma_start3A_48, %dma_start3A_49] : memref<1000000x32xf32, #tpu.memory_space<hbm>> -> memref<1000000x32xf32, #tpu.memory_space<hbm>>
    tpu.enqueue_indirect_dma source(%dma_start3A_50 : memref<1000000x32xf32, #tpu.memory_space<hbm>>) target(%dma_start3A_44 : memref<100x32xf32, #tpu.memory_space<vmem>>) offsets(%dma_start3A_47 : memref<100xi32, #tpu.memory_space<vmem>>) semaphore(%arg8 : memref<!tpu.dma_semaphore, #tpu.memory_space<semaphore_mem>>)
    %dma_start3A_51 = arith.constant 0 : i32
    %dma_start3A_52 = arith.constant 1 : i32
    %dma_start3A_53 = arith.constant 0 : i32
    %dma_start3A_54 = arith.constant 0 : i32
    %dma_start3A_55 = arith.constant 100 : i32
    %dma_start3A_56 = arith.constant 0 : i32
    %dma_start3A_57 = tpu.memref_slice %arg6[%dma_start3A_53, %dma_start3A_54, %dma_start3A_55, %dma_start3A_56] : memref<2x4x200x32xf32, #tpu.memory_space<vmem>> -> memref<1x1x100x32xf32, #tpu.memory_space<vmem>>
    %dma_start3A_58 = tpu.memref_squeeze %dma_start3A_57 : memref<1x1x100x32xf32, #tpu.memory_space<vmem>> -> memref<100x32xf32, #tpu.memory_space<vmem>>
    %dma_start3A_59 = arith.constant 0 : i32
    %dma_start3A_60 = tpu.memref_slice %arg5[%dma_start3A_51, %dma_start3A_52, %dma_start3A_59] : memref<2x8x100xi32, #tpu.memory_space<vmem>> -> memref<1x1x100xi32, #tpu.memory_space<vmem>>
    %dma_start3A_61 = tpu.memref_squeeze %dma_start3A_60 : memref<1x1x100xi32, #tpu.memory_space<vmem>> -> memref<100xi32, #tpu.memory_space<vmem>>
    %dma_start3A_62 = arith.constant 0 : i32
    %dma_start3A_63 = arith.constant 0 : i32
    %dma_start3A_64 = tpu.memref_slice %arg3[%dma_start3A_62, %dma_start3A_63] : memref<1000000x32xf32, #tpu.memory_space<hbm>> -> memref<1000000x32xf32, #tpu.memory_space<hbm>>
    tpu.enqueue_indirect_dma source(%dma_start3A_64 : memref<1000000x32xf32, #tpu.memory_space<hbm>>) target(%dma_start3A_58 : memref<100x32xf32, #tpu.memory_space<vmem>>) offsets(%dma_start3A_61 : memref<100xi32, #tpu.memory_space<vmem>>) semaphore(%arg8 : memref<!tpu.dma_semaphore, #tpu.memory_space<semaphore_mem>>)
    %dma_start3A_65 = arith.constant 0 : i32
    %dma_start3A_66 = arith.constant 2 : i32
    %dma_start3A_67 = arith.constant 0 : i32
    %dma_start3A_68 = arith.constant 1 : i32
    %dma_start3A_69 = arith.constant 0 : i32
    %dma_start3A_70 = arith.constant 0 : i32
    %dma_start3A_71 = tpu.memref_slice %arg6[%dma_start3A_67, %dma_start3A_68, %dma_start3A_69, %dma_start3A_70] : memref<2x4x200x32xf32, #tpu.memory_space<vmem>> -> memref<1x1x100x32xf32, #tpu.memory_space<vmem>>
    %dma_start3A_72 = tpu.memref_squeeze %dma_start3A_71 : memref<1x1x100x32xf32, #tpu.memory_space<vmem>> -> memref<100x32xf32, #tpu.memory_space<vmem>>
    %dma_start3A_73 = arith.constant 0 : i32
    %dma_start3A_74 = tpu.memref_slice %arg5[%dma_start3A_65, %dma_start3A_66, %dma_start3A_73] : memref<2x8x100xi32, #tpu.memory_space<vmem>> -> memref<1x1x100xi32, #tpu.memory_space<vmem>>
    %dma_start3A_75 = tpu.memref_squeeze %dma_start3A_74 : memref<1x1x100xi32, #tpu.memory_space<vmem>> -> memref<100xi32, #tpu.memory_space<vmem>>
    %dma_start3A_76 = arith.constant 0 : i32
    %dma_start3A_77 = arith.constant 0 : i32
    %dma_start3A_78 = tpu.memref_slice %arg3[%dma_start3A_76, %dma_start3A_77] : memref<1000000x32xf32, #tpu.memory_space<hbm>> -> memref<1000000x32xf32, #tpu.memory_space<hbm>>
    tpu.enqueue_indirect_dma source(%dma_start3A_78 : memref<1000000x32xf32, #tpu.memory_space<hbm>>) target(%dma_start3A_72 : memref<100x32xf32, #tpu.memory_space<vmem>>) offsets(%dma_start3A_75 : memref<100xi32, #tpu.memory_space<vmem>>) semaphore(%arg8 : memref<!tpu.dma_semaphore, #tpu.memory_space<semaphore_mem>>)
    %dma_start3A_79 = arith.constant 0 : i32
    %dma_start3A_80 = arith.constant 3 : i32
    %dma_start3A_81 = arith.constant 0 : i32
    %dma_start3A_82 = arith.constant 1 : i32
    %dma_start3A_83 = arith.constant 100 : i32
    %dma_start3A_84 = arith.constant 0 : i32
    %dma_start3A_85 = tpu.memref_slice %arg6[%dma_start3A_81, %dma_start3A_82, %dma_start3A_83, %dma_start3A_84] : memref<2x4x200x32xf32, #tpu.memory_space<vmem>> -> memref<1x1x100x32xf32, #tpu.memory_space<vmem>>
    %dma_start3A_86 = tpu.memref_squeeze %dma_start3A_85 : memref<1x1x100x32xf32, #tpu.memory_space<vmem>> -> memref<100x32xf32, #tpu.memory_space<vmem>>
    %dma_start3A_87 = arith.constant 0 : i32
    %dma_start3A_88 = tpu.memref_slice %arg5[%dma_start3A_79, %dma_start3A_80, %dma_start3A_87] : memref<2x8x100xi32, #tpu.memory_space<vmem>> -> memref<1x1x100xi32, #tpu.memory_space<vmem>>
    %dma_start3A_89 = tpu.memref_squeeze %dma_start3A_88 : memref<1x1x100xi32, #tpu.memory_space<vmem>> -> memref<100xi32, #tpu.memory_space<vmem>>
    %dma_start3A_90 = arith.constant 0 : i32
    %dma_start3A_91 = arith.constant 0 : i32
    %dma_start3A_92 = tpu.memref_slice %arg3[%dma_start3A_90, %dma_start3A_91] : memref<1000000x32xf32, #tpu.memory_space<hbm>> -> memref<1000000x32xf32, #tpu.memory_space<hbm>>
    tpu.enqueue_indirect_dma source(%dma_start3A_92 : memref<1000000x32xf32, #tpu.memory_space<hbm>>) target(%dma_start3A_86 : memref<100x32xf32, #tpu.memory_space<vmem>>) offsets(%dma_start3A_89 : memref<100xi32, #tpu.memory_space<vmem>>) semaphore(%arg8 : memref<!tpu.dma_semaphore, #tpu.memory_space<semaphore_mem>>)
    %dma_start3A_93 = arith.constant 0 : i32
    %dma_start3A_94 = arith.constant 4 : i32
    %dma_start3A_95 = arith.constant 0 : i32
    %dma_start3A_96 = arith.constant 2 : i32
    %dma_start3A_97 = arith.constant 0 : i32
    %dma_start3A_98 = arith.constant 0 : i32
    %dma_start3A_99 = tpu.memref_slice %arg6[%dma_start3A_95, %dma_start3A_96, %dma_start3A_97, %dma_start3A_98] : memref<2x4x200x32xf32, #tpu.memory_space<vmem>> -> memref<1x1x100x32xf32, #tpu.memory_space<vmem>>
    %dma_start3A_100 = tpu.memref_squeeze %dma_start3A_99 : memref<1x1x100x32xf32, #tpu.memory_space<vmem>> -> memref<100x32xf32, #tpu.memory_space<vmem>>
    %dma_start3A_101 = arith.constant 0 : i32
    %dma_start3A_102 = tpu.memref_slice %arg5[%dma_start3A_93, %dma_start3A_94, %dma_start3A_101] : memref<2x8x100xi32, #tpu.memory_space<vmem>> -> memref<1x1x100xi32, #tpu.memory_space<vmem>>
    %dma_start3A_103 = tpu.memref_squeeze %dma_start3A_102 : memref<1x1x100xi32, #tpu.memory_space<vmem>> -> memref<100xi32, #tpu.memory_space<vmem>>
    %dma_start3A_104 = arith.constant 0 : i32
    %dma_start3A_105 = arith.constant 0 : i32
    %dma_start3A_106 = tpu.memref_slice %arg3[%dma_start3A_104, %dma_start3A_105] : memref<1000000x32xf32, #tpu.memory_space<hbm>> -> memref<1000000x32xf32, #tpu.memory_space<hbm>>
    tpu.enqueue_indirect_dma source(%dma_start3A_106 : memref<1000000x32xf32, #tpu.memory_space<hbm>>) target(%dma_start3A_100 : memref<100x32xf32, #tpu.memory_space<vmem>>) offsets(%dma_start3A_103 : memref<100xi32, #tpu.memory_space<vmem>>) semaphore(%arg8 : memref<!tpu.dma_semaphore, #tpu.memory_space<semaphore_mem>>)
    %dma_start3A_107 = arith.constant 0 : i32
    %dma_start3A_108 = arith.constant 5 : i32
    %dma_start3A_109 = arith.constant 0 : i32
    %dma_start3A_110 = arith.constant 2 : i32
    %dma_start3A_111 = arith.constant 100 : i32
    %dma_start3A_112 = arith.constant 0 : i32
    %dma_start3A_113 = tpu.memref_slice %arg6[%dma_start3A_109, %dma_start3A_110, %dma_start3A_111, %dma_start3A_112] : memref<2x4x200x32xf32, #tpu.memory_space<vmem>> -> memref<1x1x100x32xf32, #tpu.memory_space<vmem>>
    %dma_start3A_114 = tpu.memref_squeeze %dma_start3A_113 : memref<1x1x100x32xf32, #tpu.memory_space<vmem>> -> memref<100x32xf32, #tpu.memory_space<vmem>>
    %dma_start3A_115 = arith.constant 0 : i32
    %dma_start3A_116 = tpu.memref_slice %arg5[%dma_start3A_107, %dma_start3A_108, %dma_start3A_115] : memref<2x8x100xi32, #tpu.memory_space<vmem>> -> memref<1x1x100xi32, #tpu.memory_space<vmem>>
    %dma_start3A_117 = tpu.memref_squeeze %dma_start3A_116 : memref<1x1x100xi32, #tpu.memory_space<vmem>> -> memref<100xi32, #tpu.memory_space<vmem>>
    %dma_start3A_118 = arith.constant 0 : i32
    %dma_start3A_119 = arith.constant 0 : i32
    %dma_start3A_120 = tpu.memref_slice %arg3[%dma_start3A_118, %dma_start3A_119] : memref<1000000x32xf32, #tpu.memory_space<hbm>> -> memref<1000000x32xf32, #tpu.memory_space<hbm>>
    tpu.enqueue_indirect_dma source(%dma_start3A_120 : memref<1000000x32xf32, #tpu.memory_space<hbm>>) target(%dma_start3A_114 : memref<100x32xf32, #tpu.memory_space<vmem>>) offsets(%dma_start3A_117 : memref<100xi32, #tpu.memory_space<vmem>>) semaphore(%arg8 : memref<!tpu.dma_semaphore, #tpu.memory_space<semaphore_mem>>)
    %dma_start3A_121 = arith.constant 0 : i32
    %dma_start3A_122 = arith.constant 6 : i32
    %dma_start3A_123 = arith.constant 0 : i32
    %dma_start3A_124 = arith.constant 3 : i32
    %dma_start3A_125 = arith.constant 0 : i32
    %dma_start3A_126 = arith.constant 0 : i32
    %dma_start3A_127 = tpu.memref_slice %arg6[%dma_start3A_123, %dma_start3A_124, %dma_start3A_125, %dma_start3A_126] : memref<2x4x200x32xf32, #tpu.memory_space<vmem>> -> memref<1x1x100x32xf32, #tpu.memory_space<vmem>>
    %dma_start3A_128 = tpu.memref_squeeze %dma_start3A_127 : memref<1x1x100x32xf32, #tpu.memory_space<vmem>> -> memref<100x32xf32, #tpu.memory_space<vmem>>
    %dma_start3A_129 = arith.constant 0 : i32
    %dma_start3A_130 = tpu.memref_slice %arg5[%dma_start3A_121, %dma_start3A_122, %dma_start3A_129] : memref<2x8x100xi32, #tpu.memory_space<vmem>> -> memref<1x1x100xi32, #tpu.memory_space<vmem>>
    %dma_start3A_131 = tpu.memref_squeeze %dma_start3A_130 : memref<1x1x100xi32, #tpu.memory_space<vmem>> -> memref<100xi32, #tpu.memory_space<vmem>>
    %dma_start3A_132 = arith.constant 0 : i32
    %dma_start3A_133 = arith.constant 0 : i32
    %dma_start3A_134 = tpu.memref_slice %arg3[%dma_start3A_132, %dma_start3A_133] : memref<1000000x32xf32, #tpu.memory_space<hbm>> -> memref<1000000x32xf32, #tpu.memory_space<hbm>>
    tpu.enqueue_indirect_dma source(%dma_start3A_134 : memref<1000000x32xf32, #tpu.memory_space<hbm>>) target(%dma_start3A_128 : memref<100x32xf32, #tpu.memory_space<vmem>>) offsets(%dma_start3A_131 : memref<100xi32, #tpu.memory_space<vmem>>) semaphore(%arg8 : memref<!tpu.dma_semaphore, #tpu.memory_space<semaphore_mem>>)
    %dma_start3A_135 = arith.constant 0 : i32
    %dma_start3A_136 = arith.constant 7 : i32
    %dma_start3A_137 = arith.constant 0 : i32
    %dma_start3A_138 = arith.constant 3 : i32
    %dma_start3A_139 = arith.constant 100 : i32
    %dma_start3A_140 = arith.constant 0 : i32
    %dma_start3A_141 = tpu.memref_slice %arg6[%dma_start3A_137, %dma_start3A_138, %dma_start3A_139, %dma_start3A_140] : memref<2x4x200x32xf32, #tpu.memory_space<vmem>> -> memref<1x1x100x32xf32, #tpu.memory_space<vmem>>
    %dma_start3A_142 = tpu.memref_squeeze %dma_start3A_141 : memref<1x1x100x32xf32, #tpu.memory_space<vmem>> -> memref<100x32xf32, #tpu.memory_space<vmem>>
    %dma_start3A_143 = arith.constant 0 : i32
    %dma_start3A_144 = tpu.memref_slice %arg5[%dma_start3A_135, %dma_start3A_136, %dma_start3A_143] : memref<2x8x100xi32, #tpu.memory_space<vmem>> -> memref<1x1x100xi32, #tpu.memory_space<vmem>>
    %dma_start3A_145 = tpu.memref_squeeze %dma_start3A_144 : memref<1x1x100xi32, #tpu.memory_space<vmem>> -> memref<100xi32, #tpu.memory_space<vmem>>
    %dma_start3A_146 = arith.constant 0 : i32
    %dma_start3A_147 = arith.constant 0 : i32
    %dma_start3A_148 = tpu.memref_slice %arg3[%dma_start3A_146, %dma_start3A_147] : memref<1000000x32xf32, #tpu.memory_space<hbm>> -> memref<1000000x32xf32, #tpu.memory_space<hbm>>
    tpu.enqueue_indirect_dma source(%dma_start3A_148 : memref<1000000x32xf32, #tpu.memory_space<hbm>>) target(%dma_start3A_142 : memref<100x32xf32, #tpu.memory_space<vmem>>) offsets(%dma_start3A_145 : memref<100xi32, #tpu.memory_space<vmem>>) semaphore(%arg8 : memref<!tpu.dma_semaphore, #tpu.memory_space<semaphore_mem>>)
    %scan3A = arith.constant 0 : i32
    %scan3A_149 = arith.constant 0 : i32
    %scan3A_150 = arith.constant 16 : i32
    %scan3A_151 = arith.addi %scan3A_149, %scan3A_150 : i32
    %scan3A_152 = arith.constant 1 : i32
    scf.for %scan3A_187 = %scan3A_149 to %scan3A_151 step %scan3A_152  : i32 {
      %mul3A_188 = arith.constant 2 : i32
      %mul3A_189 = arith.muli %mul3A_188, %scan3A_187 : i32
      %add3A_190 = arith.constant 0 : i32
      %add3A_191 = arith.addi %mul3A_189, %add3A_190 : i32
      %mul3A_192 = arith.constant 32 : i32
      %mul3A_193 = arith.muli %add3A, %mul3A_192 : i32
      %add3A_194 = arith.addi %mul3A_193, %add3A_191 : i32
      %lt3A = arith.constant 31 : i32
      %lt3A_195 = arith.cmpi slt, %add3A_191, %lt3A : i32
      %convert_element_type3A = arith.extui %lt3A_195 : i1 to i32
      %cond3A = arith.constant 0 : i32
      %cond3A_196 = arith.cmpi ne, %convert_element_type3A, %cond3A : i32
      scf.if %cond3A_196 {
        %add3A_483 = arith.constant 1 : i32
        %add3A_484 = arith.addi %add3A_194, %add3A_483 : i32
        %dma_start3A_485 = arith.constant 1 : i32
        %dma_start3A_486 = arith.constant 0 : i32
        %dma_start3A_487 = arith.constant 0 : i32
        %dma_start3A_488 = tpu.memref_slice %arg5[%dma_start3A_485, %dma_start3A_486, %dma_start3A_487] : memref<2x8x100xi32, #tpu.memory_space<vmem>> -> memref<1x8x100xi32, #tpu.memory_space<vmem>>
        %dma_start3A_489 = tpu.memref_squeeze %dma_start3A_488 : memref<1x8x100xi32, #tpu.memory_space<vmem>> -> memref<8x100xi32, #tpu.memory_space<vmem>>
        %dma_start3A_490 = arith.constant 0 : i32
        %dma_start3A_491 = arith.constant 0 : i32
        %dma_start3A_492 = tpu.memref_slice %arg2[%add3A_484, %dma_start3A_490, %dma_start3A_491] : memref<1024x8x100xi32, #tpu.memory_space<hbm>> -> memref<1x8x100xi32, #tpu.memory_space<hbm>>
        %dma_start3A_493 = tpu.memref_squeeze %dma_start3A_492 : memref<1x8x100xi32, #tpu.memory_space<hbm>> -> memref<8x100xi32, #tpu.memory_space<hbm>>
        %dma_start3A_494 = arith.constant 0 : i32
        %dma_start3A_495 = arith.constant 0 : i32
        %dma_start3A_496 = tpu.memref_slice %arg5[%dma_start3A_485, %dma_start3A_494, %dma_start3A_495] : memref<2x8x100xi32, #tpu.memory_space<vmem>> -> memref<1x8x100xi32, #tpu.memory_space<vmem>>
        %dma_start3A_497 = tpu.memref_squeeze %dma_start3A_496 : memref<1x8x100xi32, #tpu.memory_space<vmem>> -> memref<8x100xi32, #tpu.memory_space<vmem>>
        %dma_start3A_498 = arith.constant 0 : i32
        %dma_start3A_499 = arith.constant 0 : i32
        %dma_start3A_500 = tpu.memref_slice %arg2[%add3A_484, %dma_start3A_498, %dma_start3A_499] : memref<1024x8x100xi32, #tpu.memory_space<hbm>> -> memref<1x8x100xi32, #tpu.memory_space<hbm>>
        %dma_start3A_501 = tpu.memref_squeeze %dma_start3A_500 : memref<1x8x100xi32, #tpu.memory_space<hbm>> -> memref<8x100xi32, #tpu.memory_space<hbm>>
        tpu.enqueue_dma source(%dma_start3A_501 : memref<8x100xi32, #tpu.memory_space<hbm>>) target(%dma_start3A_497 : memref<8x100xi32, #tpu.memory_space<vmem>>) target_semaphore(%arg13 : memref<!tpu.dma_semaphore, #tpu.memory_space<semaphore_mem>>)
      } else {
      }
      %dma_wait3A_197 = arith.constant 0 : i32
      %dma_wait3A_198 = arith.constant 0 : i32
      %dma_wait3A_199 = arith.constant 0 : i32
      %dma_wait3A_200 = arith.constant 0 : i32
      %dma_wait3A_201 = arith.constant 0 : i32
      %dma_wait3A_202 = arith.constant 0 : i32
      %dma_wait3A_203 = tpu.memref_slice %arg6[%dma_wait3A_199, %dma_wait3A_200, %dma_wait3A_201, %dma_wait3A_202] : memref<2x4x200x32xf32, #tpu.memory_space<vmem>> -> memref<1x1x100x32xf32, #tpu.memory_space<vmem>>
      %dma_wait3A_204 = tpu.memref_squeeze %dma_wait3A_203 : memref<1x1x100x32xf32, #tpu.memory_space<vmem>> -> memref<100x32xf32, #tpu.memory_space<vmem>>
      %dma_wait3A_205 = arith.constant 0 : i32
      %dma_wait3A_206 = tpu.memref_slice %arg5[%dma_wait3A_197, %dma_wait3A_198, %dma_wait3A_205] : memref<2x8x100xi32, #tpu.memory_space<vmem>> -> memref<1x1x100xi32, #tpu.memory_space<vmem>>
      %dma_wait3A_207 = tpu.memref_squeeze %dma_wait3A_206 : memref<1x1x100xi32, #tpu.memory_space<vmem>> -> memref<100xi32, #tpu.memory_space<vmem>>
      %dma_wait3A_208 = arith.constant 0 : i32
      %dma_wait3A_209 = arith.constant 0 : i32
      %dma_wait3A_210 = tpu.memref_slice %arg3[%dma_wait3A_208, %dma_wait3A_209] : memref<1000000x32xf32, #tpu.memory_space<hbm>> -> memref<1000000x32xf32, #tpu.memory_space<hbm>>
      tpu.wait_indirect_dma semaphore(%arg8 : memref<!tpu.dma_semaphore, #tpu.memory_space<semaphore_mem>>) src(%dma_wait3A_210 : memref<1000000x32xf32, #tpu.memory_space<hbm>>) dst(%dma_wait3A_204 : memref<100x32xf32, #tpu.memory_space<vmem>>)
      %dma_wait3A_211 = arith.constant 0 : i32
      %dma_wait3A_212 = arith.constant 1 : i32
      %dma_wait3A_213 = arith.constant 0 : i32
      %dma_wait3A_214 = arith.constant 0 : i32
      %dma_wait3A_215 = arith.constant 100 : i32
      %dma_wait3A_216 = arith.constant 0 : i32
      %dma_wait3A_217 = tpu.memref_slice %arg6[%dma_wait3A_213, %dma_wait3A_214, %dma_wait3A_215, %dma_wait3A_216] : memref<2x4x200x32xf32, #tpu.memory_space<vmem>> -> memref<1x1x100x32xf32, #tpu.memory_space<vmem>>
      %dma_wait3A_218 = tpu.memref_squeeze %dma_wait3A_217 : memref<1x1x100x32xf32, #tpu.memory_space<vmem>> -> memref<100x32xf32, #tpu.memory_space<vmem>>
      %dma_wait3A_219 = arith.constant 0 : i32
      %dma_wait3A_220 = tpu.memref_slice %arg5[%dma_wait3A_211, %dma_wait3A_212, %dma_wait3A_219] : memref<2x8x100xi32, #tpu.memory_space<vmem>> -> memref<1x1x100xi32, #tpu.memory_space<vmem>>
      %dma_wait3A_221 = tpu.memref_squeeze %dma_wait3A_220 : memref<1x1x100xi32, #tpu.memory_space<vmem>> -> memref<100xi32, #tpu.memory_space<vmem>>
      %dma_wait3A_222 = arith.constant 0 : i32
      %dma_wait3A_223 = arith.constant 0 : i32
      %dma_wait3A_224 = tpu.memref_slice %arg3[%dma_wait3A_222, %dma_wait3A_223] : memref<1000000x32xf32, #tpu.memory_space<hbm>> -> memref<1000000x32xf32, #tpu.memory_space<hbm>>
      tpu.wait_indirect_dma semaphore(%arg8 : memref<!tpu.dma_semaphore, #tpu.memory_space<semaphore_mem>>) src(%dma_wait3A_224 : memref<1000000x32xf32, #tpu.memory_space<hbm>>) dst(%dma_wait3A_218 : memref<100x32xf32, #tpu.memory_space<vmem>>)
      %dma_wait3A_225 = arith.constant 0 : i32
      %dma_wait3A_226 = arith.constant 2 : i32
      %dma_wait3A_227 = arith.constant 0 : i32
      %dma_wait3A_228 = arith.constant 1 : i32
      %dma_wait3A_229 = arith.constant 0 : i32
      %dma_wait3A_230 = arith.constant 0 : i32
      %dma_wait3A_231 = tpu.memref_slice %arg6[%dma_wait3A_227, %dma_wait3A_228, %dma_wait3A_229, %dma_wait3A_230] : memref<2x4x200x32xf32, #tpu.memory_space<vmem>> -> memref<1x1x100x32xf32, #tpu.memory_space<vmem>>
      %dma_wait3A_232 = tpu.memref_squeeze %dma_wait3A_231 : memref<1x1x100x32xf32, #tpu.memory_space<vmem>> -> memref<100x32xf32, #tpu.memory_space<vmem>>
      %dma_wait3A_233 = arith.constant 0 : i32
      %dma_wait3A_234 = tpu.memref_slice %arg5[%dma_wait3A_225, %dma_wait3A_226, %dma_wait3A_233] : memref<2x8x100xi32, #tpu.memory_space<vmem>> -> memref<1x1x100xi32, #tpu.memory_space<vmem>>
      %dma_wait3A_235 = tpu.memref_squeeze %dma_wait3A_234 : memref<1x1x100xi32, #tpu.memory_space<vmem>> -> memref<100xi32, #tpu.memory_space<vmem>>
      %dma_wait3A_236 = arith.constant 0 : i32
      %dma_wait3A_237 = arith.constant 0 : i32
      %dma_wait3A_238 = tpu.memref_slice %arg3[%dma_wait3A_236, %dma_wait3A_237] : memref<1000000x32xf32, #tpu.memory_space<hbm>> -> memref<1000000x32xf32, #tpu.memory_space<hbm>>
      tpu.wait_indirect_dma semaphore(%arg8 : memref<!tpu.dma_semaphore, #tpu.memory_space<semaphore_mem>>) src(%dma_wait3A_238 : memref<1000000x32xf32, #tpu.memory_space<hbm>>) dst(%dma_wait3A_232 : memref<100x32xf32, #tpu.memory_space<vmem>>)
      %dma_wait3A_239 = arith.constant 0 : i32
      %dma_wait3A_240 = arith.constant 3 : i32
      %dma_wait3A_241 = arith.constant 0 : i32
      %dma_wait3A_242 = arith.constant 1 : i32
      %dma_wait3A_243 = arith.constant 100 : i32
      %dma_wait3A_244 = arith.constant 0 : i32
      %dma_wait3A_245 = tpu.memref_slice %arg6[%dma_wait3A_241, %dma_wait3A_242, %dma_wait3A_243, %dma_wait3A_244] : memref<2x4x200x32xf32, #tpu.memory_space<vmem>> -> memref<1x1x100x32xf32, #tpu.memory_space<vmem>>
      %dma_wait3A_246 = tpu.memref_squeeze %dma_wait3A_245 : memref<1x1x100x32xf32, #tpu.memory_space<vmem>> -> memref<100x32xf32, #tpu.memory_space<vmem>>
      %dma_wait3A_247 = arith.constant 0 : i32
      %dma_wait3A_248 = tpu.memref_slice %arg5[%dma_wait3A_239, %dma_wait3A_240, %dma_wait3A_247] : memref<2x8x100xi32, #tpu.memory_space<vmem>> -> memref<1x1x100xi32, #tpu.memory_space<vmem>>
      %dma_wait3A_249 = tpu.memref_squeeze %dma_wait3A_248 : memref<1x1x100xi32, #tpu.memory_space<vmem>> -> memref<100xi32, #tpu.memory_space<vmem>>
      %dma_wait3A_250 = arith.constant 0 : i32
      %dma_wait3A_251 = arith.constant 0 : i32
      %dma_wait3A_252 = tpu.memref_slice %arg3[%dma_wait3A_250, %dma_wait3A_251] : memref<1000000x32xf32, #tpu.memory_space<hbm>> -> memref<1000000x32xf32, #tpu.memory_space<hbm>>
      tpu.wait_indirect_dma semaphore(%arg8 : memref<!tpu.dma_semaphore, #tpu.memory_space<semaphore_mem>>) src(%dma_wait3A_252 : memref<1000000x32xf32, #tpu.memory_space<hbm>>) dst(%dma_wait3A_246 : memref<100x32xf32, #tpu.memory_space<vmem>>)
      %dma_wait3A_253 = arith.constant 0 : i32
      %dma_wait3A_254 = arith.constant 4 : i32
      %dma_wait3A_255 = arith.constant 0 : i32
      %dma_wait3A_256 = arith.constant 2 : i32
      %dma_wait3A_257 = arith.constant 0 : i32
      %dma_wait3A_258 = arith.constant 0 : i32
      %dma_wait3A_259 = tpu.memref_slice %arg6[%dma_wait3A_255, %dma_wait3A_256, %dma_wait3A_257, %dma_wait3A_258] : memref<2x4x200x32xf32, #tpu.memory_space<vmem>> -> memref<1x1x100x32xf32, #tpu.memory_space<vmem>>
      %dma_wait3A_260 = tpu.memref_squeeze %dma_wait3A_259 : memref<1x1x100x32xf32, #tpu.memory_space<vmem>> -> memref<100x32xf32, #tpu.memory_space<vmem>>
      %dma_wait3A_261 = arith.constant 0 : i32
      %dma_wait3A_262 = tpu.memref_slice %arg5[%dma_wait3A_253, %dma_wait3A_254, %dma_wait3A_261] : memref<2x8x100xi32, #tpu.memory_space<vmem>> -> memref<1x1x100xi32, #tpu.memory_space<vmem>>
      %dma_wait3A_263 = tpu.memref_squeeze %dma_wait3A_262 : memref<1x1x100xi32, #tpu.memory_space<vmem>> -> memref<100xi32, #tpu.memory_space<vmem>>
      %dma_wait3A_264 = arith.constant 0 : i32
      %dma_wait3A_265 = arith.constant 0 : i32
      %dma_wait3A_266 = tpu.memref_slice %arg3[%dma_wait3A_264, %dma_wait3A_265] : memref<1000000x32xf32, #tpu.memory_space<hbm>> -> memref<1000000x32xf32, #tpu.memory_space<hbm>>
      tpu.wait_indirect_dma semaphore(%arg8 : memref<!tpu.dma_semaphore, #tpu.memory_space<semaphore_mem>>) src(%dma_wait3A_266 : memref<1000000x32xf32, #tpu.memory_space<hbm>>) dst(%dma_wait3A_260 : memref<100x32xf32, #tpu.memory_space<vmem>>)
      %dma_wait3A_267 = arith.constant 0 : i32
      %dma_wait3A_268 = arith.constant 5 : i32
      %dma_wait3A_269 = arith.constant 0 : i32
      %dma_wait3A_270 = arith.constant 2 : i32
      %dma_wait3A_271 = arith.constant 100 : i32
      %dma_wait3A_272 = arith.constant 0 : i32
      %dma_wait3A_273 = tpu.memref_slice %arg6[%dma_wait3A_269, %dma_wait3A_270, %dma_wait3A_271, %dma_wait3A_272] : memref<2x4x200x32xf32, #tpu.memory_space<vmem>> -> memref<1x1x100x32xf32, #tpu.memory_space<vmem>>
      %dma_wait3A_274 = tpu.memref_squeeze %dma_wait3A_273 : memref<1x1x100x32xf32, #tpu.memory_space<vmem>> -> memref<100x32xf32, #tpu.memory_space<vmem>>
      %dma_wait3A_275 = arith.constant 0 : i32
      %dma_wait3A_276 = tpu.memref_slice %arg5[%dma_wait3A_267, %dma_wait3A_268, %dma_wait3A_275] : memref<2x8x100xi32, #tpu.memory_space<vmem>> -> memref<1x1x100xi32, #tpu.memory_space<vmem>>
      %dma_wait3A_277 = tpu.memref_squeeze %dma_wait3A_276 : memref<1x1x100xi32, #tpu.memory_space<vmem>> -> memref<100xi32, #tpu.memory_space<vmem>>
      %dma_wait3A_278 = arith.constant 0 : i32
      %dma_wait3A_279 = arith.constant 0 : i32
      %dma_wait3A_280 = tpu.memref_slice %arg3[%dma_wait3A_278, %dma_wait3A_279] : memref<1000000x32xf32, #tpu.memory_space<hbm>> -> memref<1000000x32xf32, #tpu.memory_space<hbm>>
      tpu.wait_indirect_dma semaphore(%arg8 : memref<!tpu.dma_semaphore, #tpu.memory_space<semaphore_mem>>) src(%dma_wait3A_280 : memref<1000000x32xf32, #tpu.memory_space<hbm>>) dst(%dma_wait3A_274 : memref<100x32xf32, #tpu.memory_space<vmem>>)
      %dma_wait3A_281 = arith.constant 0 : i32
      %dma_wait3A_282 = arith.constant 6 : i32
      %dma_wait3A_283 = arith.constant 0 : i32
      %dma_wait3A_284 = arith.constant 3 : i32
      %dma_wait3A_285 = arith.constant 0 : i32
      %dma_wait3A_286 = arith.constant 0 : i32
      %dma_wait3A_287 = tpu.memref_slice %arg6[%dma_wait3A_283, %dma_wait3A_284, %dma_wait3A_285, %dma_wait3A_286] : memref<2x4x200x32xf32, #tpu.memory_space<vmem>> -> memref<1x1x100x32xf32, #tpu.memory_space<vmem>>
      %dma_wait3A_288 = tpu.memref_squeeze %dma_wait3A_287 : memref<1x1x100x32xf32, #tpu.memory_space<vmem>> -> memref<100x32xf32, #tpu.memory_space<vmem>>
      %dma_wait3A_289 = arith.constant 0 : i32
      %dma_wait3A_290 = tpu.memref_slice %arg5[%dma_wait3A_281, %dma_wait3A_282, %dma_wait3A_289] : memref<2x8x100xi32, #tpu.memory_space<vmem>> -> memref<1x1x100xi32, #tpu.memory_space<vmem>>
      %dma_wait3A_291 = tpu.memref_squeeze %dma_wait3A_290 : memref<1x1x100xi32, #tpu.memory_space<vmem>> -> memref<100xi32, #tpu.memory_space<vmem>>
      %dma_wait3A_292 = arith.constant 0 : i32
      %dma_wait3A_293 = arith.constant 0 : i32
      %dma_wait3A_294 = tpu.memref_slice %arg3[%dma_wait3A_292, %dma_wait3A_293] : memref<1000000x32xf32, #tpu.memory_space<hbm>> -> memref<1000000x32xf32, #tpu.memory_space<hbm>>
      tpu.wait_indirect_dma semaphore(%arg8 : memref<!tpu.dma_semaphore, #tpu.memory_space<semaphore_mem>>) src(%dma_wait3A_294 : memref<1000000x32xf32, #tpu.memory_space<hbm>>) dst(%dma_wait3A_288 : memref<100x32xf32, #tpu.memory_space<vmem>>)
      %dma_wait3A_295 = arith.constant 0 : i32
      %dma_wait3A_296 = arith.constant 7 : i32
      %dma_wait3A_297 = arith.constant 0 : i32
      %dma_wait3A_298 = arith.constant 3 : i32
      %dma_wait3A_299 = arith.constant 100 : i32
      %dma_wait3A_300 = arith.constant 0 : i32
      %dma_wait3A_301 = tpu.memref_slice %arg6[%dma_wait3A_297, %dma_wait3A_298, %dma_wait3A_299, %dma_wait3A_300] : memref<2x4x200x32xf32, #tpu.memory_space<vmem>> -> memref<1x1x100x32xf32, #tpu.memory_space<vmem>>
      %dma_wait3A_302 = tpu.memref_squeeze %dma_wait3A_301 : memref<1x1x100x32xf32, #tpu.memory_space<vmem>> -> memref<100x32xf32, #tpu.memory_space<vmem>>
      %dma_wait3A_303 = arith.constant 0 : i32
      %dma_wait3A_304 = tpu.memref_slice %arg5[%dma_wait3A_295, %dma_wait3A_296, %dma_wait3A_303] : memref<2x8x100xi32, #tpu.memory_space<vmem>> -> memref<1x1x100xi32, #tpu.memory_space<vmem>>
      %dma_wait3A_305 = tpu.memref_squeeze %dma_wait3A_304 : memref<1x1x100xi32, #tpu.memory_space<vmem>> -> memref<100xi32, #tpu.memory_space<vmem>>
      %dma_wait3A_306 = arith.constant 0 : i32
      %dma_wait3A_307 = arith.constant 0 : i32
      %dma_wait3A_308 = tpu.memref_slice %arg3[%dma_wait3A_306, %dma_wait3A_307] : memref<1000000x32xf32, #tpu.memory_space<hbm>> -> memref<1000000x32xf32, #tpu.memory_space<hbm>>
      tpu.wait_indirect_dma semaphore(%arg8 : memref<!tpu.dma_semaphore, #tpu.memory_space<semaphore_mem>>) src(%dma_wait3A_308 : memref<1000000x32xf32, #tpu.memory_space<hbm>>) dst(%dma_wait3A_302 : memref<100x32xf32, #tpu.memory_space<vmem>>)
      %lt3A_309 = arith.constant 31 : i32
      %lt3A_310 = arith.cmpi slt, %add3A_191, %lt3A_309 : i32
      %convert_element_type3A_311 = arith.extui %lt3A_310 : i1 to i32
      %cond3A_312 = arith.constant 0 : i32
      %cond3A_313 = arith.cmpi ne, %convert_element_type3A_311, %cond3A_312 : i32
      scf.if %cond3A_313 {
        %add3A_483 = arith.constant 1 : i32
        %add3A_484 = arith.addi %add3A_194, %add3A_483 : i32
        %dma_wait3A_485 = arith.constant 1 : i32
        %dma_wait3A_486 = arith.constant 0 : i32
        %dma_wait3A_487 = arith.constant 0 : i32
        %dma_wait3A_488 = tpu.memref_slice %arg5[%dma_wait3A_485, %dma_wait3A_486, %dma_wait3A_487] : memref<2x8x100xi32, #tpu.memory_space<vmem>> -> memref<1x8x100xi32, #tpu.memory_space<vmem>>
        %dma_wait3A_489 = tpu.memref_squeeze %dma_wait3A_488 : memref<1x8x100xi32, #tpu.memory_space<vmem>> -> memref<8x100xi32, #tpu.memory_space<vmem>>
        %dma_wait3A_490 = arith.constant 0 : i32
        %dma_wait3A_491 = arith.constant 0 : i32
        %dma_wait3A_492 = tpu.memref_slice %arg2[%add3A_484, %dma_wait3A_490, %dma_wait3A_491] : memref<1024x8x100xi32, #tpu.memory_space<hbm>> -> memref<1x8x100xi32, #tpu.memory_space<hbm>>
        %dma_wait3A_493 = tpu.memref_squeeze %dma_wait3A_492 : memref<1x8x100xi32, #tpu.memory_space<hbm>> -> memref<8x100xi32, #tpu.memory_space<hbm>>
        %dma_wait3A_494 = arith.constant 0 : i32
        %dma_wait3A_495 = arith.constant 0 : i32
        %dma_wait3A_496 = tpu.memref_slice %arg5[%dma_wait3A_485, %dma_wait3A_494, %dma_wait3A_495] : memref<2x8x100xi32, #tpu.memory_space<vmem>> -> memref<1x8x100xi32, #tpu.memory_space<vmem>>
        %dma_wait3A_497 = tpu.memref_squeeze %dma_wait3A_496 : memref<1x8x100xi32, #tpu.memory_space<vmem>> -> memref<8x100xi32, #tpu.memory_space<vmem>>
        %dma_wait3A_498 = arith.constant 0 : i32
        %dma_wait3A_499 = arith.constant 0 : i32
        %dma_wait3A_500 = tpu.memref_slice %arg2[%add3A_484, %dma_wait3A_498, %dma_wait3A_499] : memref<1024x8x100xi32, #tpu.memory_space<hbm>> -> memref<1x8x100xi32, #tpu.memory_space<hbm>>
        %dma_wait3A_501 = tpu.memref_squeeze %dma_wait3A_500 : memref<1x8x100xi32, #tpu.memory_space<hbm>> -> memref<8x100xi32, #tpu.memory_space<hbm>>
        tpu.wait_dma2 semaphore(%arg13 : memref<!tpu.dma_semaphore, #tpu.memory_space<semaphore_mem>>) src(%dma_wait3A_501 : memref<8x100xi32, #tpu.memory_space<hbm>>) dst(%dma_wait3A_497 : memref<8x100xi32, #tpu.memory_space<vmem>>)
        %dma_start3A_502 = arith.constant 1 : i32
        %dma_start3A_503 = arith.constant 0 : i32
        %dma_start3A_504 = arith.constant 1 : i32
        %dma_start3A_505 = arith.constant 0 : i32
        %dma_start3A_506 = arith.constant 0 : i32
        %dma_start3A_507 = arith.constant 0 : i32
        %dma_start3A_508 = tpu.memref_slice %arg6[%dma_start3A_504, %dma_start3A_505, %dma_start3A_506, %dma_start3A_507] : memref<2x4x200x32xf32, #tpu.memory_space<vmem>> -> memref<1x1x100x32xf32, #tpu.memory_space<vmem>>
        %dma_start3A_509 = tpu.memref_squeeze %dma_start3A_508 : memref<1x1x100x32xf32, #tpu.memory_space<vmem>> -> memref<100x32xf32, #tpu.memory_space<vmem>>
        %dma_start3A_510 = arith.constant 0 : i32
        %dma_start3A_511 = tpu.memref_slice %arg5[%dma_start3A_502, %dma_start3A_503, %dma_start3A_510] : memref<2x8x100xi32, #tpu.memory_space<vmem>> -> memref<1x1x100xi32, #tpu.memory_space<vmem>>
        %dma_start3A_512 = tpu.memref_squeeze %dma_start3A_511 : memref<1x1x100xi32, #tpu.memory_space<vmem>> -> memref<100xi32, #tpu.memory_space<vmem>>
        %dma_start3A_513 = arith.constant 0 : i32
        %dma_start3A_514 = arith.constant 0 : i32
        %dma_start3A_515 = tpu.memref_slice %arg3[%dma_start3A_513, %dma_start3A_514] : memref<1000000x32xf32, #tpu.memory_space<hbm>> -> memref<1000000x32xf32, #tpu.memory_space<hbm>>
        tpu.enqueue_indirect_dma source(%dma_start3A_515 : memref<1000000x32xf32, #tpu.memory_space<hbm>>) target(%dma_start3A_509 : memref<100x32xf32, #tpu.memory_space<vmem>>) offsets(%dma_start3A_512 : memref<100xi32, #tpu.memory_space<vmem>>) semaphore(%arg9 : memref<!tpu.dma_semaphore, #tpu.memory_space<semaphore_mem>>)
        %dma_start3A_516 = arith.constant 1 : i32
        %dma_start3A_517 = arith.constant 1 : i32
        %dma_start3A_518 = arith.constant 1 : i32
        %dma_start3A_519 = arith.constant 0 : i32
        %dma_start3A_520 = arith.constant 100 : i32
        %dma_start3A_521 = arith.constant 0 : i32
        %dma_start3A_522 = tpu.memref_slice %arg6[%dma_start3A_518, %dma_start3A_519, %dma_start3A_520, %dma_start3A_521] : memref<2x4x200x32xf32, #tpu.memory_space<vmem>> -> memref<1x1x100x32xf32, #tpu.memory_space<vmem>>
        %dma_start3A_523 = tpu.memref_squeeze %dma_start3A_522 : memref<1x1x100x32xf32, #tpu.memory_space<vmem>> -> memref<100x32xf32, #tpu.memory_space<vmem>>
        %dma_start3A_524 = arith.constant 0 : i32
        %dma_start3A_525 = tpu.memref_slice %arg5[%dma_start3A_516, %dma_start3A_517, %dma_start3A_524] : memref<2x8x100xi32, #tpu.memory_space<vmem>> -> memref<1x1x100xi32, #tpu.memory_space<vmem>>
        %dma_start3A_526 = tpu.memref_squeeze %dma_start3A_525 : memref<1x1x100xi32, #tpu.memory_space<vmem>> -> memref<100xi32, #tpu.memory_space<vmem>>
        %dma_start3A_527 = arith.constant 0 : i32
        %dma_start3A_528 = arith.constant 0 : i32
        %dma_start3A_529 = tpu.memref_slice %arg3[%dma_start3A_527, %dma_start3A_528] : memref<1000000x32xf32, #tpu.memory_space<hbm>> -> memref<1000000x32xf32, #tpu.memory_space<hbm>>
        tpu.enqueue_indirect_dma source(%dma_start3A_529 : memref<1000000x32xf32, #tpu.memory_space<hbm>>) target(%dma_start3A_523 : memref<100x32xf32, #tpu.memory_space<vmem>>) offsets(%dma_start3A_526 : memref<100xi32, #tpu.memory_space<vmem>>) semaphore(%arg9 : memref<!tpu.dma_semaphore, #tpu.memory_space<semaphore_mem>>)
        %dma_start3A_530 = arith.constant 1 : i32
        %dma_start3A_531 = arith.constant 2 : i32
        %dma_start3A_532 = arith.constant 1 : i32
        %dma_start3A_533 = arith.constant 1 : i32
        %dma_start3A_534 = arith.constant 0 : i32
        %dma_start3A_535 = arith.constant 0 : i32
        %dma_start3A_536 = tpu.memref_slice %arg6[%dma_start3A_532, %dma_start3A_533, %dma_start3A_534, %dma_start3A_535] : memref<2x4x200x32xf32, #tpu.memory_space<vmem>> -> memref<1x1x100x32xf32, #tpu.memory_space<vmem>>
        %dma_start3A_537 = tpu.memref_squeeze %dma_start3A_536 : memref<1x1x100x32xf32, #tpu.memory_space<vmem>> -> memref<100x32xf32, #tpu.memory_space<vmem>>
        %dma_start3A_538 = arith.constant 0 : i32
        %dma_start3A_539 = tpu.memref_slice %arg5[%dma_start3A_530, %dma_start3A_531, %dma_start3A_538] : memref<2x8x100xi32, #tpu.memory_space<vmem>> -> memref<1x1x100xi32, #tpu.memory_space<vmem>>
        %dma_start3A_540 = tpu.memref_squeeze %dma_start3A_539 : memref<1x1x100xi32, #tpu.memory_space<vmem>> -> memref<100xi32, #tpu.memory_space<vmem>>
        %dma_start3A_541 = arith.constant 0 : i32
        %dma_start3A_542 = arith.constant 0 : i32
        %dma_start3A_543 = tpu.memref_slice %arg3[%dma_start3A_541, %dma_start3A_542] : memref<1000000x32xf32, #tpu.memory_space<hbm>> -> memref<1000000x32xf32, #tpu.memory_space<hbm>>
        tpu.enqueue_indirect_dma source(%dma_start3A_543 : memref<1000000x32xf32, #tpu.memory_space<hbm>>) target(%dma_start3A_537 : memref<100x32xf32, #tpu.memory_space<vmem>>) offsets(%dma_start3A_540 : memref<100xi32, #tpu.memory_space<vmem>>) semaphore(%arg9 : memref<!tpu.dma_semaphore, #tpu.memory_space<semaphore_mem>>)
        %dma_start3A_544 = arith.constant 1 : i32
        %dma_start3A_545 = arith.constant 3 : i32
        %dma_start3A_546 = arith.constant 1 : i32
        %dma_start3A_547 = arith.constant 1 : i32
        %dma_start3A_548 = arith.constant 100 : i32
        %dma_start3A_549 = arith.constant 0 : i32
        %dma_start3A_550 = tpu.memref_slice %arg6[%dma_start3A_546, %dma_start3A_547, %dma_start3A_548, %dma_start3A_549] : memref<2x4x200x32xf32, #tpu.memory_space<vmem>> -> memref<1x1x100x32xf32, #tpu.memory_space<vmem>>
        %dma_start3A_551 = tpu.memref_squeeze %dma_start3A_550 : memref<1x1x100x32xf32, #tpu.memory_space<vmem>> -> memref<100x32xf32, #tpu.memory_space<vmem>>
        %dma_start3A_552 = arith.constant 0 : i32
        %dma_start3A_553 = tpu.memref_slice %arg5[%dma_start3A_544, %dma_start3A_545, %dma_start3A_552] : memref<2x8x100xi32, #tpu.memory_space<vmem>> -> memref<1x1x100xi32, #tpu.memory_space<vmem>>
        %dma_start3A_554 = tpu.memref_squeeze %dma_start3A_553 : memref<1x1x100xi32, #tpu.memory_space<vmem>> -> memref<100xi32, #tpu.memory_space<vmem>>
        %dma_start3A_555 = arith.constant 0 : i32
        %dma_start3A_556 = arith.constant 0 : i32
        %dma_start3A_557 = tpu.memref_slice %arg3[%dma_start3A_555, %dma_start3A_556] : memref<1000000x32xf32, #tpu.memory_space<hbm>> -> memref<1000000x32xf32, #tpu.memory_space<hbm>>
        tpu.enqueue_indirect_dma source(%dma_start3A_557 : memref<1000000x32xf32, #tpu.memory_space<hbm>>) target(%dma_start3A_551 : memref<100x32xf32, #tpu.memory_space<vmem>>) offsets(%dma_start3A_554 : memref<100xi32, #tpu.memory_space<vmem>>) semaphore(%arg9 : memref<!tpu.dma_semaphore, #tpu.memory_space<semaphore_mem>>)
        %dma_start3A_558 = arith.constant 1 : i32
        %dma_start3A_559 = arith.constant 4 : i32
        %dma_start3A_560 = arith.constant 1 : i32
        %dma_start3A_561 = arith.constant 2 : i32
        %dma_start3A_562 = arith.constant 0 : i32
        %dma_start3A_563 = arith.constant 0 : i32
        %dma_start3A_564 = tpu.memref_slice %arg6[%dma_start3A_560, %dma_start3A_561, %dma_start3A_562, %dma_start3A_563] : memref<2x4x200x32xf32, #tpu.memory_space<vmem>> -> memref<1x1x100x32xf32, #tpu.memory_space<vmem>>
        %dma_start3A_565 = tpu.memref_squeeze %dma_start3A_564 : memref<1x1x100x32xf32, #tpu.memory_space<vmem>> -> memref<100x32xf32, #tpu.memory_space<vmem>>
        %dma_start3A_566 = arith.constant 0 : i32
        %dma_start3A_567 = tpu.memref_slice %arg5[%dma_start3A_558, %dma_start3A_559, %dma_start3A_566] : memref<2x8x100xi32, #tpu.memory_space<vmem>> -> memref<1x1x100xi32, #tpu.memory_space<vmem>>
        %dma_start3A_568 = tpu.memref_squeeze %dma_start3A_567 : memref<1x1x100xi32, #tpu.memory_space<vmem>> -> memref<100xi32, #tpu.memory_space<vmem>>
        %dma_start3A_569 = arith.constant 0 : i32
        %dma_start3A_570 = arith.constant 0 : i32
        %dma_start3A_571 = tpu.memref_slice %arg3[%dma_start3A_569, %dma_start3A_570] : memref<1000000x32xf32, #tpu.memory_space<hbm>> -> memref<1000000x32xf32, #tpu.memory_space<hbm>>
        tpu.enqueue_indirect_dma source(%dma_start3A_571 : memref<1000000x32xf32, #tpu.memory_space<hbm>>) target(%dma_start3A_565 : memref<100x32xf32, #tpu.memory_space<vmem>>) offsets(%dma_start3A_568 : memref<100xi32, #tpu.memory_space<vmem>>) semaphore(%arg9 : memref<!tpu.dma_semaphore, #tpu.memory_space<semaphore_mem>>)
        %dma_start3A_572 = arith.constant 1 : i32
        %dma_start3A_573 = arith.constant 5 : i32
        %dma_start3A_574 = arith.constant 1 : i32
        %dma_start3A_575 = arith.constant 2 : i32
        %dma_start3A_576 = arith.constant 100 : i32
        %dma_start3A_577 = arith.constant 0 : i32
        %dma_start3A_578 = tpu.memref_slice %arg6[%dma_start3A_574, %dma_start3A_575, %dma_start3A_576, %dma_start3A_577] : memref<2x4x200x32xf32, #tpu.memory_space<vmem>> -> memref<1x1x100x32xf32, #tpu.memory_space<vmem>>
        %dma_start3A_579 = tpu.memref_squeeze %dma_start3A_578 : memref<1x1x100x32xf32, #tpu.memory_space<vmem>> -> memref<100x32xf32, #tpu.memory_space<vmem>>
        %dma_start3A_580 = arith.constant 0 : i32
        %dma_start3A_581 = tpu.memref_slice %arg5[%dma_start3A_572, %dma_start3A_573, %dma_start3A_580] : memref<2x8x100xi32, #tpu.memory_space<vmem>> -> memref<1x1x100xi32, #tpu.memory_space<vmem>>
        %dma_start3A_582 = tpu.memref_squeeze %dma_start3A_581 : memref<1x1x100xi32, #tpu.memory_space<vmem>> -> memref<100xi32, #tpu.memory_space<vmem>>
        %dma_start3A_583 = arith.constant 0 : i32
        %dma_start3A_584 = arith.constant 0 : i32
        %dma_start3A_585 = tpu.memref_slice %arg3[%dma_start3A_583, %dma_start3A_584] : memref<1000000x32xf32, #tpu.memory_space<hbm>> -> memref<1000000x32xf32, #tpu.memory_space<hbm>>
        tpu.enqueue_indirect_dma source(%dma_start3A_585 : memref<1000000x32xf32, #tpu.memory_space<hbm>>) target(%dma_start3A_579 : memref<100x32xf32, #tpu.memory_space<vmem>>) offsets(%dma_start3A_582 : memref<100xi32, #tpu.memory_space<vmem>>) semaphore(%arg9 : memref<!tpu.dma_semaphore, #tpu.memory_space<semaphore_mem>>)
        %dma_start3A_586 = arith.constant 1 : i32
        %dma_start3A_587 = arith.constant 6 : i32
        %dma_start3A_588 = arith.constant 1 : i32
        %dma_start3A_589 = arith.constant 3 : i32
        %dma_start3A_590 = arith.constant 0 : i32
        %dma_start3A_591 = arith.constant 0 : i32
        %dma_start3A_592 = tpu.memref_slice %arg6[%dma_start3A_588, %dma_start3A_589, %dma_start3A_590, %dma_start3A_591] : memref<2x4x200x32xf32, #tpu.memory_space<vmem>> -> memref<1x1x100x32xf32, #tpu.memory_space<vmem>>
        %dma_start3A_593 = tpu.memref_squeeze %dma_start3A_592 : memref<1x1x100x32xf32, #tpu.memory_space<vmem>> -> memref<100x32xf32, #tpu.memory_space<vmem>>
        %dma_start3A_594 = arith.constant 0 : i32
        %dma_start3A_595 = tpu.memref_slice %arg5[%dma_start3A_586, %dma_start3A_587, %dma_start3A_594] : memref<2x8x100xi32, #tpu.memory_space<vmem>> -> memref<1x1x100xi32, #tpu.memory_space<vmem>>
        %dma_start3A_596 = tpu.memref_squeeze %dma_start3A_595 : memref<1x1x100xi32, #tpu.memory_space<vmem>> -> memref<100xi32, #tpu.memory_space<vmem>>
        %dma_start3A_597 = arith.constant 0 : i32
        %dma_start3A_598 = arith.constant 0 : i32
        %dma_start3A_599 = tpu.memref_slice %arg3[%dma_start3A_597, %dma_start3A_598] : memref<1000000x32xf32, #tpu.memory_space<hbm>> -> memref<1000000x32xf32, #tpu.memory_space<hbm>>
        tpu.enqueue_indirect_dma source(%dma_start3A_599 : memref<1000000x32xf32, #tpu.memory_space<hbm>>) target(%dma_start3A_593 : memref<100x32xf32, #tpu.memory_space<vmem>>) offsets(%dma_start3A_596 : memref<100xi32, #tpu.memory_space<vmem>>) semaphore(%arg9 : memref<!tpu.dma_semaphore, #tpu.memory_space<semaphore_mem>>)
        %dma_start3A_600 = arith.constant 1 : i32
        %dma_start3A_601 = arith.constant 7 : i32
        %dma_start3A_602 = arith.constant 1 : i32
        %dma_start3A_603 = arith.constant 3 : i32
        %dma_start3A_604 = arith.constant 100 : i32
        %dma_start3A_605 = arith.constant 0 : i32
        %dma_start3A_606 = tpu.memref_slice %arg6[%dma_start3A_602, %dma_start3A_603, %dma_start3A_604, %dma_start3A_605] : memref<2x4x200x32xf32, #tpu.memory_space<vmem>> -> memref<1x1x100x32xf32, #tpu.memory_space<vmem>>
        %dma_start3A_607 = tpu.memref_squeeze %dma_start3A_606 : memref<1x1x100x32xf32, #tpu.memory_space<vmem>> -> memref<100x32xf32, #tpu.memory_space<vmem>>
        %dma_start3A_608 = arith.constant 0 : i32
        %dma_start3A_609 = tpu.memref_slice %arg5[%dma_start3A_600, %dma_start3A_601, %dma_start3A_608] : memref<2x8x100xi32, #tpu.memory_space<vmem>> -> memref<1x1x100xi32, #tpu.memory_space<vmem>>
        %dma_start3A_610 = tpu.memref_squeeze %dma_start3A_609 : memref<1x1x100xi32, #tpu.memory_space<vmem>> -> memref<100xi32, #tpu.memory_space<vmem>>
        %dma_start3A_611 = arith.constant 0 : i32
        %dma_start3A_612 = arith.constant 0 : i32
        %dma_start3A_613 = tpu.memref_slice %arg3[%dma_start3A_611, %dma_start3A_612] : memref<1000000x32xf32, #tpu.memory_space<hbm>> -> memref<1000000x32xf32, #tpu.memory_space<hbm>>
        tpu.enqueue_indirect_dma source(%dma_start3A_613 : memref<1000000x32xf32, #tpu.memory_space<hbm>>) target(%dma_start3A_607 : memref<100x32xf32, #tpu.memory_space<vmem>>) offsets(%dma_start3A_610 : memref<100xi32, #tpu.memory_space<vmem>>) semaphore(%arg9 : memref<!tpu.dma_semaphore, #tpu.memory_space<semaphore_mem>>)
      } else {
      }
      %ge3A = arith.constant 2 : i32
      %ge3A_314 = arith.cmpi sge, %add3A_191, %ge3A : i32
      %convert_element_type3A_315 = arith.extui %ge3A_314 : i1 to i32
      %cond3A_316 = arith.constant 0 : i32
      %cond3A_317 = arith.cmpi ne, %convert_element_type3A_315, %cond3A_316 : i32
      scf.if %cond3A_317 {
        %sub3A_483 = arith.constant 2 : i32
        %sub3A_484 = arith.subi %add3A_194, %sub3A_483 : i32
        %mul3A_485 = arith.constant 25600 : i32
        %mul3A_486 = arith.muli %sub3A_484, %mul3A_485 : i32
        %dma_wait3A_487 = arith.constant 0 : i32
        %dma_wait3A_488 = arith.constant 0 : i32
        %dma_wait3A_489 = tpu.memref_slice %arg7[%dma_wait3A_487, %dma_wait3A_488] : memref<2x25600xf32, #tpu.memory_space<vmem>> -> memref<1x25600xf32, #tpu.memory_space<vmem>>
        %dma_wait3A_490 = tpu.memref_squeeze %dma_wait3A_489 : memref<1x25600xf32, #tpu.memory_space<vmem>> -> memref<25600xf32, #tpu.memory_space<vmem>>
        %dma_wait3A_491 = tpu.memref_slice %arg4[%mul3A_486] : memref<26214400xf32, #tpu.memory_space<hbm>> -> memref<25600xf32, #tpu.memory_space<hbm>>
        %dma_wait3A_492 = tpu.memref_slice %arg4[%mul3A_486] : memref<26214400xf32, #tpu.memory_space<hbm>> -> memref<25600xf32, #tpu.memory_space<hbm>>
        %dma_wait3A_493 = arith.constant 0 : i32
        %dma_wait3A_494 = tpu.memref_slice %arg7[%dma_wait3A_487, %dma_wait3A_493] : memref<2x25600xf32, #tpu.memory_space<vmem>> -> memref<1x25600xf32, #tpu.memory_space<vmem>>
        %dma_wait3A_495 = tpu.memref_squeeze %dma_wait3A_494 : memref<1x25600xf32, #tpu.memory_space<vmem>> -> memref<25600xf32, #tpu.memory_space<vmem>>
        tpu.wait_dma2 semaphore(%arg10 : memref<!tpu.dma_semaphore, #tpu.memory_space<semaphore_mem>>) src(%dma_wait3A_495 : memref<25600xf32, #tpu.memory_space<vmem>>) dst(%dma_wait3A_492 : memref<25600xf32, #tpu.memory_space<hbm>>)
      } else {
      }
      %parallel_loop3A = arith.constant 0 : i32
      %parallel_loop3A_318 = arith.constant 200 : i32
      %parallel_loop3A_319 = arith.constant 1 : i32
      %parallel_loop3A_320 = arith.constant 0 : i32
      %parallel_loop3A_321 = scf.for %parallel_loop3A_483 = %parallel_loop3A to %parallel_loop3A_318 step %parallel_loop3A_319 iter_args(%parallel_loop3A_484 = %parallel_loop3A_320) -> (i32)  : i32 {
        %parallel_loop3A_485 = arith.constant 0 : i32
        %parallel_loop3A_486 = arith.addi %parallel_loop3A_485, %parallel_loop3A_483 : i32
        %parallel_loop3A_487 = arith.constant 0 : i32
        %parallel_loop3A_488 = arith.constant 0 : i32
        %parallel_loop3A_489 = arith.index_cast %parallel_loop3A_487 : i32 to index
        %parallel_loop3A_490 = arith.index_cast %parallel_loop3A_488 : i32 to index
        %parallel_loop3A_491 = arith.index_cast %parallel_loop3A_483 : i32 to index
        %parallel_loop3A_492 = arith.constant 0 : index
        %parallel_loop3A_493 = tpu.vector_load %arg6[%parallel_loop3A_489, %parallel_loop3A_490, %parallel_loop3A_491, %parallel_loop3A_492] {strides = array<i32>} : memref<2x4x200x32xf32, #tpu.memory_space<vmem>>, vector<16xf32>,
        %parallel_loop3A_494 = arith.constant 0 : i32
        %parallel_loop3A_495 = arith.constant 0 : i32
        %parallel_loop3A_496 = arith.index_cast %parallel_loop3A_494 : i32 to index
        %parallel_loop3A_497 = arith.index_cast %parallel_loop3A_495 : i32 to index
        %parallel_loop3A_498 = arith.index_cast %parallel_loop3A_483 : i32 to index
        %parallel_loop3A_499 = arith.constant 16 : index
        %parallel_loop3A_500 = tpu.vector_load %arg6[%parallel_loop3A_496, %parallel_loop3A_497, %parallel_loop3A_498, %parallel_loop3A_499] {strides = array<i32>} : memref<2x4x200x32xf32, #tpu.memory_space<vmem>>, vector<16xf32>,
        %parallel_loop3A_501 = arith.constant 200 : i32
        %parallel_loop3A_502 = vector.broadcast %parallel_loop3A_501 : i32 to vector<16xi32>
        %parallel_loop3A_503 = arith.muli %iota3A, %parallel_loop3A_502 : vector<16xi32>
        %parallel_loop3A_504 = vector.broadcast %parallel_loop3A_486 : i32 to vector<16xi32>
        %parallel_loop3A_505 = arith.addi %parallel_loop3A_504, %parallel_loop3A_503 : vector<16xi32>
        %parallel_loop3A_506 = arith.constant 0 : i32
        %parallel_loop3A_507 = arith.constant 0 : i32
        %parallel_loop3A_508 = tpu.memref_slice %arg7[%parallel_loop3A_506, %parallel_loop3A_507] : memref<2x25600xf32, #tpu.memory_space<vmem>> -> memref<1x25600xf32, #tpu.memory_space<vmem>>
        %parallel_loop3A_509 = tpu.memref_squeeze %parallel_loop3A_508 : memref<1x25600xf32, #tpu.memory_space<vmem>> -> memref<25600xf32, #tpu.memory_space<vmem>>
        tpu.vector_store_idx %parallel_loop3A_509[%parallel_loop3A_505], %parallel_loop3A_493 : memref<25600xf32, #tpu.memory_space<vmem>>[vector<16xi32>], vector<16xf32>,
        %parallel_loop3A_510 = arith.constant 16 : i32
        %parallel_loop3A_511 = vector.broadcast %parallel_loop3A_510 : i32 to vector<16xi32>
        %parallel_loop3A_512 = arith.addi %iota3A, %parallel_loop3A_511 : vector<16xi32>
        %parallel_loop3A_513 = arith.constant 200 : i32
        %parallel_loop3A_514 = vector.broadcast %parallel_loop3A_513 : i32 to vector<16xi32>
        %parallel_loop3A_515 = arith.muli %parallel_loop3A_512, %parallel_loop3A_514 : vector<16xi32>
        %parallel_loop3A_516 = vector.broadcast %parallel_loop3A_486 : i32 to vector<16xi32>
        %parallel_loop3A_517 = arith.addi %parallel_loop3A_516, %parallel_loop3A_515 : vector<16xi32>
        %parallel_loop3A_518 = arith.constant 0 : i32
        %parallel_loop3A_519 = arith.constant 0 : i32
        %parallel_loop3A_520 = tpu.memref_slice %arg7[%parallel_loop3A_518, %parallel_loop3A_519] : memref<2x25600xf32, #tpu.memory_space<vmem>> -> memref<1x25600xf32, #tpu.memory_space<vmem>>
        %parallel_loop3A_521 = tpu.memref_squeeze %parallel_loop3A_520 : memref<1x25600xf32, #tpu.memory_space<vmem>> -> memref<25600xf32, #tpu.memory_space<vmem>>
        tpu.vector_store_idx %parallel_loop3A_521[%parallel_loop3A_517], %parallel_loop3A_500 : memref<25600xf32, #tpu.memory_space<vmem>>[vector<16xi32>], vector<16xf32>,
        %parallel_loop3A_522 = arith.constant 6400 : i32
        %parallel_loop3A_523 = arith.addi %parallel_loop3A_522, %parallel_loop3A_483 : i32
        %parallel_loop3A_524 = arith.constant 0 : i32
        %parallel_loop3A_525 = arith.constant 1 : i32
        %parallel_loop3A_526 = arith.index_cast %parallel_loop3A_524 : i32 to index
        %parallel_loop3A_527 = arith.index_cast %parallel_loop3A_525 : i32 to index
        %parallel_loop3A_528 = arith.index_cast %parallel_loop3A_483 : i32 to index
        %parallel_loop3A_529 = arith.constant 0 : index
        %parallel_loop3A_530 = tpu.vector_load %arg6[%parallel_loop3A_526, %parallel_loop3A_527, %parallel_loop3A_528, %parallel_loop3A_529] {strides = array<i32>} : memref<2x4x200x32xf32, #tpu.memory_space<vmem>>, vector<16xf32>,
        %parallel_loop3A_531 = arith.constant 0 : i32
        %parallel_loop3A_532 = arith.constant 1 : i32
        %parallel_loop3A_533 = arith.index_cast %parallel_loop3A_531 : i32 to index
        %parallel_loop3A_534 = arith.index_cast %parallel_loop3A_532 : i32 to index
        %parallel_loop3A_535 = arith.index_cast %parallel_loop3A_483 : i32 to index
        %parallel_loop3A_536 = arith.constant 16 : index
        %parallel_loop3A_537 = tpu.vector_load %arg6[%parallel_loop3A_533, %parallel_loop3A_534, %parallel_loop3A_535, %parallel_loop3A_536] {strides = array<i32>} : memref<2x4x200x32xf32, #tpu.memory_space<vmem>>, vector<16xf32>,
        %parallel_loop3A_538 = arith.constant 200 : i32
        %parallel_loop3A_539 = vector.broadcast %parallel_loop3A_538 : i32 to vector<16xi32>
        %parallel_loop3A_540 = arith.muli %iota3A, %parallel_loop3A_539 : vector<16xi32>
        %parallel_loop3A_541 = vector.broadcast %parallel_loop3A_523 : i32 to vector<16xi32>
        %parallel_loop3A_542 = arith.addi %parallel_loop3A_541, %parallel_loop3A_540 : vector<16xi32>
        %parallel_loop3A_543 = arith.constant 0 : i32
        %parallel_loop3A_544 = arith.constant 0 : i32
        %parallel_loop3A_545 = tpu.memref_slice %arg7[%parallel_loop3A_543, %parallel_loop3A_544] : memref<2x25600xf32, #tpu.memory_space<vmem>> -> memref<1x25600xf32, #tpu.memory_space<vmem>>
        %parallel_loop3A_546 = tpu.memref_squeeze %parallel_loop3A_545 : memref<1x25600xf32, #tpu.memory_space<vmem>> -> memref<25600xf32, #tpu.memory_space<vmem>>
        tpu.vector_store_idx %parallel_loop3A_546[%parallel_loop3A_542], %parallel_loop3A_530 : memref<25600xf32, #tpu.memory_space<vmem>>[vector<16xi32>], vector<16xf32>,
        %parallel_loop3A_547 = arith.constant 16 : i32
        %parallel_loop3A_548 = vector.broadcast %parallel_loop3A_547 : i32 to vector<16xi32>
        %parallel_loop3A_549 = arith.addi %iota3A, %parallel_loop3A_548 : vector<16xi32>
        %parallel_loop3A_550 = arith.constant 200 : i32
        %parallel_loop3A_551 = vector.broadcast %parallel_loop3A_550 : i32 to vector<16xi32>
        %parallel_loop3A_552 = arith.muli %parallel_loop3A_549, %parallel_loop3A_551 : vector<16xi32>
        %parallel_loop3A_553 = vector.broadcast %parallel_loop3A_523 : i32 to vector<16xi32>
        %parallel_loop3A_554 = arith.addi %parallel_loop3A_553, %parallel_loop3A_552 : vector<16xi32>
        %parallel_loop3A_555 = arith.constant 0 : i32
        %parallel_loop3A_556 = arith.constant 0 : i32
        %parallel_loop3A_557 = tpu.memref_slice %arg7[%parallel_loop3A_555, %parallel_loop3A_556] : memref<2x25600xf32, #tpu.memory_space<vmem>> -> memref<1x25600xf32, #tpu.memory_space<vmem>>
        %parallel_loop3A_558 = tpu.memref_squeeze %parallel_loop3A_557 : memref<1x25600xf32, #tpu.memory_space<vmem>> -> memref<25600xf32, #tpu.memory_space<vmem>>
        tpu.vector_store_idx %parallel_loop3A_558[%parallel_loop3A_554], %parallel_loop3A_537 : memref<25600xf32, #tpu.memory_space<vmem>>[vector<16xi32>], vector<16xf32>,
        %parallel_loop3A_559 = arith.constant 12800 : i32
        %parallel_loop3A_560 = arith.addi %parallel_loop3A_559, %parallel_loop3A_483 : i32
        %parallel_loop3A_561 = arith.constant 0 : i32
        %parallel_loop3A_562 = arith.constant 2 : i32
        %parallel_loop3A_563 = arith.index_cast %parallel_loop3A_561 : i32 to index
        %parallel_loop3A_564 = arith.index_cast %parallel_loop3A_562 : i32 to index
        %parallel_loop3A_565 = arith.index_cast %parallel_loop3A_483 : i32 to index
        %parallel_loop3A_566 = arith.constant 0 : index
        %parallel_loop3A_567 = tpu.vector_load %arg6[%parallel_loop3A_563, %parallel_loop3A_564, %parallel_loop3A_565, %parallel_loop3A_566] {strides = array<i32>} : memref<2x4x200x32xf32, #tpu.memory_space<vmem>>, vector<16xf32>,
        %parallel_loop3A_568 = arith.constant 0 : i32
        %parallel_loop3A_569 = arith.constant 2 : i32
        %parallel_loop3A_570 = arith.index_cast %parallel_loop3A_568 : i32 to index
        %parallel_loop3A_571 = arith.index_cast %parallel_loop3A_569 : i32 to index
        %parallel_loop3A_572 = arith.index_cast %parallel_loop3A_483 : i32 to index
        %parallel_loop3A_573 = arith.constant 16 : index
        %parallel_loop3A_574 = tpu.vector_load %arg6[%parallel_loop3A_570, %parallel_loop3A_571, %parallel_loop3A_572, %parallel_loop3A_573] {strides = array<i32>} : memref<2x4x200x32xf32, #tpu.memory_space<vmem>>, vector<16xf32>,
        %parallel_loop3A_575 = arith.constant 200 : i32
        %parallel_loop3A_576 = vector.broadcast %parallel_loop3A_575 : i32 to vector<16xi32>
        %parallel_loop3A_577 = arith.muli %iota3A, %parallel_loop3A_576 : vector<16xi32>
        %parallel_loop3A_578 = vector.broadcast %parallel_loop3A_560 : i32 to vector<16xi32>
        %parallel_loop3A_579 = arith.addi %parallel_loop3A_578, %parallel_loop3A_577 : vector<16xi32>
        %parallel_loop3A_580 = arith.constant 0 : i32
        %parallel_loop3A_581 = arith.constant 0 : i32
        %parallel_loop3A_582 = tpu.memref_slice %arg7[%parallel_loop3A_580, %parallel_loop3A_581] : memref<2x25600xf32, #tpu.memory_space<vmem>> -> memref<1x25600xf32, #tpu.memory_space<vmem>>
        %parallel_loop3A_583 = tpu.memref_squeeze %parallel_loop3A_582 : memref<1x25600xf32, #tpu.memory_space<vmem>> -> memref<25600xf32, #tpu.memory_space<vmem>>
        tpu.vector_store_idx %parallel_loop3A_583[%parallel_loop3A_579], %parallel_loop3A_567 : memref<25600xf32, #tpu.memory_space<vmem>>[vector<16xi32>], vector<16xf32>,
        %parallel_loop3A_584 = arith.constant 16 : i32
        %parallel_loop3A_585 = vector.broadcast %parallel_loop3A_584 : i32 to vector<16xi32>
        %parallel_loop3A_586 = arith.addi %iota3A, %parallel_loop3A_585 : vector<16xi32>
        %parallel_loop3A_587 = arith.constant 200 : i32
        %parallel_loop3A_588 = vector.broadcast %parallel_loop3A_587 : i32 to vector<16xi32>
        %parallel_loop3A_589 = arith.muli %parallel_loop3A_586, %parallel_loop3A_588 : vector<16xi32>
        %parallel_loop3A_590 = vector.broadcast %parallel_loop3A_560 : i32 to vector<16xi32>
        %parallel_loop3A_591 = arith.addi %parallel_loop3A_590, %parallel_loop3A_589 : vector<16xi32>
        %parallel_loop3A_592 = arith.constant 0 : i32
        %parallel_loop3A_593 = arith.constant 0 : i32
        %parallel_loop3A_594 = tpu.memref_slice %arg7[%parallel_loop3A_592, %parallel_loop3A_593] : memref<2x25600xf32, #tpu.memory_space<vmem>> -> memref<1x25600xf32, #tpu.memory_space<vmem>>
        %parallel_loop3A_595 = tpu.memref_squeeze %parallel_loop3A_594 : memref<1x25600xf32, #tpu.memory_space<vmem>> -> memref<25600xf32, #tpu.memory_space<vmem>>
        tpu.vector_store_idx %parallel_loop3A_595[%parallel_loop3A_591], %parallel_loop3A_574 : memref<25600xf32, #tpu.memory_space<vmem>>[vector<16xi32>], vector<16xf32>,
        %parallel_loop3A_596 = arith.constant 19200 : i32
        %parallel_loop3A_597 = arith.addi %parallel_loop3A_596, %parallel_loop3A_483 : i32
        %parallel_loop3A_598 = arith.constant 0 : i32
        %parallel_loop3A_599 = arith.constant 3 : i32
        %parallel_loop3A_600 = arith.index_cast %parallel_loop3A_598 : i32 to index
        %parallel_loop3A_601 = arith.index_cast %parallel_loop3A_599 : i32 to index
        %parallel_loop3A_602 = arith.index_cast %parallel_loop3A_483 : i32 to index
        %parallel_loop3A_603 = arith.constant 0 : index
        %parallel_loop3A_604 = tpu.vector_load %arg6[%parallel_loop3A_600, %parallel_loop3A_601, %parallel_loop3A_602, %parallel_loop3A_603] {strides = array<i32>} : memref<2x4x200x32xf32, #tpu.memory_space<vmem>>, vector<16xf32>,
        %parallel_loop3A_605 = arith.constant 0 : i32
        %parallel_loop3A_606 = arith.constant 3 : i32
        %parallel_loop3A_607 = arith.index_cast %parallel_loop3A_605 : i32 to index
        %parallel_loop3A_608 = arith.index_cast %parallel_loop3A_606 : i32 to index
        %parallel_loop3A_609 = arith.index_cast %parallel_loop3A_483 : i32 to index
        %parallel_loop3A_610 = arith.constant 16 : index
        %parallel_loop3A_611 = tpu.vector_load %arg6[%parallel_loop3A_607, %parallel_loop3A_608, %parallel_loop3A_609, %parallel_loop3A_610] {strides = array<i32>} : memref<2x4x200x32xf32, #tpu.memory_space<vmem>>, vector<16xf32>,
        %parallel_loop3A_612 = arith.constant 200 : i32
        %parallel_loop3A_613 = vector.broadcast %parallel_loop3A_612 : i32 to vector<16xi32>
        %parallel_loop3A_614 = arith.muli %iota3A, %parallel_loop3A_613 : vector<16xi32>
        %parallel_loop3A_615 = vector.broadcast %parallel_loop3A_597 : i32 to vector<16xi32>
        %parallel_loop3A_616 = arith.addi %parallel_loop3A_615, %parallel_loop3A_614 : vector<16xi32>
        %parallel_loop3A_617 = arith.constant 0 : i32
        %parallel_loop3A_618 = arith.constant 0 : i32
        %parallel_loop3A_619 = tpu.memref_slice %arg7[%parallel_loop3A_617, %parallel_loop3A_618] : memref<2x25600xf32, #tpu.memory_space<vmem>> -> memref<1x25600xf32, #tpu.memory_space<vmem>>
        %parallel_loop3A_620 = tpu.memref_squeeze %parallel_loop3A_619 : memref<1x25600xf32, #tpu.memory_space<vmem>> -> memref<25600xf32, #tpu.memory_space<vmem>>
        tpu.vector_store_idx %parallel_loop3A_620[%parallel_loop3A_616], %parallel_loop3A_604 : memref<25600xf32, #tpu.memory_space<vmem>>[vector<16xi32>], vector<16xf32>,
        %parallel_loop3A_621 = arith.constant 16 : i32
        %parallel_loop3A_622 = vector.broadcast %parallel_loop3A_621 : i32 to vector<16xi32>
        %parallel_loop3A_623 = arith.addi %iota3A, %parallel_loop3A_622 : vector<16xi32>
        %parallel_loop3A_624 = arith.constant 200 : i32
        %parallel_loop3A_625 = vector.broadcast %parallel_loop3A_624 : i32 to vector<16xi32>
        %parallel_loop3A_626 = arith.muli %parallel_loop3A_623, %parallel_loop3A_625 : vector<16xi32>
        %parallel_loop3A_627 = vector.broadcast %parallel_loop3A_597 : i32 to vector<16xi32>
        %parallel_loop3A_628 = arith.addi %parallel_loop3A_627, %parallel_loop3A_626 : vector<16xi32>
        %parallel_loop3A_629 = arith.constant 0 : i32
        %parallel_loop3A_630 = arith.constant 0 : i32
        %parallel_loop3A_631 = tpu.memref_slice %arg7[%parallel_loop3A_629, %parallel_loop3A_630] : memref<2x25600xf32, #tpu.memory_space<vmem>> -> memref<1x25600xf32, #tpu.memory_space<vmem>>
        %parallel_loop3A_632 = tpu.memref_squeeze %parallel_loop3A_631 : memref<1x25600xf32, #tpu.memory_space<vmem>> -> memref<25600xf32, #tpu.memory_space<vmem>>
        tpu.vector_store_idx %parallel_loop3A_632[%parallel_loop3A_628], %parallel_loop3A_611 : memref<25600xf32, #tpu.memory_space<vmem>>[vector<16xi32>], vector<16xf32>,
        scf.yield %parallel_loop3A_484 : i32
      } {sc.loop_unroll_factor = 4 : i64, sc.parallel_access}
      %mul3A_322 = arith.constant 25600 : i32
      %mul3A_323 = arith.muli %add3A_194, %mul3A_322 : i32
      %dma_start3A_324 = arith.constant 0 : i32
      %dma_start3A_325 = arith.constant 0 : i32
      %dma_start3A_326 = tpu.memref_slice %arg7[%dma_start3A_324, %dma_start3A_325] : memref<2x25600xf32, #tpu.memory_space<vmem>> -> memref<1x25600xf32, #tpu.memory_space<vmem>>
      %dma_start3A_327 = tpu.memref_squeeze %dma_start3A_326 : memref<1x25600xf32, #tpu.memory_space<vmem>> -> memref<25600xf32, #tpu.memory_space<vmem>>
      %dma_start3A_328 = tpu.memref_slice %arg4[%mul3A_323] : memref<26214400xf32, #tpu.memory_space<hbm>> -> memref<25600xf32, #tpu.memory_space<hbm>>
      %dma_start3A_329 = tpu.memref_slice %arg4[%mul3A_323] : memref<26214400xf32, #tpu.memory_space<hbm>> -> memref<25600xf32, #tpu.memory_space<hbm>>
      %dma_start3A_330 = arith.constant 0 : i32
      %dma_start3A_331 = tpu.memref_slice %arg7[%dma_start3A_324, %dma_start3A_330] : memref<2x25600xf32, #tpu.memory_space<vmem>> -> memref<1x25600xf32, #tpu.memory_space<vmem>>
      %dma_start3A_332 = tpu.memref_squeeze %dma_start3A_331 : memref<1x25600xf32, #tpu.memory_space<vmem>> -> memref<25600xf32, #tpu.memory_space<vmem>>
      tpu.enqueue_dma source(%dma_start3A_332 : memref<25600xf32, #tpu.memory_space<vmem>>) target(%dma_start3A_329 : memref<25600xf32, #tpu.memory_space<hbm>>) target_semaphore(%arg10 : memref<!tpu.dma_semaphore, #tpu.memory_space<semaphore_mem>>)
      %mul3A_333 = arith.constant 2 : i32
      %mul3A_334 = arith.muli %mul3A_333, %scan3A_187 : i32
      %add3A_335 = arith.constant 1 : i32
      %add3A_336 = arith.addi %mul3A_334, %add3A_335 : i32
      %mul3A_337 = arith.constant 32 : i32
      %mul3A_338 = arith.muli %add3A, %mul3A_337 : i32
      %add3A_339 = arith.addi %mul3A_338, %add3A_336 : i32
      %lt3A_340 = arith.constant 31 : i32
      %lt3A_341 = arith.cmpi slt, %add3A_336, %lt3A_340 : i32
      %convert_element_type3A_342 = arith.extui %lt3A_341 : i1 to i32
      %cond3A_343 = arith.constant 0 : i32
      %cond3A_344 = arith.cmpi ne, %convert_element_type3A_342, %cond3A_343 : i32
      scf.if %cond3A_344 {
        %add3A_483 = arith.constant 1 : i32
        %add3A_484 = arith.addi %add3A_339, %add3A_483 : i32
        %dma_start3A_485 = arith.constant 0 : i32
        %dma_start3A_486 = arith.constant 0 : i32
        %dma_start3A_487 = arith.constant 0 : i32
        %dma_start3A_488 = tpu.memref_slice %arg5[%dma_start3A_485, %dma_start3A_486, %dma_start3A_487] : memref<2x8x100xi32, #tpu.memory_space<vmem>> -> memref<1x8x100xi32, #tpu.memory_space<vmem>>
        %dma_start3A_489 = tpu.memref_squeeze %dma_start3A_488 : memref<1x8x100xi32, #tpu.memory_space<vmem>> -> memref<8x100xi32, #tpu.memory_space<vmem>>
        %dma_start3A_490 = arith.constant 0 : i32
        %dma_start3A_491 = arith.constant 0 : i32
        %dma_start3A_492 = tpu.memref_slice %arg2[%add3A_484, %dma_start3A_490, %dma_start3A_491] : memref<1024x8x100xi32, #tpu.memory_space<hbm>> -> memref<1x8x100xi32, #tpu.memory_space<hbm>>
        %dma_start3A_493 = tpu.memref_squeeze %dma_start3A_492 : memref<1x8x100xi32, #tpu.memory_space<hbm>> -> memref<8x100xi32, #tpu.memory_space<hbm>>
        %dma_start3A_494 = arith.constant 0 : i32
        %dma_start3A_495 = arith.constant 0 : i32
        %dma_start3A_496 = tpu.memref_slice %arg5[%dma_start3A_485, %dma_start3A_494, %dma_start3A_495] : memref<2x8x100xi32, #tpu.memory_space<vmem>> -> memref<1x8x100xi32, #tpu.memory_space<vmem>>
        %dma_start3A_497 = tpu.memref_squeeze %dma_start3A_496 : memref<1x8x100xi32, #tpu.memory_space<vmem>> -> memref<8x100xi32, #tpu.memory_space<vmem>>
        %dma_start3A_498 = arith.constant 0 : i32
        %dma_start3A_499 = arith.constant 0 : i32
        %dma_start3A_500 = tpu.memref_slice %arg2[%add3A_484, %dma_start3A_498, %dma_start3A_499] : memref<1024x8x100xi32, #tpu.memory_space<hbm>> -> memref<1x8x100xi32, #tpu.memory_space<hbm>>
        %dma_start3A_501 = tpu.memref_squeeze %dma_start3A_500 : memref<1x8x100xi32, #tpu.memory_space<hbm>> -> memref<8x100xi32, #tpu.memory_space<hbm>>
        tpu.enqueue_dma source(%dma_start3A_501 : memref<8x100xi32, #tpu.memory_space<hbm>>) target(%dma_start3A_497 : memref<8x100xi32, #tpu.memory_space<vmem>>) target_semaphore(%arg12 : memref<!tpu.dma_semaphore, #tpu.memory_space<semaphore_mem>>)
      } else {
      }
      %dma_wait3A_345 = arith.constant 1 : i32
      %dma_wait3A_346 = arith.constant 0 : i32
      %dma_wait3A_347 = arith.constant 1 : i32
      %dma_wait3A_348 = arith.constant 0 : i32
      %dma_wait3A_349 = arith.constant 0 : i32
      %dma_wait3A_350 = arith.constant 0 : i32
      %dma_wait3A_351 = tpu.memref_slice %arg6[%dma_wait3A_347, %dma_wait3A_348, %dma_wait3A_349, %dma_wait3A_350] : memref<2x4x200x32xf32, #tpu.memory_space<vmem>> -> memref<1x1x100x32xf32, #tpu.memory_space<vmem>>
      %dma_wait3A_352 = tpu.memref_squeeze %dma_wait3A_351 : memref<1x1x100x32xf32, #tpu.memory_space<vmem>> -> memref<100x32xf32, #tpu.memory_space<vmem>>
      %dma_wait3A_353 = arith.constant 0 : i32
      %dma_wait3A_354 = tpu.memref_slice %arg5[%dma_wait3A_345, %dma_wait3A_346, %dma_wait3A_353] : memref<2x8x100xi32, #tpu.memory_space<vmem>> -> memref<1x1x100xi32, #tpu.memory_space<vmem>>
      %dma_wait3A_355 = tpu.memref_squeeze %dma_wait3A_354 : memref<1x1x100xi32, #tpu.memory_space<vmem>> -> memref<100xi32, #tpu.memory_space<vmem>>
      %dma_wait3A_356 = arith.constant 0 : i32
      %dma_wait3A_357 = arith.constant 0 : i32
      %dma_wait3A_358 = tpu.memref_slice %arg3[%dma_wait3A_356, %dma_wait3A_357] : memref<1000000x32xf32, #tpu.memory_space<hbm>> -> memref<1000000x32xf32, #tpu.memory_space<hbm>>
      tpu.wait_indirect_dma semaphore(%arg9 : memref<!tpu.dma_semaphore, #tpu.memory_space<semaphore_mem>>) src(%dma_wait3A_358 : memref<1000000x32xf32, #tpu.memory_space<hbm>>) dst(%dma_wait3A_352 : memref<100x32xf32, #tpu.memory_space<vmem>>)
      %dma_wait3A_359 = arith.constant 1 : i32
      %dma_wait3A_360 = arith.constant 1 : i32
      %dma_wait3A_361 = arith.constant 1 : i32
      %dma_wait3A_362 = arith.constant 0 : i32
      %dma_wait3A_363 = arith.constant 100 : i32
      %dma_wait3A_364 = arith.constant 0 : i32
      %dma_wait3A_365 = tpu.memref_slice %arg6[%dma_wait3A_361, %dma_wait3A_362, %dma_wait3A_363, %dma_wait3A_364] : memref<2x4x200x32xf32, #tpu.memory_space<vmem>> -> memref<1x1x100x32xf32, #tpu.memory_space<vmem>>
      %dma_wait3A_366 = tpu.memref_squeeze %dma_wait3A_365 : memref<1x1x100x32xf32, #tpu.memory_space<vmem>> -> memref<100x32xf32, #tpu.memory_space<vmem>>
      %dma_wait3A_367 = arith.constant 0 : i32
      %dma_wait3A_368 = tpu.memref_slice %arg5[%dma_wait3A_359, %dma_wait3A_360, %dma_wait3A_367] : memref<2x8x100xi32, #tpu.memory_space<vmem>> -> memref<1x1x100xi32, #tpu.memory_space<vmem>>
      %dma_wait3A_369 = tpu.memref_squeeze %dma_wait3A_368 : memref<1x1x100xi32, #tpu.memory_space<vmem>> -> memref<100xi32, #tpu.memory_space<vmem>>
      %dma_wait3A_370 = arith.constant 0 : i32
      %dma_wait3A_371 = arith.constant 0 : i32
      %dma_wait3A_372 = tpu.memref_slice %arg3[%dma_wait3A_370, %dma_wait3A_371] : memref<1000000x32xf32, #tpu.memory_space<hbm>> -> memref<1000000x32xf32, #tpu.memory_space<hbm>>
      tpu.wait_indirect_dma semaphore(%arg9 : memref<!tpu.dma_semaphore, #tpu.memory_space<semaphore_mem>>) src(%dma_wait3A_372 : memref<1000000x32xf32, #tpu.memory_space<hbm>>) dst(%dma_wait3A_366 : memref<100x32xf32, #tpu.memory_space<vmem>>)
      %dma_wait3A_373 = arith.constant 1 : i32
      %dma_wait3A_374 = arith.constant 2 : i32
      %dma_wait3A_375 = arith.constant 1 : i32
      %dma_wait3A_376 = arith.constant 1 : i32
      %dma_wait3A_377 = arith.constant 0 : i32
      %dma_wait3A_378 = arith.constant 0 : i32
      %dma_wait3A_379 = tpu.memref_slice %arg6[%dma_wait3A_375, %dma_wait3A_376, %dma_wait3A_377, %dma_wait3A_378] : memref<2x4x200x32xf32, #tpu.memory_space<vmem>> -> memref<1x1x100x32xf32, #tpu.memory_space<vmem>>
      %dma_wait3A_380 = tpu.memref_squeeze %dma_wait3A_379 : memref<1x1x100x32xf32, #tpu.memory_space<vmem>> -> memref<100x32xf32, #tpu.memory_space<vmem>>
      %dma_wait3A_381 = arith.constant 0 : i32
      %dma_wait3A_382 = tpu.memref_slice %arg5[%dma_wait3A_373, %dma_wait3A_374, %dma_wait3A_381] : memref<2x8x100xi32, #tpu.memory_space<vmem>> -> memref<1x1x100xi32, #tpu.memory_space<vmem>>
      %dma_wait3A_383 = tpu.memref_squeeze %dma_wait3A_382 : memref<1x1x100xi32, #tpu.memory_space<vmem>> -> memref<100xi32, #tpu.memory_space<vmem>>
      %dma_wait3A_384 = arith.constant 0 : i32
      %dma_wait3A_385 = arith.constant 0 : i32
      %dma_wait3A_386 = tpu.memref_slice %arg3[%dma_wait3A_384, %dma_wait3A_385] : memref<1000000x32xf32, #tpu.memory_space<hbm>> -> memref<1000000x32xf32, #tpu.memory_space<hbm>>
      tpu.wait_indirect_dma semaphore(%arg9 : memref<!tpu.dma_semaphore, #tpu.memory_space<semaphore_mem>>) src(%dma_wait3A_386 : memref<1000000x32xf32, #tpu.memory_space<hbm>>) dst(%dma_wait3A_380 : memref<100x32xf32, #tpu.memory_space<vmem>>)
      %dma_wait3A_387 = arith.constant 1 : i32
      %dma_wait3A_388 = arith.constant 3 : i32
      %dma_wait3A_389 = arith.constant 1 : i32
      %dma_wait3A_390 = arith.constant 1 : i32
      %dma_wait3A_391 = arith.constant 100 : i32
      %dma_wait3A_392 = arith.constant 0 : i32
      %dma_wait3A_393 = tpu.memref_slice %arg6[%dma_wait3A_389, %dma_wait3A_390, %dma_wait3A_391, %dma_wait3A_392] : memref<2x4x200x32xf32, #tpu.memory_space<vmem>> -> memref<1x1x100x32xf32, #tpu.memory_space<vmem>>
      %dma_wait3A_394 = tpu.memref_squeeze %dma_wait3A_393 : memref<1x1x100x32xf32, #tpu.memory_space<vmem>> -> memref<100x32xf32, #tpu.memory_space<vmem>>
      %dma_wait3A_395 = arith.constant 0 : i32
      %dma_wait3A_396 = tpu.memref_slice %arg5[%dma_wait3A_387, %dma_wait3A_388, %dma_wait3A_395] : memref<2x8x100xi32, #tpu.memory_space<vmem>> -> memref<1x1x100xi32, #tpu.memory_space<vmem>>
      %dma_wait3A_397 = tpu.memref_squeeze %dma_wait3A_396 : memref<1x1x100xi32, #tpu.memory_space<vmem>> -> memref<100xi32, #tpu.memory_space<vmem>>
      %dma_wait3A_398 = arith.constant 0 : i32
      %dma_wait3A_399 = arith.constant 0 : i32
      %dma_wait3A_400 = tpu.memref_slice %arg3[%dma_wait3A_398, %dma_wait3A_399] : memref<1000000x32xf32, #tpu.memory_space<hbm>> -> memref<1000000x32xf32, #tpu.memory_space<hbm>>
      tpu.wait_indirect_dma semaphore(%arg9 : memref<!tpu.dma_semaphore, #tpu.memory_space<semaphore_mem>>) src(%dma_wait3A_400 : memref<1000000x32xf32, #tpu.memory_space<hbm>>) dst(%dma_wait3A_394 : memref<100x32xf32, #tpu.memory_space<vmem>>)
      %dma_wait3A_401 = arith.constant 1 : i32
      %dma_wait3A_402 = arith.constant 4 : i32
      %dma_wait3A_403 = arith.constant 1 : i32
      %dma_wait3A_404 = arith.constant 2 : i32
      %dma_wait3A_405 = arith.constant 0 : i32
      %dma_wait3A_406 = arith.constant 0 : i32
      %dma_wait3A_407 = tpu.memref_slice %arg6[%dma_wait3A_403, %dma_wait3A_404, %dma_wait3A_405, %dma_wait3A_406] : memref<2x4x200x32xf32, #tpu.memory_space<vmem>> -> memref<1x1x100x32xf32, #tpu.memory_space<vmem>>
      %dma_wait3A_408 = tpu.memref_squeeze %dma_wait3A_407 : memref<1x1x100x32xf32, #tpu.memory_space<vmem>> -> memref<100x32xf32, #tpu.memory_space<vmem>>
      %dma_wait3A_409 = arith.constant 0 : i32
      %dma_wait3A_410 = tpu.memref_slice %arg5[%dma_wait3A_401, %dma_wait3A_402, %dma_wait3A_409] : memref<2x8x100xi32, #tpu.memory_space<vmem>> -> memref<1x1x100xi32, #tpu.memory_space<vmem>>
      %dma_wait3A_411 = tpu.memref_squeeze %dma_wait3A_410 : memref<1x1x100xi32, #tpu.memory_space<vmem>> -> memref<100xi32, #tpu.memory_space<vmem>>
      %dma_wait3A_412 = arith.constant 0 : i32
      %dma_wait3A_413 = arith.constant 0 : i32
      %dma_wait3A_414 = tpu.memref_slice %arg3[%dma_wait3A_412, %dma_wait3A_413] : memref<1000000x32xf32, #tpu.memory_space<hbm>> -> memref<1000000x32xf32, #tpu.memory_space<hbm>>
      tpu.wait_indirect_dma semaphore(%arg9 : memref<!tpu.dma_semaphore, #tpu.memory_space<semaphore_mem>>) src(%dma_wait3A_414 : memref<1000000x32xf32, #tpu.memory_space<hbm>>) dst(%dma_wait3A_408 : memref<100x32xf32, #tpu.memory_space<vmem>>)
      %dma_wait3A_415 = arith.constant 1 : i32
      %dma_wait3A_416 = arith.constant 5 : i32
      %dma_wait3A_417 = arith.constant 1 : i32
      %dma_wait3A_418 = arith.constant 2 : i32
      %dma_wait3A_419 = arith.constant 100 : i32
      %dma_wait3A_420 = arith.constant 0 : i32
      %dma_wait3A_421 = tpu.memref_slice %arg6[%dma_wait3A_417, %dma_wait3A_418, %dma_wait3A_419, %dma_wait3A_420] : memref<2x4x200x32xf32, #tpu.memory_space<vmem>> -> memref<1x1x100x32xf32, #tpu.memory_space<vmem>>
      %dma_wait3A_422 = tpu.memref_squeeze %dma_wait3A_421 : memref<1x1x100x32xf32, #tpu.memory_space<vmem>> -> memref<100x32xf32, #tpu.memory_space<vmem>>
      %dma_wait3A_423 = arith.constant 0 : i32
      %dma_wait3A_424 = tpu.memref_slice %arg5[%dma_wait3A_415, %dma_wait3A_416, %dma_wait3A_423] : memref<2x8x100xi32, #tpu.memory_space<vmem>> -> memref<1x1x100xi32, #tpu.memory_space<vmem>>
      %dma_wait3A_425 = tpu.memref_squeeze %dma_wait3A_424 : memref<1x1x100xi32, #tpu.memory_space<vmem>> -> memref<100xi32, #tpu.memory_space<vmem>>
      %dma_wait3A_426 = arith.constant 0 : i32
      %dma_wait3A_427 = arith.constant 0 : i32
      %dma_wait3A_428 = tpu.memref_slice %arg3[%dma_wait3A_426, %dma_wait3A_427] : memref<1000000x32xf32, #tpu.memory_space<hbm>> -> memref<1000000x32xf32, #tpu.memory_space<hbm>>
      tpu.wait_indirect_dma semaphore(%arg9 : memref<!tpu.dma_semaphore, #tpu.memory_space<semaphore_mem>>) src(%dma_wait3A_428 : memref<1000000x32xf32, #tpu.memory_space<hbm>>) dst(%dma_wait3A_422 : memref<100x32xf32, #tpu.memory_space<vmem>>)
      %dma_wait3A_429 = arith.constant 1 : i32
      %dma_wait3A_430 = arith.constant 6 : i32
      %dma_wait3A_431 = arith.constant 1 : i32
      %dma_wait3A_432 = arith.constant 3 : i32
      %dma_wait3A_433 = arith.constant 0 : i32
      %dma_wait3A_434 = arith.constant 0 : i32
      %dma_wait3A_435 = tpu.memref_slice %arg6[%dma_wait3A_431, %dma_wait3A_432, %dma_wait3A_433, %dma_wait3A_434] : memref<2x4x200x32xf32, #tpu.memory_space<vmem>> -> memref<1x1x100x32xf32, #tpu.memory_space<vmem>>
      %dma_wait3A_436 = tpu.memref_squeeze %dma_wait3A_435 : memref<1x1x100x32xf32, #tpu.memory_space<vmem>> -> memref<100x32xf32, #tpu.memory_space<vmem>>
      %dma_wait3A_437 = arith.constant 0 : i32
      %dma_wait3A_438 = tpu.memref_slice %arg5[%dma_wait3A_429, %dma_wait3A_430, %dma_wait3A_437] : memref<2x8x100xi32, #tpu.memory_space<vmem>> -> memref<1x1x100xi32, #tpu.memory_space<vmem>>
      %dma_wait3A_439 = tpu.memref_squeeze %dma_wait3A_438 : memref<1x1x100xi32, #tpu.memory_space<vmem>> -> memref<100xi32, #tpu.memory_space<vmem>>
      %dma_wait3A_440 = arith.constant 0 : i32
      %dma_wait3A_441 = arith.constant 0 : i32
      %dma_wait3A_442 = tpu.memref_slice %arg3[%dma_wait3A_440, %dma_wait3A_441] : memref<1000000x32xf32, #tpu.memory_space<hbm>> -> memref<1000000x32xf32, #tpu.memory_space<hbm>>
      tpu.wait_indirect_dma semaphore(%arg9 : memref<!tpu.dma_semaphore, #tpu.memory_space<semaphore_mem>>) src(%dma_wait3A_442 : memref<1000000x32xf32, #tpu.memory_space<hbm>>) dst(%dma_wait3A_436 : memref<100x32xf32, #tpu.memory_space<vmem>>)
      %dma_wait3A_443 = arith.constant 1 : i32
      %dma_wait3A_444 = arith.constant 7 : i32
      %dma_wait3A_445 = arith.constant 1 : i32
      %dma_wait3A_446 = arith.constant 3 : i32
      %dma_wait3A_447 = arith.constant 100 : i32
      %dma_wait3A_448 = arith.constant 0 : i32
      %dma_wait3A_449 = tpu.memref_slice %arg6[%dma_wait3A_445, %dma_wait3A_446, %dma_wait3A_447, %dma_wait3A_448] : memref<2x4x200x32xf32, #tpu.memory_space<vmem>> -> memref<1x1x100x32xf32, #tpu.memory_space<vmem>>
      %dma_wait3A_450 = tpu.memref_squeeze %dma_wait3A_449 : memref<1x1x100x32xf32, #tpu.memory_space<vmem>> -> memref<100x32xf32, #tpu.memory_space<vmem>>
      %dma_wait3A_451 = arith.constant 0 : i32
      %dma_wait3A_452 = tpu.memref_slice %arg5[%dma_wait3A_443, %dma_wait3A_444, %dma_wait3A_451] : memref<2x8x100xi32, #tpu.memory_space<vmem>> -> memref<1x1x100xi32, #tpu.memory_space<vmem>>
      %dma_wait3A_453 = tpu.memref_squeeze %dma_wait3A_452 : memref<1x1x100xi32, #tpu.memory_space<vmem>> -> memref<100xi32, #tpu.memory_space<vmem>>
      %dma_wait3A_454 = arith.constant 0 : i32
      %dma_wait3A_455 = arith.constant 0 : i32
      %dma_wait3A_456 = tpu.memref_slice %arg3[%dma_wait3A_454, %dma_wait3A_455] : memref<1000000x32xf32, #tpu.memory_space<hbm>> -> memref<1000000x32xf32, #tpu.memory_space<hbm>>
      tpu.wait_indirect_dma semaphore(%arg9 : memref<!tpu.dma_semaphore, #tpu.memory_space<semaphore_mem>>) src(%dma_wait3A_456 : memref<1000000x32xf32, #tpu.memory_space<hbm>>) dst(%dma_wait3A_450 : memref<100x32xf32, #tpu.memory_space<vmem>>)
      %lt3A_457 = arith.constant 31 : i32
      %lt3A_458 = arith.cmpi slt, %add3A_336, %lt3A_457 : i32
      %convert_element_type3A_459 = arith.extui %lt3A_458 : i1 to i32
      %cond3A_460 = arith.constant 0 : i32
      %cond3A_461 = arith.cmpi ne, %convert_element_type3A_459, %cond3A_460 : i32
      scf.if %cond3A_461 {
        %add3A_483 = arith.constant 1 : i32
        %add3A_484 = arith.addi %add3A_339, %add3A_483 : i32
        %dma_wait3A_485 = arith.constant 0 : i32
        %dma_wait3A_486 = arith.constant 0 : i32
        %dma_wait3A_487 = arith.constant 0 : i32
        %dma_wait3A_488 = tpu.memref_slice %arg5[%dma_wait3A_485, %dma_wait3A_486, %dma_wait3A_487] : memref<2x8x100xi32, #tpu.memory_space<vmem>> -> memref<1x8x100xi32, #tpu.memory_space<vmem>>
        %dma_wait3A_489 = tpu.memref_squeeze %dma_wait3A_488 : memref<1x8x100xi32, #tpu.memory_space<vmem>> -> memref<8x100xi32, #tpu.memory_space<vmem>>
        %dma_wait3A_490 = arith.constant 0 : i32
        %dma_wait3A_491 = arith.constant 0 : i32
        %dma_wait3A_492 = tpu.memref_slice %arg2[%add3A_484, %dma_wait3A_490, %dma_wait3A_491] : memref<1024x8x100xi32, #tpu.memory_space<hbm>> -> memref<1x8x100xi32, #tpu.memory_space<hbm>>
        %dma_wait3A_493 = tpu.memref_squeeze %dma_wait3A_492 : memref<1x8x100xi32, #tpu.memory_space<hbm>> -> memref<8x100xi32, #tpu.memory_space<hbm>>
        %dma_wait3A_494 = arith.constant 0 : i32
        %dma_wait3A_495 = arith.constant 0 : i32
        %dma_wait3A_496 = tpu.memref_slice %arg5[%dma_wait3A_485, %dma_wait3A_494, %dma_wait3A_495] : memref<2x8x100xi32, #tpu.memory_space<vmem>> -> memref<1x8x100xi32, #tpu.memory_space<vmem>>
        %dma_wait3A_497 = tpu.memref_squeeze %dma_wait3A_496 : memref<1x8x100xi32, #tpu.memory_space<vmem>> -> memref<8x100xi32, #tpu.memory_space<vmem>>
        %dma_wait3A_498 = arith.constant 0 : i32
        %dma_wait3A_499 = arith.constant 0 : i32
        %dma_wait3A_500 = tpu.memref_slice %arg2[%add3A_484, %dma_wait3A_498, %dma_wait3A_499] : memref<1024x8x100xi32, #tpu.memory_space<hbm>> -> memref<1x8x100xi32, #tpu.memory_space<hbm>>
        %dma_wait3A_501 = tpu.memref_squeeze %dma_wait3A_500 : memref<1x8x100xi32, #tpu.memory_space<hbm>> -> memref<8x100xi32, #tpu.memory_space<hbm>>
        tpu.wait_dma2 semaphore(%arg12 : memref<!tpu.dma_semaphore, #tpu.memory_space<semaphore_mem>>) src(%dma_wait3A_501 : memref<8x100xi32, #tpu.memory_space<hbm>>) dst(%dma_wait3A_497 : memref<8x100xi32, #tpu.memory_space<vmem>>)
        %dma_start3A_502 = arith.constant 0 : i32
        %dma_start3A_503 = arith.constant 0 : i32
        %dma_start3A_504 = arith.constant 0 : i32
        %dma_start3A_505 = arith.constant 0 : i32
        %dma_start3A_506 = arith.constant 0 : i32
        %dma_start3A_507 = arith.constant 0 : i32
        %dma_start3A_508 = tpu.memref_slice %arg6[%dma_start3A_504, %dma_start3A_505, %dma_start3A_506, %dma_start3A_507] : memref<2x4x200x32xf32, #tpu.memory_space<vmem>> -> memref<1x1x100x32xf32, #tpu.memory_space<vmem>>
        %dma_start3A_509 = tpu.memref_squeeze %dma_start3A_508 : memref<1x1x100x32xf32, #tpu.memory_space<vmem>> -> memref<100x32xf32, #tpu.memory_space<vmem>>
        %dma_start3A_510 = arith.constant 0 : i32
        %dma_start3A_511 = tpu.memref_slice %arg5[%dma_start3A_502, %dma_start3A_503, %dma_start3A_510] : memref<2x8x100xi32, #tpu.memory_space<vmem>> -> memref<1x1x100xi32, #tpu.memory_space<vmem>>
        %dma_start3A_512 = tpu.memref_squeeze %dma_start3A_511 : memref<1x1x100xi32, #tpu.memory_space<vmem>> -> memref<100xi32, #tpu.memory_space<vmem>>
        %dma_start3A_513 = arith.constant 0 : i32
        %dma_start3A_514 = arith.constant 0 : i32
        %dma_start3A_515 = tpu.memref_slice %arg3[%dma_start3A_513, %dma_start3A_514] : memref<1000000x32xf32, #tpu.memory_space<hbm>> -> memref<1000000x32xf32, #tpu.memory_space<hbm>>
        tpu.enqueue_indirect_dma source(%dma_start3A_515 : memref<1000000x32xf32, #tpu.memory_space<hbm>>) target(%dma_start3A_509 : memref<100x32xf32, #tpu.memory_space<vmem>>) offsets(%dma_start3A_512 : memref<100xi32, #tpu.memory_space<vmem>>) semaphore(%arg8 : memref<!tpu.dma_semaphore, #tpu.memory_space<semaphore_mem>>)
        %dma_start3A_516 = arith.constant 0 : i32
        %dma_start3A_517 = arith.constant 1 : i32
        %dma_start3A_518 = arith.constant 0 : i32
        %dma_start3A_519 = arith.constant 0 : i32
        %dma_start3A_520 = arith.constant 100 : i32
        %dma_start3A_521 = arith.constant 0 : i32
        %dma_start3A_522 = tpu.memref_slice %arg6[%dma_start3A_518, %dma_start3A_519, %dma_start3A_520, %dma_start3A_521] : memref<2x4x200x32xf32, #tpu.memory_space<vmem>> -> memref<1x1x100x32xf32, #tpu.memory_space<vmem>>
        %dma_start3A_523 = tpu.memref_squeeze %dma_start3A_522 : memref<1x1x100x32xf32, #tpu.memory_space<vmem>> -> memref<100x32xf32, #tpu.memory_space<vmem>>
        %dma_start3A_524 = arith.constant 0 : i32
        %dma_start3A_525 = tpu.memref_slice %arg5[%dma_start3A_516, %dma_start3A_517, %dma_start3A_524] : memref<2x8x100xi32, #tpu.memory_space<vmem>> -> memref<1x1x100xi32, #tpu.memory_space<vmem>>
        %dma_start3A_526 = tpu.memref_squeeze %dma_start3A_525 : memref<1x1x100xi32, #tpu.memory_space<vmem>> -> memref<100xi32, #tpu.memory_space<vmem>>
        %dma_start3A_527 = arith.constant 0 : i32
        %dma_start3A_528 = arith.constant 0 : i32
        %dma_start3A_529 = tpu.memref_slice %arg3[%dma_start3A_527, %dma_start3A_528] : memref<1000000x32xf32, #tpu.memory_space<hbm>> -> memref<1000000x32xf32, #tpu.memory_space<hbm>>
        tpu.enqueue_indirect_dma source(%dma_start3A_529 : memref<1000000x32xf32, #tpu.memory_space<hbm>>) target(%dma_start3A_523 : memref<100x32xf32, #tpu.memory_space<vmem>>) offsets(%dma_start3A_526 : memref<100xi32, #tpu.memory_space<vmem>>) semaphore(%arg8 : memref<!tpu.dma_semaphore, #tpu.memory_space<semaphore_mem>>)
        %dma_start3A_530 = arith.constant 0 : i32
        %dma_start3A_531 = arith.constant 2 : i32
        %dma_start3A_532 = arith.constant 0 : i32
        %dma_start3A_533 = arith.constant 1 : i32
        %dma_start3A_534 = arith.constant 0 : i32
        %dma_start3A_535 = arith.constant 0 : i32
        %dma_start3A_536 = tpu.memref_slice %arg6[%dma_start3A_532, %dma_start3A_533, %dma_start3A_534, %dma_start3A_535] : memref<2x4x200x32xf32, #tpu.memory_space<vmem>> -> memref<1x1x100x32xf32, #tpu.memory_space<vmem>>
        %dma_start3A_537 = tpu.memref_squeeze %dma_start3A_536 : memref<1x1x100x32xf32, #tpu.memory_space<vmem>> -> memref<100x32xf32, #tpu.memory_space<vmem>>
        %dma_start3A_538 = arith.constant 0 : i32
        %dma_start3A_539 = tpu.memref_slice %arg5[%dma_start3A_530, %dma_start3A_531, %dma_start3A_538] : memref<2x8x100xi32, #tpu.memory_space<vmem>> -> memref<1x1x100xi32, #tpu.memory_space<vmem>>
        %dma_start3A_540 = tpu.memref_squeeze %dma_start3A_539 : memref<1x1x100xi32, #tpu.memory_space<vmem>> -> memref<100xi32, #tpu.memory_space<vmem>>
        %dma_start3A_541 = arith.constant 0 : i32
        %dma_start3A_542 = arith.constant 0 : i32
        %dma_start3A_543 = tpu.memref_slice %arg3[%dma_start3A_541, %dma_start3A_542] : memref<1000000x32xf32, #tpu.memory_space<hbm>> -> memref<1000000x32xf32, #tpu.memory_space<hbm>>
        tpu.enqueue_indirect_dma source(%dma_start3A_543 : memref<1000000x32xf32, #tpu.memory_space<hbm>>) target(%dma_start3A_537 : memref<100x32xf32, #tpu.memory_space<vmem>>) offsets(%dma_start3A_540 : memref<100xi32, #tpu.memory_space<vmem>>) semaphore(%arg8 : memref<!tpu.dma_semaphore, #tpu.memory_space<semaphore_mem>>)
        %dma_start3A_544 = arith.constant 0 : i32
        %dma_start3A_545 = arith.constant 3 : i32
        %dma_start3A_546 = arith.constant 0 : i32
        %dma_start3A_547 = arith.constant 1 : i32
        %dma_start3A_548 = arith.constant 100 : i32
        %dma_start3A_549 = arith.constant 0 : i32
        %dma_start3A_550 = tpu.memref_slice %arg6[%dma_start3A_546, %dma_start3A_547, %dma_start3A_548, %dma_start3A_549] : memref<2x4x200x32xf32, #tpu.memory_space<vmem>> -> memref<1x1x100x32xf32, #tpu.memory_space<vmem>>
        %dma_start3A_551 = tpu.memref_squeeze %dma_start3A_550 : memref<1x1x100x32xf32, #tpu.memory_space<vmem>> -> memref<100x32xf32, #tpu.memory_space<vmem>>
        %dma_start3A_552 = arith.constant 0 : i32
        %dma_start3A_553 = tpu.memref_slice %arg5[%dma_start3A_544, %dma_start3A_545, %dma_start3A_552] : memref<2x8x100xi32, #tpu.memory_space<vmem>> -> memref<1x1x100xi32, #tpu.memory_space<vmem>>
        %dma_start3A_554 = tpu.memref_squeeze %dma_start3A_553 : memref<1x1x100xi32, #tpu.memory_space<vmem>> -> memref<100xi32, #tpu.memory_space<vmem>>
        %dma_start3A_555 = arith.constant 0 : i32
        %dma_start3A_556 = arith.constant 0 : i32
        %dma_start3A_557 = tpu.memref_slice %arg3[%dma_start3A_555, %dma_start3A_556] : memref<1000000x32xf32, #tpu.memory_space<hbm>> -> memref<1000000x32xf32, #tpu.memory_space<hbm>>
        tpu.enqueue_indirect_dma source(%dma_start3A_557 : memref<1000000x32xf32, #tpu.memory_space<hbm>>) target(%dma_start3A_551 : memref<100x32xf32, #tpu.memory_space<vmem>>) offsets(%dma_start3A_554 : memref<100xi32, #tpu.memory_space<vmem>>) semaphore(%arg8 : memref<!tpu.dma_semaphore, #tpu.memory_space<semaphore_mem>>)
        %dma_start3A_558 = arith.constant 0 : i32
        %dma_start3A_559 = arith.constant 4 : i32
        %dma_start3A_560 = arith.constant 0 : i32
        %dma_start3A_561 = arith.constant 2 : i32
        %dma_start3A_562 = arith.constant 0 : i32
        %dma_start3A_563 = arith.constant 0 : i32
        %dma_start3A_564 = tpu.memref_slice %arg6[%dma_start3A_560, %dma_start3A_561, %dma_start3A_562, %dma_start3A_563] : memref<2x4x200x32xf32, #tpu.memory_space<vmem>> -> memref<1x1x100x32xf32, #tpu.memory_space<vmem>>
        %dma_start3A_565 = tpu.memref_squeeze %dma_start3A_564 : memref<1x1x100x32xf32, #tpu.memory_space<vmem>> -> memref<100x32xf32, #tpu.memory_space<vmem>>
        %dma_start3A_566 = arith.constant 0 : i32
        %dma_start3A_567 = tpu.memref_slice %arg5[%dma_start3A_558, %dma_start3A_559, %dma_start3A_566] : memref<2x8x100xi32, #tpu.memory_space<vmem>> -> memref<1x1x100xi32, #tpu.memory_space<vmem>>
        %dma_start3A_568 = tpu.memref_squeeze %dma_start3A_567 : memref<1x1x100xi32, #tpu.memory_space<vmem>> -> memref<100xi32, #tpu.memory_space<vmem>>
        %dma_start3A_569 = arith.constant 0 : i32
        %dma_start3A_570 = arith.constant 0 : i32
        %dma_start3A_571 = tpu.memref_slice %arg3[%dma_start3A_569, %dma_start3A_570] : memref<1000000x32xf32, #tpu.memory_space<hbm>> -> memref<1000000x32xf32, #tpu.memory_space<hbm>>
        tpu.enqueue_indirect_dma source(%dma_start3A_571 : memref<1000000x32xf32, #tpu.memory_space<hbm>>) target(%dma_start3A_565 : memref<100x32xf32, #tpu.memory_space<vmem>>) offsets(%dma_start3A_568 : memref<100xi32, #tpu.memory_space<vmem>>) semaphore(%arg8 : memref<!tpu.dma_semaphore, #tpu.memory_space<semaphore_mem>>)
        %dma_start3A_572 = arith.constant 0 : i32
        %dma_start3A_573 = arith.constant 5 : i32
        %dma_start3A_574 = arith.constant 0 : i32
        %dma_start3A_575 = arith.constant 2 : i32
        %dma_start3A_576 = arith.constant 100 : i32
        %dma_start3A_577 = arith.constant 0 : i32
        %dma_start3A_578 = tpu.memref_slice %arg6[%dma_start3A_574, %dma_start3A_575, %dma_start3A_576, %dma_start3A_577] : memref<2x4x200x32xf32, #tpu.memory_space<vmem>> -> memref<1x1x100x32xf32, #tpu.memory_space<vmem>>
        %dma_start3A_579 = tpu.memref_squeeze %dma_start3A_578 : memref<1x1x100x32xf32, #tpu.memory_space<vmem>> -> memref<100x32xf32, #tpu.memory_space<vmem>>
        %dma_start3A_580 = arith.constant 0 : i32
        %dma_start3A_581 = tpu.memref_slice %arg5[%dma_start3A_572, %dma_start3A_573, %dma_start3A_580] : memref<2x8x100xi32, #tpu.memory_space<vmem>> -> memref<1x1x100xi32, #tpu.memory_space<vmem>>
        %dma_start3A_582 = tpu.memref_squeeze %dma_start3A_581 : memref<1x1x100xi32, #tpu.memory_space<vmem>> -> memref<100xi32, #tpu.memory_space<vmem>>
        %dma_start3A_583 = arith.constant 0 : i32
        %dma_start3A_584 = arith.constant 0 : i32
        %dma_start3A_585 = tpu.memref_slice %arg3[%dma_start3A_583, %dma_start3A_584] : memref<1000000x32xf32, #tpu.memory_space<hbm>> -> memref<1000000x32xf32, #tpu.memory_space<hbm>>
        tpu.enqueue_indirect_dma source(%dma_start3A_585 : memref<1000000x32xf32, #tpu.memory_space<hbm>>) target(%dma_start3A_579 : memref<100x32xf32, #tpu.memory_space<vmem>>) offsets(%dma_start3A_582 : memref<100xi32, #tpu.memory_space<vmem>>) semaphore(%arg8 : memref<!tpu.dma_semaphore, #tpu.memory_space<semaphore_mem>>)
        %dma_start3A_586 = arith.constant 0 : i32
        %dma_start3A_587 = arith.constant 6 : i32
        %dma_start3A_588 = arith.constant 0 : i32
        %dma_start3A_589 = arith.constant 3 : i32
        %dma_start3A_590 = arith.constant 0 : i32
        %dma_start3A_591 = arith.constant 0 : i32
        %dma_start3A_592 = tpu.memref_slice %arg6[%dma_start3A_588, %dma_start3A_589, %dma_start3A_590, %dma_start3A_591] : memref<2x4x200x32xf32, #tpu.memory_space<vmem>> -> memref<1x1x100x32xf32, #tpu.memory_space<vmem>>
        %dma_start3A_593 = tpu.memref_squeeze %dma_start3A_592 : memref<1x1x100x32xf32, #tpu.memory_space<vmem>> -> memref<100x32xf32, #tpu.memory_space<vmem>>
        %dma_start3A_594 = arith.constant 0 : i32
        %dma_start3A_595 = tpu.memref_slice %arg5[%dma_start3A_586, %dma_start3A_587, %dma_start3A_594] : memref<2x8x100xi32, #tpu.memory_space<vmem>> -> memref<1x1x100xi32, #tpu.memory_space<vmem>>
        %dma_start3A_596 = tpu.memref_squeeze %dma_start3A_595 : memref<1x1x100xi32, #tpu.memory_space<vmem>> -> memref<100xi32, #tpu.memory_space<vmem>>
        %dma_start3A_597 = arith.constant 0 : i32
        %dma_start3A_598 = arith.constant 0 : i32
        %dma_start3A_599 = tpu.memref_slice %arg3[%dma_start3A_597, %dma_start3A_598] : memref<1000000x32xf32, #tpu.memory_space<hbm>> -> memref<1000000x32xf32, #tpu.memory_space<hbm>>
        tpu.enqueue_indirect_dma source(%dma_start3A_599 : memref<1000000x32xf32, #tpu.memory_space<hbm>>) target(%dma_start3A_593 : memref<100x32xf32, #tpu.memory_space<vmem>>) offsets(%dma_start3A_596 : memref<100xi32, #tpu.memory_space<vmem>>) semaphore(%arg8 : memref<!tpu.dma_semaphore, #tpu.memory_space<semaphore_mem>>)
        %dma_start3A_600 = arith.constant 0 : i32
        %dma_start3A_601 = arith.constant 7 : i32
        %dma_start3A_602 = arith.constant 0 : i32
        %dma_start3A_603 = arith.constant 3 : i32
        %dma_start3A_604 = arith.constant 100 : i32
        %dma_start3A_605 = arith.constant 0 : i32
        %dma_start3A_606 = tpu.memref_slice %arg6[%dma_start3A_602, %dma_start3A_603, %dma_start3A_604, %dma_start3A_605] : memref<2x4x200x32xf32, #tpu.memory_space<vmem>> -> memref<1x1x100x32xf32, #tpu.memory_space<vmem>>
        %dma_start3A_607 = tpu.memref_squeeze %dma_start3A_606 : memref<1x1x100x32xf32, #tpu.memory_space<vmem>> -> memref<100x32xf32, #tpu.memory_space<vmem>>
        %dma_start3A_608 = arith.constant 0 : i32
        %dma_start3A_609 = tpu.memref_slice %arg5[%dma_start3A_600, %dma_start3A_601, %dma_start3A_608] : memref<2x8x100xi32, #tpu.memory_space<vmem>> -> memref<1x1x100xi32, #tpu.memory_space<vmem>>
        %dma_start3A_610 = tpu.memref_squeeze %dma_start3A_609 : memref<1x1x100xi32, #tpu.memory_space<vmem>> -> memref<100xi32, #tpu.memory_space<vmem>>
        %dma_start3A_611 = arith.constant 0 : i32
        %dma_start3A_612 = arith.constant 0 : i32
        %dma_start3A_613 = tpu.memref_slice %arg3[%dma_start3A_611, %dma_start3A_612] : memref<1000000x32xf32, #tpu.memory_space<hbm>> -> memref<1000000x32xf32, #tpu.memory_space<hbm>>
        tpu.enqueue_indirect_dma source(%dma_start3A_613 : memref<1000000x32xf32, #tpu.memory_space<hbm>>) target(%dma_start3A_607 : memref<100x32xf32, #tpu.memory_space<vmem>>) offsets(%dma_start3A_610 : memref<100xi32, #tpu.memory_space<vmem>>) semaphore(%arg8 : memref<!tpu.dma_semaphore, #tpu.memory_space<semaphore_mem>>)
      } else {
      }
      %ge3A_462 = arith.constant 2 : i32
      %ge3A_463 = arith.cmpi sge, %add3A_336, %ge3A_462 : i32
      %convert_element_type3A_464 = arith.extui %ge3A_463 : i1 to i32
      %cond3A_465 = arith.constant 0 : i32
      %cond3A_466 = arith.cmpi ne, %convert_element_type3A_464, %cond3A_465 : i32
      scf.if %cond3A_466 {
        %sub3A_483 = arith.constant 2 : i32
        %sub3A_484 = arith.subi %add3A_339, %sub3A_483 : i32
        %mul3A_485 = arith.constant 25600 : i32
        %mul3A_486 = arith.muli %sub3A_484, %mul3A_485 : i32
        %dma_wait3A_487 = arith.constant 1 : i32
        %dma_wait3A_488 = arith.constant 0 : i32
        %dma_wait3A_489 = tpu.memref_slice %arg7[%dma_wait3A_487, %dma_wait3A_488] : memref<2x25600xf32, #tpu.memory_space<vmem>> -> memref<1x25600xf32, #tpu.memory_space<vmem>>
        %dma_wait3A_490 = tpu.memref_squeeze %dma_wait3A_489 : memref<1x25600xf32, #tpu.memory_space<vmem>> -> memref<25600xf32, #tpu.memory_space<vmem>>
        %dma_wait3A_491 = tpu.memref_slice %arg4[%mul3A_486] : memref<26214400xf32, #tpu.memory_space<hbm>> -> memref<25600xf32, #tpu.memory_space<hbm>>
        %dma_wait3A_492 = tpu.memref_slice %arg4[%mul3A_486] : memref<26214400xf32, #tpu.memory_space<hbm>> -> memref<25600xf32, #tpu.memory_space<hbm>>
        %dma_wait3A_493 = arith.constant 0 : i32
        %dma_wait3A_494 = tpu.memref_slice %arg7[%dma_wait3A_487, %dma_wait3A_493] : memref<2x25600xf32, #tpu.memory_space<vmem>> -> memref<1x25600xf32, #tpu.memory_space<vmem>>
        %dma_wait3A_495 = tpu.memref_squeeze %dma_wait3A_494 : memref<1x25600xf32, #tpu.memory_space<vmem>> -> memref<25600xf32, #tpu.memory_space<vmem>>
        tpu.wait_dma2 semaphore(%arg11 : memref<!tpu.dma_semaphore, #tpu.memory_space<semaphore_mem>>) src(%dma_wait3A_495 : memref<25600xf32, #tpu.memory_space<vmem>>) dst(%dma_wait3A_492 : memref<25600xf32, #tpu.memory_space<hbm>>)
      } else {
      }
      %parallel_loop3A_467 = arith.constant 0 : i32
      %parallel_loop3A_468 = arith.constant 200 : i32
      %parallel_loop3A_469 = arith.constant 1 : i32
      %parallel_loop3A_470 = arith.constant 0 : i32
      %parallel_loop3A_471 = scf.for %parallel_loop3A_483 = %parallel_loop3A_467 to %parallel_loop3A_468 step %parallel_loop3A_469 iter_args(%parallel_loop3A_484 = %parallel_loop3A_470) -> (i32)  : i32 {
        %parallel_loop3A_485 = arith.constant 0 : i32
        %parallel_loop3A_486 = arith.addi %parallel_loop3A_485, %parallel_loop3A_483 : i32
        %parallel_loop3A_487 = arith.constant 1 : i32
        %parallel_loop3A_488 = arith.constant 0 : i32
        %parallel_loop3A_489 = arith.index_cast %parallel_loop3A_487 : i32 to index
        %parallel_loop3A_490 = arith.index_cast %parallel_loop3A_488 : i32 to index
        %parallel_loop3A_491 = arith.index_cast %parallel_loop3A_483 : i32 to index
        %parallel_loop3A_492 = arith.constant 0 : index
        %parallel_loop3A_493 = tpu.vector_load %arg6[%parallel_loop3A_489, %parallel_loop3A_490, %parallel_loop3A_491, %parallel_loop3A_492] {strides = array<i32>} : memref<2x4x200x32xf32, #tpu.memory_space<vmem>>, vector<16xf32>,
        %parallel_loop3A_494 = arith.constant 1 : i32
        %parallel_loop3A_495 = arith.constant 0 : i32
        %parallel_loop3A_496 = arith.index_cast %parallel_loop3A_494 : i32 to index
        %parallel_loop3A_497 = arith.index_cast %parallel_loop3A_495 : i32 to index
        %parallel_loop3A_498 = arith.index_cast %parallel_loop3A_483 : i32 to index
        %parallel_loop3A_499 = arith.constant 16 : index
        %parallel_loop3A_500 = tpu.vector_load %arg6[%parallel_loop3A_496, %parallel_loop3A_497, %parallel_loop3A_498, %parallel_loop3A_499] {strides = array<i32>} : memref<2x4x200x32xf32, #tpu.memory_space<vmem>>, vector<16xf32>,
        %parallel_loop3A_501 = arith.constant 200 : i32
        %parallel_loop3A_502 = vector.broadcast %parallel_loop3A_501 : i32 to vector<16xi32>
        %parallel_loop3A_503 = arith.muli %iota3A, %parallel_loop3A_502 : vector<16xi32>
        %parallel_loop3A_504 = vector.broadcast %parallel_loop3A_486 : i32 to vector<16xi32>
        %parallel_loop3A_505 = arith.addi %parallel_loop3A_504, %parallel_loop3A_503 : vector<16xi32>
        %parallel_loop3A_506 = arith.constant 1 : i32
        %parallel_loop3A_507 = arith.constant 0 : i32
        %parallel_loop3A_508 = tpu.memref_slice %arg7[%parallel_loop3A_506, %parallel_loop3A_507] : memref<2x25600xf32, #tpu.memory_space<vmem>> -> memref<1x25600xf32, #tpu.memory_space<vmem>>
        %parallel_loop3A_509 = tpu.memref_squeeze %parallel_loop3A_508 : memref<1x25600xf32, #tpu.memory_space<vmem>> -> memref<25600xf32, #tpu.memory_space<vmem>>
        tpu.vector_store_idx %parallel_loop3A_509[%parallel_loop3A_505], %parallel_loop3A_493 : memref<25600xf32, #tpu.memory_space<vmem>>[vector<16xi32>], vector<16xf32>,
        %parallel_loop3A_510 = arith.constant 16 : i32
        %parallel_loop3A_511 = vector.broadcast %parallel_loop3A_510 : i32 to vector<16xi32>
        %parallel_loop3A_512 = arith.addi %iota3A, %parallel_loop3A_511 : vector<16xi32>
        %parallel_loop3A_513 = arith.constant 200 : i32
        %parallel_loop3A_514 = vector.broadcast %parallel_loop3A_513 : i32 to vector<16xi32>
        %parallel_loop3A_515 = arith.muli %parallel_loop3A_512, %parallel_loop3A_514 : vector<16xi32>
        %parallel_loop3A_516 = vector.broadcast %parallel_loop3A_486 : i32 to vector<16xi32>
        %parallel_loop3A_517 = arith.addi %parallel_loop3A_516, %parallel_loop3A_515 : vector<16xi32>
        %parallel_loop3A_518 = arith.constant 1 : i32
        %parallel_loop3A_519 = arith.constant 0 : i32
        %parallel_loop3A_520 = tpu.memref_slice %arg7[%parallel_loop3A_518, %parallel_loop3A_519] : memref<2x25600xf32, #tpu.memory_space<vmem>> -> memref<1x25600xf32, #tpu.memory_space<vmem>>
        %parallel_loop3A_521 = tpu.memref_squeeze %parallel_loop3A_520 : memref<1x25600xf32, #tpu.memory_space<vmem>> -> memref<25600xf32, #tpu.memory_space<vmem>>
        tpu.vector_store_idx %parallel_loop3A_521[%parallel_loop3A_517], %parallel_loop3A_500 : memref<25600xf32, #tpu.memory_space<vmem>>[vector<16xi32>], vector<16xf32>,
        %parallel_loop3A_522 = arith.constant 6400 : i32
        %parallel_loop3A_523 = arith.addi %parallel_loop3A_522, %parallel_loop3A_483 : i32
        %parallel_loop3A_524 = arith.constant 1 : i32
        %parallel_loop3A_525 = arith.constant 1 : i32
        %parallel_loop3A_526 = arith.index_cast %parallel_loop3A_524 : i32 to index
        %parallel_loop3A_527 = arith.index_cast %parallel_loop3A_525 : i32 to index
        %parallel_loop3A_528 = arith.index_cast %parallel_loop3A_483 : i32 to index
        %parallel_loop3A_529 = arith.constant 0 : index
        %parallel_loop3A_530 = tpu.vector_load %arg6[%parallel_loop3A_526, %parallel_loop3A_527, %parallel_loop3A_528, %parallel_loop3A_529] {strides = array<i32>} : memref<2x4x200x32xf32, #tpu.memory_space<vmem>>, vector<16xf32>,
        %parallel_loop3A_531 = arith.constant 1 : i32
        %parallel_loop3A_532 = arith.constant 1 : i32
        %parallel_loop3A_533 = arith.index_cast %parallel_loop3A_531 : i32 to index
        %parallel_loop3A_534 = arith.index_cast %parallel_loop3A_532 : i32 to index
        %parallel_loop3A_535 = arith.index_cast %parallel_loop3A_483 : i32 to index
        %parallel_loop3A_536 = arith.constant 16 : index
        %parallel_loop3A_537 = tpu.vector_load %arg6[%parallel_loop3A_533, %parallel_loop3A_534, %parallel_loop3A_535, %parallel_loop3A_536] {strides = array<i32>} : memref<2x4x200x32xf32, #tpu.memory_space<vmem>>, vector<16xf32>,
        %parallel_loop3A_538 = arith.constant 200 : i32
        %parallel_loop3A_539 = vector.broadcast %parallel_loop3A_538 : i32 to vector<16xi32>
        %parallel_loop3A_540 = arith.muli %iota3A, %parallel_loop3A_539 : vector<16xi32>
        %parallel_loop3A_541 = vector.broadcast %parallel_loop3A_523 : i32 to vector<16xi32>
        %parallel_loop3A_542 = arith.addi %parallel_loop3A_541, %parallel_loop3A_540 : vector<16xi32>
        %parallel_loop3A_543 = arith.constant 1 : i32
        %parallel_loop3A_544 = arith.constant 0 : i32
        %parallel_loop3A_545 = tpu.memref_slice %arg7[%parallel_loop3A_543, %parallel_loop3A_544] : memref<2x25600xf32, #tpu.memory_space<vmem>> -> memref<1x25600xf32, #tpu.memory_space<vmem>>
        %parallel_loop3A_546 = tpu.memref_squeeze %parallel_loop3A_545 : memref<1x25600xf32, #tpu.memory_space<vmem>> -> memref<25600xf32, #tpu.memory_space<vmem>>
        tpu.vector_store_idx %parallel_loop3A_546[%parallel_loop3A_542], %parallel_loop3A_530 : memref<25600xf32, #tpu.memory_space<vmem>>[vector<16xi32>], vector<16xf32>,
        %parallel_loop3A_547 = arith.constant 16 : i32
        %parallel_loop3A_548 = vector.broadcast %parallel_loop3A_547 : i32 to vector<16xi32>
        %parallel_loop3A_549 = arith.addi %iota3A, %parallel_loop3A_548 : vector<16xi32>
        %parallel_loop3A_550 = arith.constant 200 : i32
        %parallel_loop3A_551 = vector.broadcast %parallel_loop3A_550 : i32 to vector<16xi32>
        %parallel_loop3A_552 = arith.muli %parallel_loop3A_549, %parallel_loop3A_551 : vector<16xi32>
        %parallel_loop3A_553 = vector.broadcast %parallel_loop3A_523 : i32 to vector<16xi32>
        %parallel_loop3A_554 = arith.addi %parallel_loop3A_553, %parallel_loop3A_552 : vector<16xi32>
        %parallel_loop3A_555 = arith.constant 1 : i32
        %parallel_loop3A_556 = arith.constant 0 : i32
        %parallel_loop3A_557 = tpu.memref_slice %arg7[%parallel_loop3A_555, %parallel_loop3A_556] : memref<2x25600xf32, #tpu.memory_space<vmem>> -> memref<1x25600xf32, #tpu.memory_space<vmem>>
        %parallel_loop3A_558 = tpu.memref_squeeze %parallel_loop3A_557 : memref<1x25600xf32, #tpu.memory_space<vmem>> -> memref<25600xf32, #tpu.memory_space<vmem>>
        tpu.vector_store_idx %parallel_loop3A_558[%parallel_loop3A_554], %parallel_loop3A_537 : memref<25600xf32, #tpu.memory_space<vmem>>[vector<16xi32>], vector<16xf32>,
        %parallel_loop3A_559 = arith.constant 12800 : i32
        %parallel_loop3A_560 = arith.addi %parallel_loop3A_559, %parallel_loop3A_483 : i32
        %parallel_loop3A_561 = arith.constant 1 : i32
        %parallel_loop3A_562 = arith.constant 2 : i32
        %parallel_loop3A_563 = arith.index_cast %parallel_loop3A_561 : i32 to index
        %parallel_loop3A_564 = arith.index_cast %parallel_loop3A_562 : i32 to index
        %parallel_loop3A_565 = arith.index_cast %parallel_loop3A_483 : i32 to index
        %parallel_loop3A_566 = arith.constant 0 : index
        %parallel_loop3A_567 = tpu.vector_load %arg6[%parallel_loop3A_563, %parallel_loop3A_564, %parallel_loop3A_565, %parallel_loop3A_566] {strides = array<i32>} : memref<2x4x200x32xf32, #tpu.memory_space<vmem>>, vector<16xf32>,
        %parallel_loop3A_568 = arith.constant 1 : i32
        %parallel_loop3A_569 = arith.constant 2 : i32
        %parallel_loop3A_570 = arith.index_cast %parallel_loop3A_568 : i32 to index
        %parallel_loop3A_571 = arith.index_cast %parallel_loop3A_569 : i32 to index
        %parallel_loop3A_572 = arith.index_cast %parallel_loop3A_483 : i32 to index
        %parallel_loop3A_573 = arith.constant 16 : index
        %parallel_loop3A_574 = tpu.vector_load %arg6[%parallel_loop3A_570, %parallel_loop3A_571, %parallel_loop3A_572, %parallel_loop3A_573] {strides = array<i32>} : memref<2x4x200x32xf32, #tpu.memory_space<vmem>>, vector<16xf32>,
        %parallel_loop3A_575 = arith.constant 200 : i32
        %parallel_loop3A_576 = vector.broadcast %parallel_loop3A_575 : i32 to vector<16xi32>
        %parallel_loop3A_577 = arith.muli %iota3A, %parallel_loop3A_576 : vector<16xi32>
        %parallel_loop3A_578 = vector.broadcast %parallel_loop3A_560 : i32 to vector<16xi32>
        %parallel_loop3A_579 = arith.addi %parallel_loop3A_578, %parallel_loop3A_577 : vector<16xi32>
        %parallel_loop3A_580 = arith.constant 1 : i32
        %parallel_loop3A_581 = arith.constant 0 : i32
        %parallel_loop3A_582 = tpu.memref_slice %arg7[%parallel_loop3A_580, %parallel_loop3A_581] : memref<2x25600xf32, #tpu.memory_space<vmem>> -> memref<1x25600xf32, #tpu.memory_space<vmem>>
        %parallel_loop3A_583 = tpu.memref_squeeze %parallel_loop3A_582 : memref<1x25600xf32, #tpu.memory_space<vmem>> -> memref<25600xf32, #tpu.memory_space<vmem>>
        tpu.vector_store_idx %parallel_loop3A_583[%parallel_loop3A_579], %parallel_loop3A_567 : memref<25600xf32, #tpu.memory_space<vmem>>[vector<16xi32>], vector<16xf32>,
        %parallel_loop3A_584 = arith.constant 16 : i32
        %parallel_loop3A_585 = vector.broadcast %parallel_loop3A_584 : i32 to vector<16xi32>
        %parallel_loop3A_586 = arith.addi %iota3A, %parallel_loop3A_585 : vector<16xi32>
        %parallel_loop3A_587 = arith.constant 200 : i32
        %parallel_loop3A_588 = vector.broadcast %parallel_loop3A_587 : i32 to vector<16xi32>
        %parallel_loop3A_589 = arith.muli %parallel_loop3A_586, %parallel_loop3A_588 : vector<16xi32>
        %parallel_loop3A_590 = vector.broadcast %parallel_loop3A_560 : i32 to vector<16xi32>
        %parallel_loop3A_591 = arith.addi %parallel_loop3A_590, %parallel_loop3A_589 : vector<16xi32>
        %parallel_loop3A_592 = arith.constant 1 : i32
        %parallel_loop3A_593 = arith.constant 0 : i32
        %parallel_loop3A_594 = tpu.memref_slice %arg7[%parallel_loop3A_592, %parallel_loop3A_593] : memref<2x25600xf32, #tpu.memory_space<vmem>> -> memref<1x25600xf32, #tpu.memory_space<vmem>>
        %parallel_loop3A_595 = tpu.memref_squeeze %parallel_loop3A_594 : memref<1x25600xf32, #tpu.memory_space<vmem>> -> memref<25600xf32, #tpu.memory_space<vmem>>
        tpu.vector_store_idx %parallel_loop3A_595[%parallel_loop3A_591], %parallel_loop3A_574 : memref<25600xf32, #tpu.memory_space<vmem>>[vector<16xi32>], vector<16xf32>,
        %parallel_loop3A_596 = arith.constant 19200 : i32
        %parallel_loop3A_597 = arith.addi %parallel_loop3A_596, %parallel_loop3A_483 : i32
        %parallel_loop3A_598 = arith.constant 1 : i32
        %parallel_loop3A_599 = arith.constant 3 : i32
        %parallel_loop3A_600 = arith.index_cast %parallel_loop3A_598 : i32 to index
        %parallel_loop3A_601 = arith.index_cast %parallel_loop3A_599 : i32 to index
        %parallel_loop3A_602 = arith.index_cast %parallel_loop3A_483 : i32 to index
        %parallel_loop3A_603 = arith.constant 0 : index
        %parallel_loop3A_604 = tpu.vector_load %arg6[%parallel_loop3A_600, %parallel_loop3A_601, %parallel_loop3A_602, %parallel_loop3A_603] {strides = array<i32>} : memref<2x4x200x32xf32, #tpu.memory_space<vmem>>, vector<16xf32>,
        %parallel_loop3A_605 = arith.constant 1 : i32
        %parallel_loop3A_606 = arith.constant 3 : i32
        %parallel_loop3A_607 = arith.index_cast %parallel_loop3A_605 : i32 to index
        %parallel_loop3A_608 = arith.index_cast %parallel_loop3A_606 : i32 to index
        %parallel_loop3A_609 = arith.index_cast %parallel_loop3A_483 : i32 to index
        %parallel_loop3A_610 = arith.constant 16 : index
        %parallel_loop3A_611 = tpu.vector_load %arg6[%parallel_loop3A_607, %parallel_loop3A_608, %parallel_loop3A_609, %parallel_loop3A_610] {strides = array<i32>} : memref<2x4x200x32xf32, #tpu.memory_space<vmem>>, vector<16xf32>,
        %parallel_loop3A_612 = arith.constant 200 : i32
        %parallel_loop3A_613 = vector.broadcast %parallel_loop3A_612 : i32 to vector<16xi32>
        %parallel_loop3A_614 = arith.muli %iota3A, %parallel_loop3A_613 : vector<16xi32>
        %parallel_loop3A_615 = vector.broadcast %parallel_loop3A_597 : i32 to vector<16xi32>
        %parallel_loop3A_616 = arith.addi %parallel_loop3A_615, %parallel_loop3A_614 : vector<16xi32>
        %parallel_loop3A_617 = arith.constant 1 : i32
        %parallel_loop3A_618 = arith.constant 0 : i32
        %parallel_loop3A_619 = tpu.memref_slice %arg7[%parallel_loop3A_617, %parallel_loop3A_618] : memref<2x25600xf32, #tpu.memory_space<vmem>> -> memref<1x25600xf32, #tpu.memory_space<vmem>>
        %parallel_loop3A_620 = tpu.memref_squeeze %parallel_loop3A_619 : memref<1x25600xf32, #tpu.memory_space<vmem>> -> memref<25600xf32, #tpu.memory_space<vmem>>
        tpu.vector_store_idx %parallel_loop3A_620[%parallel_loop3A_616], %parallel_loop3A_604 : memref<25600xf32, #tpu.memory_space<vmem>>[vector<16xi32>], vector<16xf32>,
        %parallel_loop3A_621 = arith.constant 16 : i32
        %parallel_loop3A_622 = vector.broadcast %parallel_loop3A_621 : i32 to vector<16xi32>
        %parallel_loop3A_623 = arith.addi %iota3A, %parallel_loop3A_622 : vector<16xi32>
        %parallel_loop3A_624 = arith.constant 200 : i32
        %parallel_loop3A_625 = vector.broadcast %parallel_loop3A_624 : i32 to vector<16xi32>
        %parallel_loop3A_626 = arith.muli %parallel_loop3A_623, %parallel_loop3A_625 : vector<16xi32>
        %parallel_loop3A_627 = vector.broadcast %parallel_loop3A_597 : i32 to vector<16xi32>
        %parallel_loop3A_628 = arith.addi %parallel_loop3A_627, %parallel_loop3A_626 : vector<16xi32>
        %parallel_loop3A_629 = arith.constant 1 : i32
        %parallel_loop3A_630 = arith.constant 0 : i32
        %parallel_loop3A_631 = tpu.memref_slice %arg7[%parallel_loop3A_629, %parallel_loop3A_630] : memref<2x25600xf32, #tpu.memory_space<vmem>> -> memref<1x25600xf32, #tpu.memory_space<vmem>>
        %parallel_loop3A_632 = tpu.memref_squeeze %parallel_loop3A_631 : memref<1x25600xf32, #tpu.memory_space<vmem>> -> memref<25600xf32, #tpu.memory_space<vmem>>
        tpu.vector_store_idx %parallel_loop3A_632[%parallel_loop3A_628], %parallel_loop3A_611 : memref<25600xf32, #tpu.memory_space<vmem>>[vector<16xi32>], vector<16xf32>,
        scf.yield %parallel_loop3A_484 : i32
      } {sc.loop_unroll_factor = 4 : i64, sc.parallel_access}
      %mul3A_472 = arith.constant 25600 : i32
      %mul3A_473 = arith.muli %add3A_339, %mul3A_472 : i32
      %dma_start3A_474 = arith.constant 1 : i32
      %dma_start3A_475 = arith.constant 0 : i32
      %dma_start3A_476 = tpu.memref_slice %arg7[%dma_start3A_474, %dma_start3A_475] : memref<2x25600xf32, #tpu.memory_space<vmem>> -> memref<1x25600xf32, #tpu.memory_space<vmem>>
      %dma_start3A_477 = tpu.memref_squeeze %dma_start3A_476 : memref<1x25600xf32, #tpu.memory_space<vmem>> -> memref<25600xf32, #tpu.memory_space<vmem>>
      %dma_start3A_478 = tpu.memref_slice %arg4[%mul3A_473] : memref<26214400xf32, #tpu.memory_space<hbm>> -> memref<25600xf32, #tpu.memory_space<hbm>>
      %dma_start3A_479 = tpu.memref_slice %arg4[%mul3A_473] : memref<26214400xf32, #tpu.memory_space<hbm>> -> memref<25600xf32, #tpu.memory_space<hbm>>
      %dma_start3A_480 = arith.constant 0 : i32
      %dma_start3A_481 = tpu.memref_slice %arg7[%dma_start3A_474, %dma_start3A_480] : memref<2x25600xf32, #tpu.memory_space<vmem>> -> memref<1x25600xf32, #tpu.memory_space<vmem>>
      %dma_start3A_482 = tpu.memref_squeeze %dma_start3A_481 : memref<1x25600xf32, #tpu.memory_space<vmem>> -> memref<25600xf32, #tpu.memory_space<vmem>>
      tpu.enqueue_dma source(%dma_start3A_482 : memref<25600xf32, #tpu.memory_space<vmem>>) target(%dma_start3A_479 : memref<25600xf32, #tpu.memory_space<hbm>>) target_semaphore(%arg11 : memref<!tpu.dma_semaphore, #tpu.memory_space<semaphore_mem>>)
    }
    %scan3A_153 = arith.constant 16 : i32
    %mul3A_154 = arith.constant 32 : i32
    %mul3A_155 = arith.muli %add3A, %mul3A_154 : i32
    %add3A_156 = arith.constant 32 : i32
    %add3A_157 = arith.addi %mul3A_155, %add3A_156 : i32
    %sub3A = arith.constant 2 : i32
    %sub3A_158 = arith.subi %add3A_157, %sub3A : i32
    %mul3A_159 = arith.constant 25600 : i32
    %mul3A_160 = arith.muli %sub3A_158, %mul3A_159 : i32
    %dma_wait3A_161 = arith.constant 0 : i32
    %dma_wait3A_162 = arith.constant 0 : i32
    %dma_wait3A_163 = tpu.memref_slice %arg7[%dma_wait3A_161, %dma_wait3A_162] : memref<2x25600xf32, #tpu.memory_space<vmem>> -> memref<1x25600xf32, #tpu.memory_space<vmem>>
    %dma_wait3A_164 = tpu.memref_squeeze %dma_wait3A_163 : memref<1x25600xf32, #tpu.memory_space<vmem>> -> memref<25600xf32, #tpu.memory_space<vmem>>
    %dma_wait3A_165 = tpu.memref_slice %arg4[%mul3A_160] : memref<26214400xf32, #tpu.memory_space<hbm>> -> memref<25600xf32, #tpu.memory_space<hbm>>
    %dma_wait3A_166 = tpu.memref_slice %arg4[%mul3A_160] : memref<26214400xf32, #tpu.memory_space<hbm>> -> memref<25600xf32, #tpu.memory_space<hbm>>
    %dma_wait3A_167 = arith.constant 0 : i32
    %dma_wait3A_168 = tpu.memref_slice %arg7[%dma_wait3A_161, %dma_wait3A_167] : memref<2x25600xf32, #tpu.memory_space<vmem>> -> memref<1x25600xf32, #tpu.memory_space<vmem>>
    %dma_wait3A_169 = tpu.memref_squeeze %dma_wait3A_168 : memref<1x25600xf32, #tpu.memory_space<vmem>> -> memref<25600xf32, #tpu.memory_space<vmem>>
    tpu.wait_dma2 semaphore(%arg10 : memref<!tpu.dma_semaphore, #tpu.memory_space<semaphore_mem>>) src(%dma_wait3A_169 : memref<25600xf32, #tpu.memory_space<vmem>>) dst(%dma_wait3A_166 : memref<25600xf32, #tpu.memory_space<hbm>>)
    %mul3A_170 = arith.constant 32 : i32
    %mul3A_171 = arith.muli %add3A, %mul3A_170 : i32
    %add3A_172 = arith.constant 32 : i32
    %add3A_173 = arith.addi %mul3A_171, %add3A_172 : i32
    %sub3A_174 = arith.constant 1 : i32
    %sub3A_175 = arith.subi %add3A_173, %sub3A_174 : i32
    %mul3A_176 = arith.constant 25600 : i32
    %mul3A_177 = arith.muli %sub3A_175, %mul3A_176 : i32
    %dma_wait3A_178 = arith.constant 1 : i32
    %dma_wait3A_179 = arith.constant 0 : i32
    %dma_wait3A_180 = tpu.memref_slice %arg7[%dma_wait3A_178, %dma_wait3A_179] : memref<2x25600xf32, #tpu.memory_space<vmem>> -> memref<1x25600xf32, #tpu.memory_space<vmem>>
    %dma_wait3A_181 = tpu.memref_squeeze %dma_wait3A_180 : memref<1x25600xf32, #tpu.memory_space<vmem>> -> memref<25600xf32, #tpu.memory_space<vmem>>
    %dma_wait3A_182 = tpu.memref_slice %arg4[%mul3A_177] : memref<26214400xf32, #tpu.memory_space<hbm>> -> memref<25600xf32, #tpu.memory_space<hbm>>
    %dma_wait3A_183 = tpu.memref_slice %arg4[%mul3A_177] : memref<26214400xf32, #tpu.memory_space<hbm>> -> memref<25600xf32, #tpu.memory_space<hbm>>
    %dma_wait3A_184 = arith.constant 0 : i32
    %dma_wait3A_185 = tpu.memref_slice %arg7[%dma_wait3A_178, %dma_wait3A_184] : memref<2x25600xf32, #tpu.memory_space<vmem>> -> memref<1x25600xf32, #tpu.memory_space<vmem>>
    %dma_wait3A_186 = tpu.memref_squeeze %dma_wait3A_185 : memref<1x25600xf32, #tpu.memory_space<vmem>> -> memref<25600xf32, #tpu.memory_space<vmem>>
    tpu.wait_dma2 semaphore(%arg11 : memref<!tpu.dma_semaphore, #tpu.memory_space<semaphore_mem>>) src(%dma_wait3A_186 : memref<25600xf32, #tpu.memory_space<vmem>>) dst(%dma_wait3A_183 : memref<25600xf32, #tpu.memory_space<hbm>>)
    return
  }
}

</mosaic_0001>

<sc_bundles>
// kernel: kernel.3.cloned.1.call-start
scs
__scs_entry_jumppad:
0x0: {  	(pc) =	sbr.rel $0x88, $3  }
0x1: {  	(tag) =	ssettag $0x0;
	lr =	simm.s32 $0x1  }
0x2: {  	[smem:$0x3F9F] =	sst lr;
	_ =	strace $0xD0000000  }
0x3: {  	_ = 	snop  }
0x4: {  	_ = 	snop  }
0x5: {  	_ = 	snop  }
0x6: {  	_ = 	snop  }
0x7: {  	_ = 	snop  }
__scs_overlays_trampoline_lowered:
0x8: {  	[smem:$0x3FAE] =	sst s0  }
0x9: {  	[smem:$0x3FAF] =	sst s1  }
0xa: {  	[smem:$0x3FB0] =	sst s2  }
0xb: {  	[smem:$0x3FB1] =	sst s3  }
0xc: {  	[smem:$0x3FB2] =	sst s4  }
0xd: {  	[smem:$0x3FB3] =	sst s5  }
0xe: {  	[smem:$0x3FB4] =	sst s6  }
0xf: {  	[smem:$0x3FB5] =	sst s7  }
0x10: {  	[smem:$0x3FB6] =	sst s8  }
0x11: {  	[smem:$0x3FB7] =	sst s9;
	s0 =	simm.s32 @!p0 $0x0  }
0x12: {  	s1 =	sld [smem:$0x3F9D];
	s0 =	simm.s32 @p0 $0x1  }
0x13: {  	[smem:$0x3FB8] =	sst s0;
	s0 =	simm.s32 @!p1 $0x0  }
0x14: {  	s2 =	sld [smem:$0x3F9C];
	s0 =	simm.s32 @p1 $0x1  }
0x15: {  	[smem:$0x3FB9] =	sst s0;
	s0 =	simm.s32 @!p2 $0x0  }
0x16: {  	s3 =	sld [smem:$0x3FDB];
	s0 =	simm.s32 @p2 $0x1  }
0x17: {  	s4 =	simm.s32 $0x1BF5;
	[smem:$0x3FBB] =	sst s0  }
0x18: {  	s0 =	sld [smem:$0x3F9E];
	_ =	swait.ge [sflag:s4], $0x0  }
0x19: {  	s7 =	sld [smem:$0x3F9F]  }
0x1a: {  	s8 =	sadd.s32 $0xFFFFE003, lr  }
0x1b: {  	s9 =	sadd.s32 $0xFFFFFEF7, lr;
	s5 =	simm.s32 $0xFFFFFFFF;
	p2 =	slt.u32 s8, $0xFFFFF086  }
0x1c: {  	p1 =	slt.u32 s9, $0xF7A;
	s5 =	simm.s32 @!p2 $0x0  }
0x1d: {  	s5 =	simm.s32 @p1 $0x1;
	p0 =	seq.s32 s7, s2  }
0x1e: {  	s7 =	smul.u32 @!p0 $0xF7A, s2;
	p2 =	seq.s32 @!p0 s5, $0x0  }
0x1f: {  	s9 =	smul.u32 $0xF7A, s1;
	s8 =	simm.s32 @!p0 $0x1BF5;
	p2 =	por !p2, p0  }
0x20: {  	[sflag:s8] =	ssyncset.s32 @!p0 $0xFFFFF086;
	s6 =	sadd.s32 @!p0 s3, s7;
	s7 =	simm.s32 @!p0 $0x108  }
0x21: {  	s3 =	sadd.s32 s3, s9;
	s6 =	sadd.s32 @!p0 $0x88, s6;
	s7 =	simm.s32 @p2 $0x1082  }
0x22: {  	[simem:s7], [sflag:s8] =	dma.local @!p0 [hbm:s6], $0xF7A  }
0x23: {  	s9 =	sor.u32 $0xD0000000, s2;
	s6 =	simm.s32 $0x108;
	_ =	swait.ge @!p0 [sflag:s8], $0x0  }
0x24: {  	s3 =	sadd.s32 $0x88, s3;
	s6 =	simm.s32 @!p1 $0x1082;
	[sflag:s4] =	ssyncset.s32 $0xFFFFF086  }
0x25: {  	[simem:s6], [sflag:s4] =	dma.local [hbm:s3], $0xF7A  }
0x26: {  	[smem:$0x3F9F] =	sst s1;
	(tag) =	ssettag s2;
	_ =	strace s9  }
0x27: {  	s1 =	sld [smem:$0x3FAF]  }
0x28: {  	s2 =	sld [smem:$0x3FB0]  }
0x29: {  	s4 =	sld [smem:$0x3FB2]  }
0x2a: {  	p0 =	seq.s32 s5, $0x0;
	s5 =	sld [smem:$0x3FB3]  }
0x2b: {  	s6 =	sld [smem:$0x3FB4]  }
0x2c: {  	s7 =	sld [smem:$0x3FB5]  }
0x2d: {  	s3 =	simm.s32 $0x108;
	s8 =	sld [smem:$0x3FB6]  }
0x2e: {  	s3 =	simm.s32 @!p0 $0x1082;
	s9 =	sld [smem:$0x3FB7]  }
0x2f: {  	lr =	sadd.s32 s0, s3;
	s0 =	sld [smem:$0x3FAE]  }
0x30: {  	s3 =	sld [smem:$0x3FB1]  }
0x31: {  	[smem:$0x3FBA] =	sst s10  }
0x32: {  	s10 =	sld [smem:$0x3FB8];
	_ =	sdelay $0x3  }
0x33: {  	p0 =	seq.s32 s10, $0x1;
	s10 =	sld [smem:$0x3FBA];
	_ =	sdelay $0x3  }
0x34: {  	[smem:$0x3FBA] =	sst s10  }
0x35: {  	s10 =	sld [smem:$0x3FB9];
	_ =	sdelay $0x3  }
0x36: {  	p1 =	seq.s32 s10, $0x1;
	s10 =	sld [smem:$0x3FBA];
	_ =	sdelay $0x3  }
0x37: {  	[smem:$0x3FBA] =	sst s10  }
0x38: {  	s10 =	sld [smem:$0x3FBB]  }
0x39: {  	_ = 	snop;
	(pc) =	sbr.ind lr, $3  }
0x3a: {  	_ = 	snop  }
0x3b: {  	_ = 	snop  }
0x3c: {  	p2 =	seq.s32 s10, $0x1;
	s10 =	sld [smem:$0x3FBA]  }
0x3d: {  	_ =	shalt  }
0x3e: {  	_ =	shalt  }
0x3f: {  	_ =	shalt  }
0x40: {  	_ =	shalt  }
0x41: {  	_ =	shalt  }
0x42: {  	_ =	shalt  }
0x43: {  	_ =	shalt  }
0x44: {  	_ =	shalt  }
0x45: {  	_ =	shalt  }
0x46: {  	_ =	shalt  }
0x47: {  	_ =	shalt  }
0x48: {  	_ =	shalt  }
0x49: {  	_ =	shalt  }
0x4a: {  	_ =	shalt  }
0x4b: {  	_ =	shalt  }
0x4c: {  	_ =	shalt  }
0x4d: {  	_ =	shalt  }
0x4e: {  	_ =	shalt  }
0x4f: {  	_ =	shalt  }
0x50: {  	_ =	shalt  }
0x51: {  	_ =	shalt  }
0x52: {  	_ =	shalt  }
0x53: {  	_ =	shalt  }
0x54: {  	_ =	shalt  }
0x55: {  	_ =	shalt  }
0x56: {  	_ =	shalt  }
0x57: {  	_ =	shalt  }
0x58: {  	_ =	shalt  }
0x59: {  	_ =	shalt  }
0x5a: {  	_ =	shalt  }
0x5b: {  	_ =	shalt  }
0x5c: {  	_ =	shalt  }
0x5d: {  	_ =	shalt  }
0x5e: {  	_ =	shalt  }
0x5f: {  	_ =	shalt  }
0x60: {  	_ =	shalt  }
0x61: {  	_ =	shalt  }
0x62: {  	_ =	shalt  }
0x63: {  	_ =	shalt  }
0x64: {  	_ =	shalt  }
0x65: {  	_ =	shalt  }
0x66: {  	_ =	shalt  }
0x67: {  	_ =	shalt  }
0x68: {  	_ =	shalt  }
0x69: {  	_ =	shalt  }
0x6a: {  	_ =	shalt  }
0x6b: {  	_ =	shalt  }
0x6c: {  	_ =	shalt  }
0x6d: {  	_ =	shalt  }
0x6e: {  	_ =	shalt  }
0x6f: {  	_ =	shalt  }
0x70: {  	_ =	shalt  }
0x71: {  	_ =	shalt  }
0x72: {  	_ =	shalt  }
0x73: {  	_ =	shalt  }
0x74: {  	_ =	shalt  }
0x75: {  	_ =	shalt  }
0x76: {  	_ =	shalt  }
0x77: {  	_ =	shalt  }
0x78: {  	_ =	shalt  }
0x79: {  	_ =	shalt  }
0x7a: {  	_ =	shalt  }
0x7b: {  	_ =	shalt  }
0x7c: {  	_ =	shalt  }
0x7d: {  	_ =	shalt  }
0x7e: {  	_ =	shalt  }
0x7f: {  	_ =	shalt  }
0x80: {  	_ =	shalt  }
0x81: {  	_ =	shalt  }
0x82: {  	_ =	shalt  }
0x83: {  	_ =	shalt  }
0x84: {  	_ =	shalt  }
0x85: {  	_ =	shalt  }
0x86: {  	_ =	shalt  }
0x87: {  	_ =	shalt  }
.Lfunc_end0:
.L_simem_size_0:
called_computation.1_lowered:
.L_overlay_start_0:
0x88: {  	s2 =	sld [smem:$0x3FD9]  }
0x89: {  	s3 =	sld [smem:$0x3FFE];
	_ =	sdelay $0x1  }
0x8a: {  	s1 =	srdreg.scid  }
0x8b: {  	s0 =	sand.u32 $0x1, s1  }
0x8c: {  	s17 =	sshll.u32 s0, $0xA;
	s2 =	sadd.s32 s3, s2  }
0x8d: {  	s2 =	sadd.s32 s2, s17  }
0x8e: {  	[smem:$0x3FC6] =	sst s2  }
0x8f: {  	_ = 	snop  }
0x90: {  	s2 =	sld [smem:$0x3FD0];
	(tm) =	ssettm $0x1  }
0x91: {  	s18 =	sld [smem:$0x3FFB];
	_ =	sdelay $0x3  }
0x92: {  	_ =	strace s18  }
0x93: {  	s3 =	sld [smem:$0x3FFC];
	_ =	sdelay $0x3  }
0x94: {  	_ =	strace s3  }
0x95: {  	s3 =	sld [smem:$0x3FFD];
	_ =	sdelay $0x3  }
0x96: {  	_ =	strace s3  }
0x97: {  	_ =	strace $0x8FFFFFFF  }
0x98: {  	s19 =	sld [smem:$0x3FDB];
	_ =	sdelay $0x1  }
0x99: {  	s4 =	simm.s32 $_scs_section_size  }
0x9a: {  	s5 =	simm.s32 $_size__tile_overlayer_lowered;
	s6 =	simm.s32 $_tile_overlayer_lowered  }
0x9b: {  	s22 =	simm.s32 $0x1BFF;
	s21 =	sshll.u32 s6, $0x1;
	s3 =	sadd.s32 s4, s19  }
0x9c: {  	s7 =	simm.s32 $0x0;
	s20 =	sshll.u32 s5, $0x1;
	s5 =	sadd.s32 s21, s3  }
0x9d: {  	[timem:s7], [sflag:s22] =	dma.local [hbm:s5], s20  }
0x9e: {  	_ =	swait.ge [sflag:s22], s20  }
0x9f: {  	s4 =	ssub.s32 $0x0, s20;
	[sflag:s22] =	ssyncset.done $0x0  }
0xa0: {  	[sflag:s22] =	ssyncadd.s32 s4;
	_ =	sdelay $0x1  }
0xa1: {  	s23 =	simm.s32 $0x1B8B  }
0xa2: {  	_ =	swait.ge [sflag:s23], $0x1  }
0xa3: {  	[sflag:s23] =	ssyncset.done $0x0  }
0xa4: {  	s25 =	simm.s32 $0x1B8E;
	s24 =	sld [smem:$0x3FFE];
	[sflag:s23] =	ssyncadd.s32 $0xFFFFFFFF  }
0xa5: {  	s26 =	simm.s32 $execute0_lowered;
	[smem:$0x3FD2] =	sst s25  }
0xa6: {  	s5 =	sshll.u32 s26, $0x1;
	_ =	strace $0x80000046;
	[dreg:$0x1] =	wrdreg $0xFFFFFFFF  }
0xa7: {  	s28 =	simm.s32 $_size_execute0_lowered;
	s3 =	sadd.s32 s3, s5;
	[dreg:$0x0] =	wrdreg $0x0  }
0xa8: {  	s5 =	sshll.u32 s28, $0x1;
	[dreg:$0x2] =	wrdreg s3  }
0xa9: {  	[dreg:$0x3] =	wrdreg s5  }
0xaa: {  	[dreg:$0x4] =	wrdreg $0xC0  }
0xab: {  	_ =	task [dreg:s7], $0x5FFFF  }
0xac: {  	[dreg:$0x1] =	wrdreg $0xFFFFFFFF  }
0xad: {  	[dreg:$0x0] =	wrdreg $0x60  }
0xae: {  	[dreg:$0x2] =	wrdreg s24  }
0xaf: {  	[dreg:$0x3] =	wrdreg s2  }
0xb0: {  	[dreg:$0x4] =	wrdreg $0x9  }
0xb1: {  	_ =	task.clear_ibuf [dreg:s7], $0x5FFFF;
	_ =	strace $0x90000046  }
0xb2: {  	s29 =	simm.s32 $0x9;
	_ =	strace $0x80000048  }
0xb3: {  	_ =	swait.ge [sflag:s29], $0x1  }
0xb4: {  	[sflag:s29] =	ssyncadd.s32 $0xFFFFFFFF  }
0xb5: {  	_ =	strace $0x90000048  }
0xb6: {  	_ =	sfence  }
0xb7: {  	s30 =	sld [smem:$0x0];
	_ =	sdelay $0x2  }
0xb8: {  	s31 =	sshll.u32 s1, $0xD;
	s1 =	sshrl.u32 s1, $0x2  }
0xb9: {  	s3 =	sand.u32 $0x4000, s31;
	s1 =	sadd.s32 s1, s30  }
0xba: {  	s0 =	sor.u32 s3, s0;
	s1 =	sshll.u32 s1, $0x11  }
0xbb: {  	s0 =	sor.u32 s1, s0  }
0xbc: {  	s0 =	sadd.s32 $0x8F2B, s0  }
0xbd: {  	[sflag:s0] =	ssyncadd.remote.s32 $0x1  }
0xbe: {  	_ =	sfence.sel $0xFFFF  }
0xbf: {  	[dreg:$0x0] =	wrdreg $0xFFFFFFFF;
	(pc) =	sbr.abs _section_cstart, $3  }
0xc0: {  	[dreg:$0x1] =	wrdreg $0xFFFFFFFF  }
0xc1: {  	_ =	task.clear_ibuf [dreg:s7], $0x2FFFF;
	_ =	strace $0x9FFFFFFF  }
0xc2: {  	(tm) =	ssettm $0x7FFFFFFF  }
0xc3: {  	_ =	shalt  }
tec
execute0_lowered:
.L_overlay_start_1:
0x0: {  	(tag) =	ssettag $0x1  }
0x1: {  	s0 =	srdreg.scid;
	s1 =	rddreg [dreg:$0x0]  }
0x2: {  	s3 =	stileid.u32;
	s2 =	rddreg [dreg:$0x1];
	s10 =	simm.s32 $0x64  }
0x3: {  	s26 =	simm.s32 $0x340;
	s28 =	simm.s32 $0x1;
	s29 =	simm.s32 $0x6  }
0x4: {  	s16 =	simm.s32 $0x548;
	s17 =	simm.s32 $0xA900;
	s18 =	simm.s32 $0x5B0  }
0x5: {  	s19 =	simm.s32 $0xB580;
	s20 =	simm.s32 $0x618;
	s21 =	simm.s32 $0xC200  }
0x6: {  	s22 =	simm.s32 $0xCE80;
	s23 =	simm.s32 $0x2;
	s0 =	sand.u32 $0x1, s0  }
0x7: {  	s4 =	sshll.u32 s3, $0x6;
	s5 =	sshll.u32 s0, $0x5;
	s0 =	ssub.s32 $0x2, s0  }
0x8: {  	s24 =	simm.s32 $0x13280;
	s4 =	sor.u32 s5, s4;
	s8 =	sshrl.u32 s0, $0x1  }
0x9: {  	v0 =	vlaneseq.u32;
	s3 =	simm.s32 $0x0;
	s7 =	smul.u32 $0x68, s4;
	s0 =	ssub.s32 s0, s8  }
0xa: {  	v0 =	vmul.u32 $0xC8, v0;
	[smem:$0x7FF] =	sst s3;
	s5 =	sadd.s32 $0xA00, s1;
	s0 =	smax.u32 s0, $0x1  }
0xb: {  	_ =	strace $0x80000047;
	s31 =	sadd.s32 s5, s7;
	[dreg:$0x4] =	wrdreg s0  }
0xc: {  	s6 =	sadd.s32 $0xF42E00, s1;
	v1 =	vadd.s32 $0xC80, v0;
	s7 =	simm.s32 $0x0;
	[dreg:$0x3] =	wrdreg s31  }
.LBB2_1:
0xd: {  	[dreg:$0x5] =	wrdreg s7  }
0xe: {  	s0 =	rddreg [dreg:$0x3];
	s25 =	simm.s32 $0x5  }
0xf: {  	[tilespmem:s3], [sflag:$0x5] =	stream.linear.gather [hbm4b:s0+s3], $0x340, $0x38;
	[tilespmem:$0x19680] =	vst v63  }
0x10: {  	_ =	swait.ge [sflag:s25], $0x340  }
0x11: {  	[sflag:s25] =	ssyncset.done $0x0  }
0x12: {  	s30 =	simm.s32 $0x680;
	[sflag:s25] =	ssyncadd.s32 $0xFFFFFCC0  }
0x13: {  	[tilespmem:s30], [sflag:$0x1] =	stream.indirect.gather [hbm4b:s6+s10], $0x20, s3, s10, $0xb8;
	[tilespmem:$0x19680] =	vst v63  }
0x14: {  	s31 =	simm.s32 $0x68;
	s1 =	simm.s32 $0x1300  }
0x15: {  	[tilespmem:s1], [sflag:$0x1] =	stream.indirect.gather [hbm4b:s6+s10], $0x20, s31, s10, $0xb8;
	[tilespmem:$0x19680] =	vst v63  }
0x16: {  	s7 =	simm.s32 $0x1F80;
	s1 =	simm.s32 $0xD0  }
0x17: {  	[tilespmem:s7], [sflag:$0x1] =	stream.indirect.gather [hbm4b:s6+s10], $0x20, s1, s10, $0xb8;
	[tilespmem:$0x19680] =	vst v63  }
0x18: {  	s8 =	simm.s32 $0x138;
	s9 =	simm.s32 $0x2C00  }
0x19: {  	[tilespmem:s9], [sflag:$0x1] =	stream.indirect.gather [hbm4b:s6+s10], $0x20, s8, s10, $0xb8;
	[tilespmem:$0x19680] =	vst v63  }
0x1a: {  	s11 =	simm.s32 $0x1A0;
	s12 =	simm.s32 $0x3880  }
0x1b: {  	[tilespmem:s12], [sflag:$0x1] =	stream.indirect.gather [hbm4b:s6+s10], $0x20, s11, s10, $0xb8;
	[tilespmem:$0x19680] =	vst v63  }
0x1c: {  	s13 =	simm.s32 $0x208;
	s14 =	simm.s32 $0x4500  }
0x1d: {  	[tilespmem:s14], [sflag:$0x1] =	stream.indirect.gather [hbm4b:s6+s10], $0x20, s13, s10, $0xb8;
	[tilespmem:$0x19680] =	vst v63  }
0x1e: {  	s15 =	simm.s32 $0x270;
	s25 =	simm.s32 $0x5180  }
0x1f: {  	[tilespmem:s25], [sflag:$0x1] =	stream.indirect.gather [hbm4b:s6+s10], $0x20, s15, s10, $0xb8;
	[tilespmem:$0x19680] =	vst v63  }
0x20: {  	s30 =	simm.s32 $0x2D8;
	s31 =	simm.s32 $0x5E00;
	s9 =	simm.s32 $0x0  }
0x21: {  	[tilespmem:s31], [sflag:$0x1] =	stream.indirect.gather [hbm4b:s6+s10], $0x20, s30, s10, $0xb8;
	[tilespmem:$0x19680] =	vst v63  }
.LBB2_2:
0x22: {  	s25 =	sshll.u32 s9, $0x1  }
0x23: {  	s7 =	sor.u32 s4, s25  }
0x24: {  	s0 =	smul.u32 $0x340, s7;
	_ =	sdelay $0x1  }
0x25: {  	s0 =	sshrl.u32 s0, $0x3  }
0x26: {  	s0 =	sadd.s32 s5, s0  }
0x27: {  	s0 =	sadd.s32 $0x68, s0  }
0x28: {  	[tilespmem:s26], [sflag:$0x6] =	stream.linear.gather [hbm4b:s0+s3], $0x340, $0x38;
	[tilespmem:$0x19680] =	vst v63  }
0x29: {  	_ =	swait.ge [sflag:s28], $0xC80  }
0x2a: {  	[sflag:s28] =	ssyncset.done $0x0  }
0x2b: {  	[sflag:s28] =	ssyncadd.s32 $0xFFFFF380  }
0x2c: {  	_ =	swait.ge [sflag:s28], $0xC80  }
0x2d: {  	[sflag:s28] =	ssyncset.done $0x0  }
0x2e: {  	[sflag:s28] =	ssyncadd.s32 $0xFFFFF380  }
0x2f: {  	_ =	swait.ge [sflag:s28], $0xC80  }
0x30: {  	[sflag:s28] =	ssyncset.done $0x0  }
0x31: {  	[sflag:s28] =	ssyncadd.s32 $0xFFFFF380  }
0x32: {  	_ =	swait.ge [sflag:s28], $0xC80  }
0x33: {  	[sflag:s28] =	ssyncset.done $0x0  }
0x34: {  	[sflag:s28] =	ssyncadd.s32 $0xFFFFF380  }
0x35: {  	_ =	swait.ge [sflag:s28], $0xC80  }
0x36: {  	[sflag:s28] =	ssyncset.done $0x0  }
0x37: {  	[sflag:s28] =	ssyncadd.s32 $0xFFFFF380  }
0x38: {  	_ =	swait.ge [sflag:s28], $0xC80  }
0x39: {  	[sflag:s28] =	ssyncset.done $0x0  }
0x3a: {  	[sflag:s28] =	ssyncadd.s32 $0xFFFFF380  }
0x3b: {  	_ =	swait.ge [sflag:s28], $0xC80  }
0x3c: {  	[sflag:s28] =	ssyncset.done $0x0  }
0x3d: {  	[sflag:s28] =	ssyncadd.s32 $0xFFFFF380  }
0x3e: {  	_ =	swait.ge [sflag:s28], $0xC80  }
0x3f: {  	[sflag:s28] =	ssyncset.done $0x0  }
0x40: {  	[sflag:s28] =	ssyncadd.s32 $0xFFFFF380  }
0x41: {  	_ =	swait.ge [sflag:s29], $0x340  }
0x42: {  	[sflag:s29] =	ssyncset.done $0x0  }
0x43: {  	s8 =	simm.s32 $0x6A80;
	[sflag:s29] =	ssyncadd.s32 $0xFFFFFCC0  }
0x44: {  	[tilespmem:s8], [sflag:$0x2] =	stream.indirect.gather [hbm4b:s6+s10], $0x20, s26, s10, $0xb8;
	[tilespmem:$0x19680] =	vst v63  }
0x45: {  	s11 =	simm.s32 $0x3A8;
	s1 =	simm.s32 $0x7700  }
0x46: {  	[tilespmem:s1], [sflag:$0x2] =	stream.indirect.gather [hbm4b:s6+s10], $0x20, s11, s10, $0xb8;
	[tilespmem:$0x19680] =	vst v63  }
0x47: {  	s12 =	simm.s32 $0x410;
	s13 =	simm.s32 $0x8380  }
0x48: {  	[tilespmem:s13], [sflag:$0x2] =	stream.indirect.gather [hbm4b:s6+s10], $0x20, s12, s10, $0xb8;
	[tilespmem:$0x19680] =	vst v63  }
0x49: {  	s14 =	simm.s32 $0x478;
	s15 =	simm.s32 $0x9000  }
0x4a: {  	[tilespmem:s15], [sflag:$0x2] =	stream.indirect.gather [hbm4b:s6+s10], $0x20, s14, s10, $0xb8;
	[tilespmem:$0x19680] =	vst v63  }
0x4b: {  	s8 =	simm.s32 $0x4E0;
	s11 =	simm.s32 $0x9C80  }
0x4c: {  	[tilespmem:s11], [sflag:$0x2] =	stream.indirect.gather [hbm4b:s6+s10], $0x20, s8, s10, $0xb8;
	[tilespmem:$0x19680] =	vst v63  }
0x4d: {  	_ = 	snop  }
0x4e: {  	[tilespmem:s17], [sflag:$0x2] =	stream.indirect.gather [hbm4b:s6+s10], $0x20, s16, s10, $0xb8;
	[tilespmem:$0x19680] =	vst v63  }
0x4f: {  	p0 =	seq.s32 s9, $0x0  }
0x50: {  	[tilespmem:s19], [sflag:$0x2] =	stream.indirect.gather [hbm4b:s6+s10], $0x20, s18, s10, $0xb8;
	[tilespmem:$0x19680] =	vst v63  }
0x51: {  	s1 =	simm.s32 $0x3200;
	s12 =	simm.s32 $0x0;
	s11 =	simm.s32 @!p0 $0x3  }
0x52: {  	v5 =	vmov s1;
	[tilespmem:s21], [sflag:$0x2] =	stream.indirect.gather [hbm4b:s6+s10], $0x20, s20, s10, $0xb8;
	[tilespmem:$0x19680] =	vst v63  }
0x53: {  	v2 =	vmov s12;
	v3 =	vadd.s32 s12, v0;
	v4 =	vadd.s32 s12, v1;
	s12 =	simm.s32 $0x2;
	_ =	swait.ge @!p0 [sflag:s11], $0x6400  }
0x54: {  	v6 =	vadd.s32 s1, v0;
	v8 =	vmov s12;
	v9 =	vadd.s32 s12, v0;
	[sflag:s11] =	ssyncset.done @!p0 $0x0  }
0x55: {  	s0 =	simm.s32 $0x51F0;
	s13 =	simm.s32 $0x1;
	v10 =	vadd.s32 s12, v1;
	v9 =	vand.u32 $0x1FF8, v9;
	v8 =	vand.u32 $0x6, v8;
	[sflag:s11] =	ssyncadd.s32 @!p0 $0xFFFF9C00  }
0x56: {  	v13 =	vmov s13;
	v10 =	vand.u32 $0x3FF8, v10;
	v9 =	vor.u32 v8, v9;
	v12 =	vld [tilespmem:s0+$0xFFFFB4D0]  }
0x57: {  	v14 =	vadd.s32 s13, v0;
	v13 =	vand.u32 $0x5, v13;
	v8 =	vor.u32 v8, v10;
	v15 =	vld [tilespmem:s0+$0xFFFFB4E0]  }
0x58: {  	s14 =	simm.s32 $0x1900;
	v3 =	vand.u32 $0x1FF8, v3;
	v2 =	vand.u32 $0x4, v2;
	v4 =	vand.u32 $0x3FF8, v4  }
0x59: {  	v17 =	vmov s14;
	v10 =	vand.u32 $0x1FF8, v14;
	v14 =	vadd.s32 s13, v1;
	s13 =	simm.s32 $0x3  }
0x5a: {  	s30 =	simm.s32 $0x1902;
	v10 =	vor.u32 v13, v10;
	v14 =	vand.u32 $0x3FF8, v14;
	v19 =	vadd.s32 s13, v0;
	v18 =	vld [tilespmem:s0+$0xFFFFB4B0]  }
0x5b: {  	v13 =	vor.u32 v13, v14;
	v20 =	vld [tilespmem:s0+$0xFFFFB4C0];
	[tilespmem:v9+s22+$0x0] =	vst.idx.msk $0xffff, v12;
	v9 =	vmov s30;
	v12 =	vadd.s32 s30, v0  }
0x5c: {  	v22 =	vld [tilespmem:s0+$0xFFFFB4F0];
	[tilespmem:v8+s22+$0x0] =	vst.idx.msk $0xffff, v15;
	v8 =	vand.u32 $0x3FF8, v12;
	v9 =	vand.u32 $0x6, v9;
	v12 =	vadd.s32 s30, v1  }
0x5d: {  	v3 =	vor.u32 v2, v3;
	s8 =	simm.s32 $0x3201;
	v23 =	vld [tilespmem:s0+$0xFFFFCDD0];
	v8 =	vor.u32 v9, v8;
	v12 =	vand.u32 $0x3FF8, v12  }
0x5e: {  	s15 =	simm.s32 $0x1901;
	v2 =	vor.u32 v2, v4;
	v7 =	vmov s8;
	v24 =	vld [tilespmem:s0+$0xFFFFCDE0];
	v9 =	vor.u32 v9, v12  }
0x5f: {  	v21 =	vadd.s32 s13, v1;
	v14 =	vmov s15;
	[tilespmem:v10+s22+$0x0] =	vst.idx.msk $0xffff, v18;
	v10 =	vld [tilespmem:s0+$0xFFFFB490];
	v15 =	vadd.s32 s15, v0  }
0x60: {  	v16 =	vld [tilespmem:s0+$0xFFFFB4A0];
	[tilespmem:v13+s22+$0x0] =	vst.idx.msk $0xffff, v20;
	v13 =	vand.u32 $0x5, v14;
	v4 =	vand.u32 $0x3FF8, v15;
	v12 =	vadd.s32 s15, v1  }
0x61: {  	s13 =	simm.s32 $0x3202;
	v18 =	vld [tilespmem:s0+$0xFFFFB500];
	[tilespmem:v19+s22+$0x0] =	vst.idx.msk $0xffff, v22;
	v14 =	vadd.s32 s14, v0;
	v4 =	vor.u32 v13, v4;
	v12 =	vand.u32 $0x3FF8, v12  }
0x62: {  	v15 =	vld [tilespmem:s0+$0xFFFFCDB0];
	v12 =	vor.u32 v13, v12;
	v13 =	vadd.s32 s13, v0;
	[tilespmem:v8+s22+$0x0] =	vst.idx.msk $0xffff, v23;
	v8 =	vmov s13  }
0x63: {  	v19 =	vld [tilespmem:s0+$0xFFFFCDC0];
	[tilespmem:v9+s22+$0x0] =	vst.idx.msk $0xffff, v24;
	v9 =	vand.u32 $0x7FF8, v13;
	v8 =	vand.u32 $0x6, v8;
	v13 =	vadd.s32 s13, v1  }
0x64: {  	[tilespmem:v3+s22+$0x0] =	vst.idx.msk $0xffff, v10;
	v3 =	vadd.s32 s14, v1;
	v10 =	vld [tilespmem:s0+$0xFFFFE6D0];
	v9 =	vor.u32 v8, v9;
	v13 =	vand.u32 $0x7FF8, v13  }
0x65: {  	[tilespmem:v2+s22+$0x0] =	vst.idx.msk $0xffff, v16;
	v2 =	vand.u32 $0x3FF8, v14;
	v14 =	vand.u32 $0x4, v17;
	v16 =	vld [tilespmem:s0+$0xFFFFE6E0];
	v8 =	vor.u32 v8, v13  }
0x66: {  	v11 =	vadd.s32 s8, v0;
	[tilespmem:v21+s22+$0x0] =	vst.idx.msk $0xffff, v18;
	v3 =	vand.u32 $0x3FF8, v3;
	v2 =	vor.u32 v14, v2;
	v13 =	vld [tilespmem:s0+$0xFFFFCD90]  }
0x67: {  	v11 =	vand.u32 $0x7FF8, v11;
	s14 =	simm.s32 $0x1903;
	v17 =	vadd.s32 s8, v1;
	v3 =	vor.u32 v14, v3;
	[tilespmem:v4+s22+$0x0] =	vst.idx.msk $0xffff, v15;
	v4 =	vld [tilespmem:s0+$0xFFFFCDA0]  }
0x68: {  	v7 =	vand.u32 $0x5, v7;
	v14 =	vadd.s32 s14, v0;
	v15 =	vld [tilespmem:s0+$0xFFFFCDF0];
	[tilespmem:v12+s22+$0x0] =	vst.idx.msk $0xffff, v19;
	v12 =	vand.u32 $0x7FF8, v17  }
0x69: {  	v11 =	vor.u32 v7, v11;
	s15 =	simm.s32 $0x4B02;
	v18 =	vadd.s32 s14, v1;
	v17 =	vld [tilespmem:s0+$0xFFFFCE00];
	v7 =	vor.u32 v7, v12;
	[tilespmem:v9+s22+$0x0] =	vst.idx.msk $0xffff, v10  }
0x6a: {  	v19 =	vld [tilespmem:s0+$0xFFFFE6B0];
	v12 =	vadd.s32 s15, v1;
	v9 =	vmov s15;
	v10 =	vadd.s32 s15, v0;
	[tilespmem:v8+s22+$0x0] =	vst.idx.msk $0xffff, v16  }
0x6b: {  	v12 =	vand.u32 $0x7FF8, v12;
	v8 =	vand.u32 $0x5FF8, v10;
	v9 =	vand.u32 $0x6, v9;
	v10 =	vld [tilespmem:s0+$0xFFFFE6C0];
	[tilespmem:v2+s22+$0x0] =	vst.idx.msk $0xffff, v13  }
0x6c: {  	v8 =	vor.u32 v9, v8;
	v13 =	vld [tilespmem:s0+$0xFFFFFFD0];
	[tilespmem:v3+s22+$0x0] =	vst.idx.msk $0xffff, v4;
	v3 =	vand.u32 $0x7FF8, v6;
	v4 =	vand.u32 $0x4, v5  }
0x6d: {  	[tilespmem:v14+s22+$0x0] =	vst.idx.msk $0xffff, v15;
	v2 =	vadd.s32 s1, v1;
	v6 =	vor.u32 v9, v12;
	v9 =	vld [tilespmem:s0+$0xFFFFE690];
	v3 =	vor.u32 v4, v3  }
0x6e: {  	s12 =	simm.s32 $0x3203;
	s11 =	simm.s32 $0x4B01;
	[tilespmem:v18+s22+$0x0] =	vst.idx.msk $0xffff, v17;
	v2 =	vand.u32 $0x7FF8, v2;
	v14 =	vld [tilespmem:s0+$0xFFFFFFE0]  }
0x6f: {  	s8 =	simm.s32 $0x4;
	v15 =	vadd.s32 s11, v1;
	v16 =	vadd.s32 s12, v0;
	[tilespmem:v11+s22+$0x0] =	vst.idx.msk $0xffff, v19;
	v12 =	vld [tilespmem:s0+$0xFFFFE6A0];
	v2 =	vor.u32 v4, v2  }
0x70: {  	v5 =	vmov s8;
	v11 =	vadd.s32 s11, v0;
	v4 =	vmov s11;
	[tilespmem:v7+s22+$0x0] =	vst.idx.msk $0xffff, v10;
	v7 =	vld [tilespmem:s0+$0xFFFFE6F0]  }
0x71: {  	v4 =	vand.u32 $0x5, v4;
	v10 =	vand.u32 $0x5FF8, v11;
	v11 =	vadd.s32 s12, v1;
	[tilespmem:v8+s22+$0x0] =	vst.idx.msk $0xffff, v13;
	v13 =	vld [tilespmem:s0+$0xFFFFE700]  }
0x72: {  	s13 =	simm.s32 $0x4B00;
	v8 =	vadd.s32 s8, v0;
	v17 =	vor.u32 v4, v10;
	v10 =	vand.u32 $0x7FF8, v15;
	[tilespmem:v3+s22+$0x0] =	vst.idx.msk $0xffff, v9  }
0x73: {  	v15 =	vld [tilespmem:s0+$0xFFFFFFB0];
	v3 =	vmov s13;
	v9 =	vadd.s32 s13, v0;
	v18 =	vor.u32 v4, v10;
	[tilespmem:v6+s22+$0x0] =	vst.idx.msk $0xffff, v14  }
0x74: {  	s14 =	simm.s32 $0x4B03;
	v19 =	vld [tilespmem:s0+$0xFFFFFFC0];
	v4 =	vadd.s32 s13, v1;
	[tilespmem:v2+s22+$0x0] =	vst.idx.msk $0xffff, v12;
	v2 =	vand.u32 $0x5FF8, v9;
	v3 =	vand.u32 $0x4, v3  }
0x75: {  	s15 =	simm.s32 $0x6;
	s1 =	simm.s32 $0x3205;
	v10 =	vadd.s32 s14, v1;
	v20 =	vld [tilespmem:s0+$0xFFFFFF90];
	v60 =	vor.u32 v3, v2;
	v2 =	vand.u32 $0x7FF8, v4;
	[tilespmem:v16+s22+$0x0] =	vst.idx.msk $0xffff, v7  }
0x76: {  	v6 =	vadd.s32 s1, v0;
	v14 =	vadd.s32 s15, v0;
	v61 =	vld [tilespmem:s0+$0xFFFFFFA0];
	v62 =	vor.u32 v3, v2;
	[tilespmem:v11+s22+$0x0] =	vst.idx.msk $0xffff, v13  }
0x77: {  	s31 =	simm.s32 $0x3204;
	v9 =	vadd.s32 s8, v1;
	v12 =	vadd.s32 s14, v0;
	v4 =	vmov s1;
	v13 =	vld [tilespmem:s0+$0xFFFFFFF0]  }
0x78: {  	v2 =	vmov s31;
	v3 =	vadd.s32 s31, v0;
	v7 =	vmov s15;
	[tilespmem:v17+s22+$0x0] =	vst.idx.msk $0xffff, v15;
	v11 =	vld [tilespmem:s0+$0x0]  }
0x79: {  	s30 =	simm.s32 $0x5270;
	s13 =	simm.s32 $0x5;
	v15 =	vand.u32 $0x1FF8, v14;
	v17 =	vand.u32 $0x6, v7;
	v7 =	vadd.s32 s15, v1;
	[tilespmem:v18+s22+$0x0] =	vst.idx.msk $0xffff, v19  }
0x7a: {  	v14 =	vld [tilespmem:s30+$0xFFFFB4D0];
	s0 =	simm.s32 $0x1907;
	v15 =	vor.u32 v17, v15;
	v63 =	vand.u32 $0x3FF8, v7;
	v18 =	vmov s13;
	[tilespmem:v60+s22+$0x0] =	vst.idx.msk $0xffff, v20  }
0x7b: {  	s11 =	simm.s32 $0x8;
	v16 =	vld [tilespmem:s30+$0xFFFFB4E0];
	v19 =	vadd.s32 s13, v0;
	v7 =	vadd.s32 s0, v0;
	v17 =	vor.u32 v17, v63;
	[tilespmem:v62+s22+$0x0] =	vst.idx.msk $0xffff, v61  }
.LBB2_3:
0x7c: {  	p1 =	slt.u32 s11, $0xC4;
	v20 =	vld [tilespmem:s30+$0xFFFFB4A0];
	s12 =	sadd.s32 $0x1900, s8;
	v19 =	vand.u32 $0x1FF8, v19;
	v18 =	vand.u32 $0x5, v18;
	v21 =	vadd.s32 s13, v1;
	[tilespmem:v12+s22+$0x0] =	vst.idx.msk $0xffff, v13  }
0x7d: {  	s13 =	sadd.s32 $0x1901, s8;
	s14 =	sadd.s32 $0x3, s8;
	v12 =	vmov s12;
	v13 =	vld [tilespmem:s30+$0xFFFFB4B0];
	v19 =	vor.u32 v18, v19;
	v21 =	vand.u32 $0x3FF8, v21;
	[tilespmem:v10+s22+$0x0] =	vst.idx.msk $0xffff, v11  }
0x7e: {  	s15 =	sadd.s32 $0x1902, s8;
	v10 =	vld [tilespmem:s30+$0xFFFFB4C0];
	v11 =	vor.u32 v18, v21;
	v18 =	vmov s13;
	v21 =	vadd.s32 s14, v0  }
0x7f: {  	v23 =	vadd.s32 s14, v1;
	[tilespmem:v15+s22+$0x0] =	vst.idx.msk $0xffff, v14;
	v14 =	vmov s15;
	v15 =	vadd.s32 s15, v0;
	v22 =	vld [tilespmem:s30+$0xFFFFB4F0]  }
0x80: {  	[tilespmem:v17+s22+$0x0] =	vst.idx.msk $0xffff, v16;
	v15 =	vand.u32 $0x3FF8, v15;
	v14 =	vand.u32 $0x6, v14;
	v16 =	vadd.s32 s15, v1;
	v17 =	vld [tilespmem:s30+$0xFFFFB500]  }
0x81: {  	v24 =	vadd.s32 s13, v0;
	v25 =	vld [tilespmem:s30+$0xFFFFCDD0];
	v15 =	vor.u32 v14, v15;
	v16 =	vand.u32 $0x3FF8, v16  }
0x82: {  	v8 =	vand.u32 $0x1FF8, v8;
	v5 =	vand.u32 $0x4, v5;
	[tilespmem:v19+s22+$0x0] =	vst.idx.msk $0xffff, v13;
	v13 =	vld [tilespmem:s30+$0xFFFFCDE0];
	v14 =	vor.u32 v14, v16  }
0x83: {  	v9 =	vand.u32 $0x3FF8, v9;
	v8 =	vor.u32 v5, v8;
	v16 =	vld [tilespmem:s30+$0xFFFFB490];
	[tilespmem:v11+s22+$0x0] =	vst.idx.msk $0xffff, v10;
	v10 =	vadd.s32 s13, v1  }
0x84: {  	v5 =	vor.u32 v5, v9;
	v18 =	vand.u32 $0x5, v18;
	v11 =	vand.u32 $0x3FF8, v24;
	v9 =	vld [tilespmem:s30+$0xFFFFCDB0];
	[tilespmem:v21+s22+$0x0] =	vst.idx.msk $0xffff, v22  }
0x85: {  	v19 =	vadd.s32 s12, v0;
	s13 =	sadd.s32 $0x3202, s8;
	v11 =	vor.u32 v18, v11;
	v10 =	vand.u32 $0x3FF8, v10;
	v21 =	vld [tilespmem:s30+$0xFFFFCDC0];
	[tilespmem:v23+s22+$0x0] =	vst.idx.msk $0xffff, v17  }
0x86: {  	v10 =	vor.u32 v18, v10;
	v17 =	vadd.s32 s13, v0;
	[tilespmem:v15+s22+$0x0] =	vst.idx.msk $0xffff, v25;
	v15 =	vmov s13;
	v18 =	vld [tilespmem:s30+$0xFFFFCDF0]  }
0x87: {  	[tilespmem:v14+s22+$0x0] =	vst.idx.msk $0xffff, v13;
	v13 =	vand.u32 $0x7FF8, v17;
	v14 =	vand.u32 $0x6, v15;
	v15 =	vadd.s32 s13, v1;
	v17 =	vld [tilespmem:s30+$0xFFFFCE00]  }
0x88: {  	[tilespmem:v8+s22+$0x0] =	vst.idx.msk $0xffff, v16;
	v8 =	vadd.s32 s12, v1;
	v16 =	vld [tilespmem:s30+$0xFFFFE6D0];
	v13 =	vor.u32 v14, v13;
	v15 =	vand.u32 $0x7FF8, v15  }
0x89: {  	v12 =	vand.u32 $0x4, v12;
	[tilespmem:v5+s22+$0x0] =	vst.idx.msk $0xffff, v20;
	v5 =	vand.u32 $0x3FF8, v19;
	v19 =	vld [tilespmem:s30+$0xFFFFE6E0];
	v14 =	vor.u32 v14, v15  }
0x8a: {  	v8 =	vand.u32 $0x3FF8, v8;
	v15 =	vld [tilespmem:s30+$0xFFFFCD90];
	v5 =	vor.u32 v12, v5;
	[tilespmem:v11+s22+$0x0] =	vst.idx.msk $0xffff, v9;
	v9 =	vadd.s32 s1, v1  }
0x8b: {  	v6 =	vand.u32 $0x7FF8, v6;
	v4 =	vand.u32 $0x5, v4;
	v8 =	vor.u32 v12, v8;
	v11 =	vld [tilespmem:s30+$0xFFFFCDA0];
	[tilespmem:v10+s22+$0x0] =	vst.idx.msk $0xffff, v21  }
0x8c: {  	v6 =	vor.u32 v4, v6;
	s1 =	sadd.s32 $0x4B02, s8;
	v9 =	vand.u32 $0x7FF8, v9;
	v10 =	vld [tilespmem:s30+$0xFFFFE6B0];
	[tilespmem:v7+s22+$0x0] =	vst.idx.msk $0xffff, v18;
	v7 =	vadd.s32 s0, v1  }
0x8d: {  	v4 =	vor.u32 v4, v9;
	v9 =	vmov s1;
	v12 =	vld [tilespmem:s30+$0xFFFFE6C0];
	[tilespmem:v13+s22+$0x0] =	vst.idx.msk $0xffff, v16;
	v13 =	vadd.s32 s1, v0  }
0x8e: {  	v9 =	vand.u32 $0x6, v9;
	[tilespmem:v14+s22+$0x0] =	vst.idx.msk $0xffff, v19;
	v13 =	vand.u32 $0x5FF8, v13;
	v14 =	vadd.s32 s1, v1  }
0x8f: {  	[tilespmem:v5+s22+$0x0] =	vst.idx.msk $0xffff, v15;
	v5 =	vadd.s32 s31, v1;
	v15 =	vld [tilespmem:s30+$0xFFFFFFD0];
	v13 =	vor.u32 v9, v13;
	v14 =	vand.u32 $0x7FF8, v14  }
0x90: {  	v3 =	vand.u32 $0x7FF8, v3;
	v2 =	vand.u32 $0x4, v2;
	[tilespmem:v8+s22+$0x0] =	vst.idx.msk $0xffff, v11;
	v11 =	vld [tilespmem:s30+$0xFFFFFFE0];
	v9 =	vor.u32 v9, v14  }
0x91: {  	v3 =	vor.u32 v2, v3;
	s0 =	sadd.s32 $0x4B01, s8;
	v8 =	vand.u32 $0x7FF8, v5;
	v14 =	vld [tilespmem:s30+$0xFFFFE690];
	[tilespmem:v7+s22+$0x0] =	vst.idx.msk $0xffff, v17  }
0x92: {  	s1 =	sadd.s32 $0x3203, s8;
	v5 =	vmov s11;
	v2 =	vor.u32 v2, v8;
	v7 =	vld [tilespmem:s30+$0xFFFFE6A0];
	[tilespmem:v6+s22+$0x0] =	vst.idx.msk $0xffff, v10;
	v6 =	vmov s0  }
0x93: {  	v16 =	vadd.s32 s1, v0;
	v10 =	vadd.s32 s0, v1;
	[tilespmem:v4+s22+$0x0] =	vst.idx.msk $0xffff, v12;
	v4 =	vadd.s32 s0, v0;
	v12 =	vld [tilespmem:s30+$0xFFFFE6F0]  }
0x94: {  	v6 =	vand.u32 $0x5, v6;
	v4 =	vand.u32 $0x5FF8, v4;
	[tilespmem:v13+s22+$0x0] =	vst.idx.msk $0xffff, v15;
	v13 =	vld [tilespmem:s30+$0xFFFFE700];
	v15 =	vadd.s32 s1, v1  }
0x95: {  	v8 =	vadd.s32 s11, v0;
	s0 =	sadd.s32 $0x4B00, s8;
	v17 =	vld [tilespmem:s30+$0xFFFFFFB0];
	v18 =	vor.u32 v6, v4;
	v4 =	vand.u32 $0x7FF8, v10;
	[tilespmem:v9+s22+$0x0] =	vst.idx.msk $0xffff, v11  }
0x96: {  	v9 =	vadd.s32 s0, v0;
	[tilespmem:v3+s22+$0x0] =	vst.idx.msk $0xffff, v14;
	v3 =	vmov s0;
	v11 =	vld [tilespmem:s30+$0xFFFFFFC0];
	v14 =	vor.u32 v6, v4  }
0x97: {  	v4 =	vadd.s32 s0, v1;
	[tilespmem:v2+s22+$0x0] =	vst.idx.msk $0xffff, v7;
	v2 =	vand.u32 $0x5FF8, v9;
	v3 =	vand.u32 $0x4, v3  }
0x98: {  	s0 =	sadd.s32 $0x4B03, s8;
	s8 =	smov.u32 s11;
	v9 =	vadd.s32 s11, v1;
	v19 =	vld [tilespmem:s30+$0xFFFFFF90];
	v20 =	vor.u32 v3, v2;
	v2 =	vand.u32 $0x7FF8, v4;
	[tilespmem:v16+s22+$0x0] =	vst.idx.msk $0xffff, v12  }
0x99: {  	s31 =	sadd.s32 $0x3200, s11;
	s1 =	sadd.s32 $0x3201, s11;
	v10 =	vadd.s32 s0, v1;
	v12 =	vadd.s32 s0, v0;
	v21 =	vld [tilespmem:s30+$0xFFFFFFA0];
	v22 =	vor.u32 v3, v2;
	[tilespmem:v15+s22+$0x0] =	vst.idx.msk $0xffff, v13  }
.Ltmp0:
0x9a: {  	v4 =	vmov s1;
	s0 =	sadd.s32 $0x2, s11;
	v2 =	vmov s31;
	v3 =	vadd.s32 s31, v0;
	[tilespmem:v18+s22+$0x0] =	vst.idx.msk $0xffff, v17;
	v13 =	vld [tilespmem:s30+$0xFFFFFFF0];
	(pc) =	sbr.rel @p1 .LBB2_3-.Ltmp0, $4  }
0x9b: {  	v6 =	vadd.s32 s1, v0;
	v7 =	vmov s0;
	v15 =	vadd.s32 s0, v0;
	[tilespmem:v14+s22+$0x0] =	vst.idx.msk $0xffff, v11;
	v11 =	vld [tilespmem:s30+$0x0]  }
0x9c: {  	v15 =	vand.u32 $0x1FF8, v15;
	v17 =	vand.u32 $0x6, v7;
	v7 =	vadd.s32 s0, v1;
	s0 =	sadd.s32 $0x1903, s11;
	s30 =	sadd.s32 $0x80, s30  }
0x9d: {  	s13 =	sadd.s32 $0x1, s11;
	v15 =	vor.u32 v17, v15;
	v23 =	vand.u32 $0x3FF8, v7;
	v7 =	vadd.s32 s0, v0;
	v14 =	vld [tilespmem:s30+$0xFFFFB4D0];
	[tilespmem:v20+s22+$0x0] =	vst.idx.msk $0xffff, v19  }
0x9e: {  	v18 =	vmov s13;
	s11 =	sadd.s32 $0x4, s11;
	v17 =	vor.u32 v17, v23;
	v19 =	vadd.s32 s13, v0;
	v16 =	vld [tilespmem:s30+$0xFFFFB4E0];
	[tilespmem:v22+s22+$0x0] =	vst.idx.msk $0xffff, v21  }
0x9f: {  	_ = 	snop  }
0xa0: {  	v19 =	vand.u32 $0x1FF8, v19;
	v18 =	vand.u32 $0x5, v18;
	v20 =	vadd.s32 s13, v1  }
0xa1: {  	v22 =	vld [tilespmem:s30+$0xFFFFB4B0];
	s15 =	sadd.s32 $0x3, s8;
	v8 =	vand.u32 $0x1FF8, v8;
	v5 =	vand.u32 $0x4, v5;
	v19 =	vor.u32 v18, v19  }
0xa2: {  	s14 =	sadd.s32 $0x1902, s8;
	v25 =	vld [tilespmem:s30+$0xFFFFB4F0];
	v20 =	vand.u32 $0x3FF8, v20;
	v24 =	vadd.s32 s15, v0;
	v26 =	vadd.s32 s15, v1  }
0xa3: {  	v23 =	vld [tilespmem:s30+$0xFFFFB4C0];
	v18 =	vor.u32 v18, v20;
	[tilespmem:v15+s22+$0x0] =	vst.idx.msk $0xffff, v14;
	v14 =	vmov s14;
	v15 =	vadd.s32 s14, v0  }
0xa4: {  	[tilespmem:v17+s22+$0x0] =	vst.idx.msk $0xffff, v16;
	v15 =	vand.u32 $0x3FF8, v15;
	v14 =	vand.u32 $0x6, v14;
	v16 =	vadd.s32 s14, v1;
	v17 =	vld [tilespmem:s30+$0xFFFFB500]  }
0xa5: {  	s11 =	sadd.s32 $0x1900, s8;
	s12 =	sadd.s32 $0x1901, s8;
	[tilespmem:v12+s22+$0x0] =	vst.idx.msk $0xffff, v13;
	v9 =	vand.u32 $0x3FF8, v9;
	v13 =	vld [tilespmem:s30+$0xFFFFCDD0];
	v15 =	vor.u32 v14, v15;
	v16 =	vand.u32 $0x3FF8, v16  }
0xa6: {  	v21 =	vmov s11;
	v12 =	vadd.s32 s12, v0;
	[tilespmem:v19+s22+$0x0] =	vst.idx.msk $0xffff, v22;
	v19 =	vld [tilespmem:s30+$0xFFFFCDE0];
	v14 =	vor.u32 v14, v16  }
0xa7: {  	v8 =	vor.u32 v5, v8;
	v5 =	vor.u32 v5, v9;
	v20 =	vmov s12;
	v16 =	vld [tilespmem:s30+$0xFFFFB490];
	[tilespmem:v24+s22+$0x0] =	vst.idx.msk $0xffff, v25  }
0xa8: {  	v53 =	vld [tilespmem:s30+$0xFFFFB4A0];
	v9 =	vand.u32 $0x3FF8, v12;
	v12 =	vand.u32 $0x5, v20;
	[tilespmem:v18+s22+$0x0] =	vst.idx.msk $0xffff, v23;
	v18 =	vadd.s32 s12, v1  }
0xa9: {  	s13 =	sadd.s32 $0x3202, s8;
	v54 =	vadd.s32 s11, v0;
	v9 =	vor.u32 v12, v9;
	v18 =	vand.u32 $0x3FF8, v18;
	[tilespmem:v26+s22+$0x0] =	vst.idx.msk $0xffff, v17  }
0xaa: {  	v20 =	vld [tilespmem:s30+$0xFFFFCDB0];
	v12 =	vor.u32 v12, v18;
	[tilespmem:v15+s22+$0x0] =	vst.idx.msk $0xffff, v13;
	v13 =	vmov s13;
	v15 =	vadd.s32 s13, v0  }
0xab: {  	v17 =	vld [tilespmem:s30+$0xFFFFCDC0];
	[tilespmem:v14+s22+$0x0] =	vst.idx.msk $0xffff, v19;
	v14 =	vand.u32 $0x7FF8, v15;
	v13 =	vand.u32 $0x6, v13;
	v15 =	vadd.s32 s13, v1  }
0xac: {  	[tilespmem:v8+s22+$0x0] =	vst.idx.msk $0xffff, v16;
	v8 =	vadd.s32 s11, v1;
	v16 =	vld [tilespmem:s30+$0xFFFFE6D0];
	v14 =	vor.u32 v13, v14;
	v15 =	vand.u32 $0x7FF8, v15  }
0xad: {  	v19 =	vand.u32 $0x4, v21;
	[tilespmem:v5+s22+$0x0] =	vst.idx.msk $0xffff, v53;
	v5 =	vand.u32 $0x3FF8, v54;
	v55 =	vld [tilespmem:s30+$0xFFFFE6E0];
	v13 =	vor.u32 v13, v15  }
0xae: {  	[tilespmem:v10+s22+$0x0] =	vst.idx.msk $0xffff, v11;
	v8 =	vand.u32 $0x3FF8, v8;
	v10 =	vld [tilespmem:s30+$0xFFFFCD90];
	v5 =	vor.u32 v19, v5  }
0xaf: {  	[tilespmem:v9+s22+$0x0] =	vst.idx.msk $0xffff, v20;
	v9 =	vld [tilespmem:s30+$0xFFFFCDA0];
	v8 =	vor.u32 v19, v8  }
0xb0: {  	v6 =	vand.u32 $0x7FF8, v6;
	v4 =	vand.u32 $0x5, v4;
	v18 =	vld [tilespmem:s30+$0xFFFFCDF0];
	v15 =	vadd.s32 s1, v1;
	[tilespmem:v12+s22+$0x0] =	vst.idx.msk $0xffff, v17  }
0xb1: {  	v6 =	vor.u32 v4, v6;
	s14 =	sadd.s32 $0x4B02, s8;
	v11 =	vld [tilespmem:s30+$0xFFFFCE00];
	v15 =	vand.u32 $0x7FF8, v15;
	v17 =	vadd.s32 s0, v1;
	[tilespmem:v14+s22+$0x0] =	vst.idx.msk $0xffff, v16  }
0xb2: {  	v12 =	vld [tilespmem:s30+$0xFFFFE6B0];
	v4 =	vor.u32 v4, v15;
	v15 =	vmov s14;
	v16 =	vadd.s32 s14, v0;
	[tilespmem:v13+s22+$0x0] =	vst.idx.msk $0xffff, v55  }
0xb3: {  	v3 =	vand.u32 $0x7FF8, v3;
	v15 =	vand.u32 $0x6, v15;
	v14 =	vld [tilespmem:s30+$0xFFFFE6C0];
	v13 =	vand.u32 $0x5FF8, v16;
	[tilespmem:v5+s22+$0x0] =	vst.idx.msk $0xffff, v10  }
0xb4: {  	v2 =	vand.u32 $0x4, v2;
	v5 =	vadd.s32 s31, v1;
	v10 =	vld [tilespmem:s30+$0xFFFFFFD0];
	v13 =	vor.u32 v15, v13;
	[tilespmem:v8+s22+$0x0] =	vst.idx.msk $0xffff, v9  }
0xb5: {  	v3 =	vor.u32 v2, v3;
	[tilespmem:v7+s22+$0x0] =	vst.idx.msk $0xffff, v18;
	v7 =	vadd.s32 s14, v1;
	s31 =	sadd.s32 $0x3203, s8;
	v5 =	vand.u32 $0x7FF8, v5;
	v9 =	vld [tilespmem:s30+$0xFFFFE690]  }
0xb6: {  	s15 =	sadd.s32 $0x4B01, s8;
	v7 =	vand.u32 $0x7FF8, v7;
	[tilespmem:v17+s22+$0x0] =	vst.idx.msk $0xffff, v11;
	v17 =	vadd.s32 s31, v0;
	v11 =	vld [tilespmem:s30+$0xFFFFE6A0];
	v2 =	vor.u32 v2, v5  }
0xb7: {  	v5 =	vmov s15;
	[tilespmem:v6+s22+$0x0] =	vst.idx.msk $0xffff, v12;
	v6 =	vadd.s32 s15, v0;
	v12 =	vadd.s32 s15, v1;
	v16 =	vld [tilespmem:s30+$0xFFFFE6F0]  }
0xb8: {  	v5 =	vand.u32 $0x5, v5;
	[tilespmem:v4+s22+$0x0] =	vst.idx.msk $0xffff, v14;
	v4 =	vand.u32 $0x5FF8, v6;
	v6 =	vld [tilespmem:s30+$0xFFFFE700];
	v14 =	vadd.s32 s31, v1  }
0xb9: {  	s1 =	sadd.s32 $0x4B00, s8;
	v7 =	vor.u32 v15, v7;
	v8 =	vld [tilespmem:s30+$0xFFFFFFE0];
	v4 =	vor.u32 v5, v4;
	[tilespmem:v13+s22+$0x0] =	vst.idx.msk $0xffff, v10;
	v10 =	vand.u32 $0x7FF8, v12  }
0xba: {  	v12 =	vld [tilespmem:s30+$0xFFFFFFB0];
	[tilespmem:v3+s22+$0x0] =	vst.idx.msk $0xffff, v9;
	v3 =	vmov s1;
	v9 =	vadd.s32 s1, v0;
	v5 =	vor.u32 v5, v10  }
0xbb: {  	v10 =	vld [tilespmem:s30+$0xFFFFFFC0];
	[tilespmem:v2+s22+$0x0] =	vst.idx.msk $0xffff, v11;
	v2 =	vand.u32 $0x5FF8, v9;
	v3 =	vand.u32 $0x4, v3;
	v9 =	vadd.s32 s1, v1  }
0xbc: {  	[tilespmem:v17+s22+$0x0] =	vst.idx.msk $0xffff, v16;
	v11 =	vld [tilespmem:s30+$0xFFFFFF90];
	v2 =	vor.u32 v3, v2;
	v9 =	vand.u32 $0x7FF8, v9  }
0xbd: {  	s8 =	sadd.s32 $0x4B03, s8;
	v13 =	vld [tilespmem:s30+$0xFFFFFFA0];
	[tilespmem:v14+s22+$0x0] =	vst.idx.msk $0xffff, v6;
	v3 =	vor.u32 v3, v9  }
0xbe: {  	[tilespmem:v7+s22+$0x0] =	vst.idx.msk $0xffff, v8;
	v6 =	vadd.s32 s8, v0;
	v7 =	vld [tilespmem:s30+$0xFFFFFFF0]  }
0xbf: {  	v8 =	vadd.s32 s8, v1;
	[tilespmem:v4+s22+$0x0] =	vst.idx.msk $0xffff, v12;
	v4 =	vld [tilespmem:s30+$0x0]  }
0xc0: {  	[tilespmem:v5+s22+$0x0] =	vst.idx.msk $0xffff, v10  }
0xc1: {  	[tilespmem:v2+s22+$0x0] =	vst.idx.msk $0xffff, v11  }
0xc2: {  	s12 =	sor.u32 $0x1, s25;
	s11 =	smul.u32 $0xC80, s7;
	[tilespmem:v3+s22+$0x0] =	vst.idx.msk $0xffff, v13  }
0xc3: {  	s25 =	sor.u32 s4, s12;
	p1 =	sgt.u32 s12, $0x1E;
	[tilespmem:v6+s22+$0x0] =	vst.idx.msk $0xffff, v7  }
0xc4: {  	s0 =	sadd.s32 s2, s11;
	s1 =	smul.u32 @!p1 $0x340, s25;
	[tilespmem:v8+s22+$0x0] =	vst.idx.msk $0xffff, v4  }
0xc5: {  	[hbm4b:s0+s3] =	stream.linear.scatter [tilespmem:s22], [sflag:$0x3], $0x6400, $0x38;
	[tilespmem:$0x19680] =	vst v63  }
0xc6: {  	s0 =	sshrl.u32 @!p1 s1, $0x3  }
0xc7: {  	s0 =	sadd.s32 @!p1 s5, s0  }
0xc8: {  	s1 =	simm.s32 @!p1 $0x0;
	s0 =	sadd.s32 @!p1 $0x68, s0  }
0xc9: {  	[tilespmem:s1], [sflag:$0x5] =	stream.linear.gather @!p1 [hbm4b:s0+s1], $0x340, $0x38;
	[tilespmem:$0x19680] =	vst v63  }
0xca: {  	_ =	swait.ge [sflag:s23], $0xC80  }
0xcb: {  	[sflag:s23] =	ssyncset.done $0x0  }
0xcc: {  	[sflag:s23] =	ssyncadd.s32 $0xFFFFF380  }
0xcd: {  	_ =	swait.ge [sflag:s23], $0xC80  }
0xce: {  	[sflag:s23] =	ssyncset.done $0x0  }
0xcf: {  	[sflag:s23] =	ssyncadd.s32 $0xFFFFF380  }
0xd0: {  	_ =	swait.ge [sflag:s23], $0xC80  }
0xd1: {  	[sflag:s23] =	ssyncset.done $0x0  }
0xd2: {  	[sflag:s23] =	ssyncadd.s32 $0xFFFFF380  }
0xd3: {  	_ =	swait.ge [sflag:s23], $0xC80  }
0xd4: {  	[sflag:s23] =	ssyncset.done $0x0  }
0xd5: {  	[sflag:s23] =	ssyncadd.s32 $0xFFFFF380  }
0xd6: {  	_ =	swait.ge [sflag:s23], $0xC80  }
0xd7: {  	[sflag:s23] =	ssyncset.done $0x0  }
0xd8: {  	[sflag:s23] =	ssyncadd.s32 $0xFFFFF380  }
0xd9: {  	_ =	swait.ge [sflag:s23], $0xC80  }
0xda: {  	[sflag:s23] =	ssyncset.done $0x0  }
0xdb: {  	[sflag:s23] =	ssyncadd.s32 $0xFFFFF380  }
0xdc: {  	_ =	swait.ge [sflag:s23], $0xC80  }
0xdd: {  	[sflag:s23] =	ssyncset.done $0x0  }
0xde: {  	[sflag:s23] =	ssyncadd.s32 $0xFFFFF380  }
0xdf: {  	_ =	swait.ge [sflag:s23], $0xC80  }
0xe0: {  	[sflag:s23] =	ssyncset.done $0x0  }
0xe1: {  	s0 =	simm.s32 @!p1 $0x5;
	[sflag:s23] =	ssyncadd.s32 $0xFFFFF380  }
0xe2: {  	_ =	swait.ge @!p1 [sflag:s0], $0x340  }
0xe3: {  	[sflag:s0] =	ssyncset.done @!p1 $0x0  }
0xe4: {  	s7 =	simm.s32 @!p1 $0x680;
	[sflag:s0] =	ssyncadd.s32 @!p1 $0xFFFFFCC0;
	s0 =	simm.s32 @!p1 $0x64  }
0xe5: {  	[tilespmem:s7], [sflag:$0x1] =	stream.indirect.gather @!p1 [hbm4b:s6+s0], $0x20, s1, s0, $0xb8;
	[tilespmem:$0x19680] =	vst v63  }
0xe6: {  	s1 =	simm.s32 @!p1 $0x68;
	s7 =	simm.s32 @!p1 $0x1300  }
0xe7: {  	[tilespmem:s7], [sflag:$0x1] =	stream.indirect.gather @!p1 [hbm4b:s6+s0], $0x20, s1, s0, $0xb8;
	[tilespmem:$0x19680] =	vst v63  }
0xe8: {  	s1 =	simm.s32 @!p1 $0xD0;
	s7 =	simm.s32 @!p1 $0x1F80  }
0xe9: {  	[tilespmem:s7], [sflag:$0x1] =	stream.indirect.gather @!p1 [hbm4b:s6+s0], $0x20, s1, s0, $0xb8;
	[tilespmem:$0x19680] =	vst v63  }
0xea: {  	s1 =	simm.s32 @!p1 $0x138;
	s7 =	simm.s32 @!p1 $0x2C00  }
0xeb: {  	[tilespmem:s7], [sflag:$0x1] =	stream.indirect.gather @!p1 [hbm4b:s6+s0], $0x20, s1, s0, $0xb8;
	[tilespmem:$0x19680] =	vst v63  }
0xec: {  	s11 =	simm.s32 $0x1900;
	s1 =	simm.s32 @!p1 $0x1A0;
	s7 =	simm.s32 @!p1 $0x3880  }
0xed: {  	[tilespmem:s7], [sflag:$0x1] =	stream.indirect.gather @!p1 [hbm4b:s6+s0], $0x20, s1, s0, $0xb8;
	[tilespmem:$0x19680] =	vst v63  }
0xee: {  	s14 =	simm.s32 $0x2;
	s1 =	simm.s32 @!p1 $0x208;
	s7 =	simm.s32 @!p1 $0x4500  }
0xef: {  	[tilespmem:s7], [sflag:$0x1] =	stream.indirect.gather @!p1 [hbm4b:s6+s0], $0x20, s1, s0, $0xb8;
	[tilespmem:$0x19680] =	vst v63  }
0xf0: {  	s15 =	simm.s32 $0x1;
	s1 =	simm.s32 @!p1 $0x270;
	s7 =	simm.s32 @!p1 $0x5180  }
0xf1: {  	[tilespmem:s7], [sflag:$0x1] =	stream.indirect.gather @!p1 [hbm4b:s6+s0], $0x20, s1, s0, $0xb8;
	[tilespmem:$0x19680] =	vst v63  }
0xf2: {  	s8 =	simm.s32 @!p0 $0x4;
	s1 =	simm.s32 @!p1 $0x2D8;
	s7 =	simm.s32 @!p1 $0x5E00  }
0xf3: {  	v17 =	vmov s11;
	[tilespmem:s7], [sflag:$0x1] =	stream.indirect.gather @!p1 [hbm4b:s6+s0], $0x20, s1, s0, $0xb8;
	[tilespmem:$0x19680] =	vst v63  }
0xf4: {  	v14 =	vadd.s32 s15, v0;
	v9 =	vadd.s32 s14, v0;
	v10 =	vadd.s32 s14, v1;
	_ =	swait.ge @!p0 [sflag:s8], $0x6400  }
0xf5: {  	s13 =	simm.s32 $0x0;
	v9 =	vand.u32 $0x1FF8, v9;
	v10 =	vand.u32 $0x3FF8, v10;
	v8 =	vmov s14;
	[sflag:s8] =	ssyncset.done @!p0 $0x0  }
0xf6: {  	v2 =	vmov s13;
	v3 =	vadd.s32 s13, v0;
	v8 =	vand.u32 $0x6, v8;
	s0 =	simm.s32 $0xB5F0;
	[sflag:s8] =	ssyncadd.s32 @!p0 $0xFFFF9C00  }
0xf7: {  	v13 =	vmov s15;
	v2 =	vand.u32 $0x4, v2;
	v9 =	vor.u32 v8, v9;
	v12 =	vld [tilespmem:s0+$0xFFFFB4D0]  }
0xf8: {  	v4 =	vadd.s32 s13, v1;
	v13 =	vand.u32 $0x5, v13;
	s14 =	simm.s32 $0x3;
	v8 =	vor.u32 v8, v10;
	v15 =	vld [tilespmem:s0+$0xFFFFB4E0]  }
0xf9: {  	v3 =	vand.u32 $0x1FF8, v3;
	v19 =	vadd.s32 s14, v0;
	v56 =	vadd.s32 s14, v1  }
0xfa: {  	v3 =	vor.u32 v2, v3;
	v10 =	vand.u32 $0x1FF8, v14;
	v14 =	vadd.s32 s15, v1  }
0xfb: {  	v4 =	vand.u32 $0x3FF8, v4;
	s15 =	simm.s32 $0x1902;
	v10 =	vor.u32 v13, v10;
	v14 =	vand.u32 $0x3FF8, v14;
	v18 =	vld [tilespmem:s0+$0xFFFFB4B0]  }
0xfc: {  	v13 =	vor.u32 v13, v14;
	v20 =	vld [tilespmem:s0+$0xFFFFB4C0];
	[tilespmem:v9+s24+$0x0] =	vst.idx.msk $0xffff, v12;
	v9 =	vmov s15;
	v12 =	vadd.s32 s15, v0  }
0xfd: {  	v57 =	vld [tilespmem:s0+$0xFFFFB4F0];
	[tilespmem:v8+s24+$0x0] =	vst.idx.msk $0xffff, v15;
	v8 =	vand.u32 $0x3FF8, v12;
	v9 =	vand.u32 $0x6, v9;
	v12 =	vadd.s32 s15, v1  }
0xfe: {  	v2 =	vor.u32 v2, v4;
	s1 =	simm.s32 $0x3200;
	v58 =	vld [tilespmem:s0+$0xFFFFCDD0];
	v8 =	vor.u32 v9, v8;
	v12 =	vand.u32 $0x3FF8, v12  }
0xff: {  	s31 =	simm.s32 $0x1901;
	s7 =	simm.s32 $0x3201;
	v5 =	vmov s1;
	v6 =	vadd.s32 s1, v0;
	v59 =	vld [tilespmem:s0+$0xFFFFCDE0];
	v9 =	vor.u32 v9, v12  }
0x100: {  	v14 =	vmov s31;
	v7 =	vmov s7;
	[tilespmem:v10+s24+$0x0] =	vst.idx.msk $0xffff, v18;
	v10 =	vld [tilespmem:s0+$0xFFFFB490];
	v15 =	vadd.s32 s31, v0  }
0x101: {  	v16 =	vld [tilespmem:s0+$0xFFFFB4A0];
	[tilespmem:v13+s24+$0x0] =	vst.idx.msk $0xffff, v20;
	v13 =	vand.u32 $0x5, v14;
	v4 =	vand.u32 $0x3FF8, v15;
	v12 =	vadd.s32 s31, v1  }
0x102: {  	v18 =	vld [tilespmem:s0+$0xFFFFB500];
	[tilespmem:v19+s24+$0x0] =	vst.idx.msk $0xffff, v57;
	v14 =	vadd.s32 s11, v0;
	v4 =	vor.u32 v13, v4;
	s31 =	simm.s32 $0x3202;
	v12 =	vand.u32 $0x3FF8, v12  }
0x103: {  	v15 =	vld [tilespmem:s0+$0xFFFFCDB0];
	v12 =	vor.u32 v13, v12;
	v13 =	vadd.s32 s31, v0;
	[tilespmem:v8+s24+$0x0] =	vst.idx.msk $0xffff, v58;
	v8 =	vmov s31  }
0x104: {  	v19 =	vld [tilespmem:s0+$0xFFFFCDC0];
	[tilespmem:v9+s24+$0x0] =	vst.idx.msk $0xffff, v59;
	v9 =	vand.u32 $0x7FF8, v13;
	v8 =	vand.u32 $0x6, v8;
	v13 =	vadd.s32 s31, v1  }
0x105: {  	[tilespmem:v3+s24+$0x0] =	vst.idx.msk $0xffff, v10;
	v3 =	vadd.s32 s11, v1;
	v10 =	vld [tilespmem:s0+$0xFFFFE6D0];
	v9 =	vor.u32 v8, v9;
	v13 =	vand.u32 $0x7FF8, v13  }
0x106: {  	[tilespmem:v2+s24+$0x0] =	vst.idx.msk $0xffff, v16;
	v2 =	vand.u32 $0x3FF8, v14;
	v14 =	vand.u32 $0x4, v17;
	v16 =	vld [tilespmem:s0+$0xFFFFE6E0];
	v8 =	vor.u32 v8, v13  }
0x107: {  	v11 =	vadd.s32 s7, v0;
	[tilespmem:v56+s24+$0x0] =	vst.idx.msk $0xffff, v18;
	v3 =	vand.u32 $0x3FF8, v3;
	v2 =	vor.u32 v14, v2;
	v13 =	vld [tilespmem:s0+$0xFFFFCD90]  }
0x108: {  	v11 =	vand.u32 $0x7FF8, v11;
	s8 =	simm.s32 $0x1903;
	v17 =	vadd.s32 s7, v1;
	v3 =	vor.u32 v14, v3;
	[tilespmem:v4+s24+$0x0] =	vst.idx.msk $0xffff, v15;
	v4 =	vld [tilespmem:s0+$0xFFFFCDA0]  }
0x109: {  	v7 =	vand.u32 $0x5, v7;
	v14 =	vadd.s32 s8, v0;
	v15 =	vld [tilespmem:s0+$0xFFFFCDF0];
	[tilespmem:v12+s24+$0x0] =	vst.idx.msk $0xffff, v19;
	v12 =	vand.u32 $0x7FF8, v17  }
0x10a: {  	v11 =	vor.u32 v7, v11;
	s11 =	simm.s32 $0x4B02;
	v18 =	vadd.s32 s8, v1;
	v17 =	vld [tilespmem:s0+$0xFFFFCE00];
	v7 =	vor.u32 v7, v12;
	[tilespmem:v9+s24+$0x0] =	vst.idx.msk $0xffff, v10  }
0x10b: {  	v19 =	vld [tilespmem:s0+$0xFFFFE6B0];
	v12 =	vadd.s32 s11, v1;
	v9 =	vmov s11;
	v10 =	vadd.s32 s11, v0;
	[tilespmem:v8+s24+$0x0] =	vst.idx.msk $0xffff, v16  }
0x10c: {  	v12 =	vand.u32 $0x7FF8, v12;
	v8 =	vand.u32 $0x5FF8, v10;
	v9 =	vand.u32 $0x6, v9;
	v10 =	vld [tilespmem:s0+$0xFFFFE6C0];
	[tilespmem:v2+s24+$0x0] =	vst.idx.msk $0xffff, v13  }
0x10d: {  	v8 =	vor.u32 v9, v8;
	v13 =	vld [tilespmem:s0+$0xFFFFFFD0];
	[tilespmem:v3+s24+$0x0] =	vst.idx.msk $0xffff, v4;
	v3 =	vand.u32 $0x7FF8, v6;
	v4 =	vand.u32 $0x4, v5  }
0x10e: {  	[tilespmem:v14+s24+$0x0] =	vst.idx.msk $0xffff, v15;
	v2 =	vadd.s32 s1, v1;
	v6 =	vor.u32 v9, v12;
	v9 =	vld [tilespmem:s0+$0xFFFFE690];
	v3 =	vor.u32 v4, v3  }
0x10f: {  	s12 =	simm.s32 $0x4B01;
	s13 =	simm.s32 $0x3203;
	[tilespmem:v18+s24+$0x0] =	vst.idx.msk $0xffff, v17;
	v2 =	vand.u32 $0x7FF8, v2;
	v14 =	vld [tilespmem:s0+$0xFFFFFFE0]  }
0x110: {  	s7 =	simm.s32 $0x4;
	v15 =	vadd.s32 s12, v1;
	v16 =	vadd.s32 s13, v0;
	[tilespmem:v11+s24+$0x0] =	vst.idx.msk $0xffff, v19;
	v12 =	vld [tilespmem:s0+$0xFFFFE6A0];
	v2 =	vor.u32 v4, v2  }
0x111: {  	v5 =	vmov s7;
	v11 =	vadd.s32 s12, v0;
	v4 =	vmov s12;
	[tilespmem:v7+s24+$0x0] =	vst.idx.msk $0xffff, v10;
	v7 =	vld [tilespmem:s0+$0xFFFFE6F0]  }
0x112: {  	v4 =	vand.u32 $0x5, v4;
	v10 =	vand.u32 $0x5FF8, v11;
	v11 =	vadd.s32 s13, v1;
	[tilespmem:v8+s24+$0x0] =	vst.idx.msk $0xffff, v13;
	v13 =	vld [tilespmem:s0+$0xFFFFE700]  }
0x113: {  	s14 =	simm.s32 $0x4B00;
	v8 =	vadd.s32 s7, v0;
	v17 =	vor.u32 v4, v10;
	v10 =	vand.u32 $0x7FF8, v15;
	[tilespmem:v3+s24+$0x0] =	vst.idx.msk $0xffff, v9  }
0x114: {  	v15 =	vld [tilespmem:s0+$0xFFFFFFB0];
	v3 =	vmov s14;
	v9 =	vadd.s32 s14, v0;
	v18 =	vor.u32 v4, v10;
	[tilespmem:v6+s24+$0x0] =	vst.idx.msk $0xffff, v14  }
0x115: {  	s15 =	simm.s32 $0x4B03;
	v19 =	vld [tilespmem:s0+$0xFFFFFFC0];
	v4 =	vadd.s32 s14, v1;
	[tilespmem:v2+s24+$0x0] =	vst.idx.msk $0xffff, v12;
	v2 =	vand.u32 $0x5FF8, v9;
	v3 =	vand.u32 $0x4, v3  }
0x116: {  	s31 =	simm.s32 $0x6;
	s1 =	simm.s32 $0x3205;
	v10 =	vadd.s32 s15, v1;
	v20 =	vld [tilespmem:s0+$0xFFFFFF90];
	v60 =	vor.u32 v3, v2;
	v2 =	vand.u32 $0x7FF8, v4;
	[tilespmem:v16+s24+$0x0] =	vst.idx.msk $0xffff, v7  }
0x117: {  	v6 =	vadd.s32 s1, v0;
	v14 =	vadd.s32 s31, v0;
	v61 =	vld [tilespmem:s0+$0xFFFFFFA0];
	v62 =	vor.u32 v3, v2;
	[tilespmem:v11+s24+$0x0] =	vst.idx.msk $0xffff, v13  }
0x118: {  	s30 =	simm.s32 $0x3204;
	v9 =	vadd.s32 s7, v1;
	v12 =	vadd.s32 s15, v0;
	v4 =	vmov s1;
	v13 =	vld [tilespmem:s0+$0xFFFFFFF0]  }
0x119: {  	v2 =	vmov s30;
	v3 =	vadd.s32 s30, v0;
	v7 =	vmov s31;
	[tilespmem:v17+s24+$0x0] =	vst.idx.msk $0xffff, v15;
	v11 =	vld [tilespmem:s0+$0x0]  }
0x11a: {  	s8 =	simm.s32 $0xB670;
	s13 =	simm.s32 $0x5;
	v15 =	vand.u32 $0x1FF8, v14;
	v17 =	vand.u32 $0x6, v7;
	v7 =	vadd.s32 s31, v1;
	[tilespmem:v18+s24+$0x0] =	vst.idx.msk $0xffff, v19  }
0x11b: {  	v14 =	vld [tilespmem:s8+$0xFFFFB4D0];
	s0 =	simm.s32 $0x1907;
	v15 =	vor.u32 v17, v15;
	v63 =	vand.u32 $0x3FF8, v7;
	v18 =	vmov s13;
	[tilespmem:v60+s24+$0x0] =	vst.idx.msk $0xffff, v20  }
0x11c: {  	s11 =	simm.s32 $0x8;
	v16 =	vld [tilespmem:s8+$0xFFFFB4E0];
	v19 =	vadd.s32 s13, v0;
	v7 =	vadd.s32 s0, v0;
	v17 =	vor.u32 v17, v63;
	[tilespmem:v62+s24+$0x0] =	vst.idx.msk $0xffff, v61  }
.LBB2_5:
0x11d: {  	p0 =	slt.u32 s11, $0xC4;
	v20 =	vld [tilespmem:s8+$0xFFFFB4A0];
	s12 =	sadd.s32 $0x1900, s7;
	v19 =	vand.u32 $0x1FF8, v19;
	v18 =	vand.u32 $0x5, v18;
	v21 =	vadd.s32 s13, v1;
	[tilespmem:v12+s24+$0x0] =	vst.idx.msk $0xffff, v13  }
0x11e: {  	s13 =	sadd.s32 $0x1901, s7;
	s14 =	sadd.s32 $0x3, s7;
	v12 =	vmov s12;
	v13 =	vld [tilespmem:s8+$0xFFFFB4B0];
	v19 =	vor.u32 v18, v19;
	v21 =	vand.u32 $0x3FF8, v21;
	[tilespmem:v10+s24+$0x0] =	vst.idx.msk $0xffff, v11  }
0x11f: {  	s15 =	sadd.s32 $0x1902, s7;
	v10 =	vld [tilespmem:s8+$0xFFFFB4C0];
	v11 =	vor.u32 v18, v21;
	v18 =	vmov s13;
	v21 =	vadd.s32 s14, v0  }
0x120: {  	v23 =	vadd.s32 s14, v1;
	[tilespmem:v15+s24+$0x0] =	vst.idx.msk $0xffff, v14;
	v14 =	vmov s15;
	v15 =	vadd.s32 s15, v0;
	v22 =	vld [tilespmem:s8+$0xFFFFB4F0]  }
0x121: {  	[tilespmem:v17+s24+$0x0] =	vst.idx.msk $0xffff, v16;
	v15 =	vand.u32 $0x3FF8, v15;
	v14 =	vand.u32 $0x6, v14;
	v16 =	vadd.s32 s15, v1;
	v17 =	vld [tilespmem:s8+$0xFFFFB500]  }
0x122: {  	v24 =	vadd.s32 s13, v0;
	v25 =	vld [tilespmem:s8+$0xFFFFCDD0];
	v15 =	vor.u32 v14, v15;
	v16 =	vand.u32 $0x3FF8, v16  }
0x123: {  	v8 =	vand.u32 $0x1FF8, v8;
	v5 =	vand.u32 $0x4, v5;
	[tilespmem:v19+s24+$0x0] =	vst.idx.msk $0xffff, v13;
	v13 =	vld [tilespmem:s8+$0xFFFFCDE0];
	v14 =	vor.u32 v14, v16  }
0x124: {  	v9 =	vand.u32 $0x3FF8, v9;
	v8 =	vor.u32 v5, v8;
	v16 =	vld [tilespmem:s8+$0xFFFFB490];
	[tilespmem:v11+s24+$0x0] =	vst.idx.msk $0xffff, v10;
	v10 =	vadd.s32 s13, v1  }
0x125: {  	v5 =	vor.u32 v5, v9;
	v18 =	vand.u32 $0x5, v18;
	v11 =	vand.u32 $0x3FF8, v24;
	v9 =	vld [tilespmem:s8+$0xFFFFCDB0];
	[tilespmem:v21+s24+$0x0] =	vst.idx.msk $0xffff, v22  }
0x126: {  	v19 =	vadd.s32 s12, v0;
	s13 =	sadd.s32 $0x3202, s7;
	v11 =	vor.u32 v18, v11;
	v10 =	vand.u32 $0x3FF8, v10;
	v21 =	vld [tilespmem:s8+$0xFFFFCDC0];
	[tilespmem:v23+s24+$0x0] =	vst.idx.msk $0xffff, v17  }
0x127: {  	v10 =	vor.u32 v18, v10;
	v17 =	vadd.s32 s13, v0;
	[tilespmem:v15+s24+$0x0] =	vst.idx.msk $0xffff, v25;
	v15 =	vmov s13;
	v18 =	vld [tilespmem:s8+$0xFFFFCDF0]  }
0x128: {  	[tilespmem:v14+s24+$0x0] =	vst.idx.msk $0xffff, v13;
	v13 =	vand.u32 $0x7FF8, v17;
	v14 =	vand.u32 $0x6, v15;
	v15 =	vadd.s32 s13, v1;
	v17 =	vld [tilespmem:s8+$0xFFFFCE00]  }
0x129: {  	[tilespmem:v8+s24+$0x0] =	vst.idx.msk $0xffff, v16;
	v8 =	vadd.s32 s12, v1;
	v16 =	vld [tilespmem:s8+$0xFFFFE6D0];
	v13 =	vor.u32 v14, v13;
	v15 =	vand.u32 $0x7FF8, v15  }
0x12a: {  	v12 =	vand.u32 $0x4, v12;
	[tilespmem:v5+s24+$0x0] =	vst.idx.msk $0xffff, v20;
	v5 =	vand.u32 $0x3FF8, v19;
	v19 =	vld [tilespmem:s8+$0xFFFFE6E0];
	v14 =	vor.u32 v14, v15  }
0x12b: {  	v8 =	vand.u32 $0x3FF8, v8;
	v15 =	vld [tilespmem:s8+$0xFFFFCD90];
	v5 =	vor.u32 v12, v5;
	[tilespmem:v11+s24+$0x0] =	vst.idx.msk $0xffff, v9;
	v9 =	vadd.s32 s1, v1  }
0x12c: {  	v6 =	vand.u32 $0x7FF8, v6;
	v4 =	vand.u32 $0x5, v4;
	v8 =	vor.u32 v12, v8;
	v11 =	vld [tilespmem:s8+$0xFFFFCDA0];
	[tilespmem:v10+s24+$0x0] =	vst.idx.msk $0xffff, v21  }
0x12d: {  	v6 =	vor.u32 v4, v6;
	s1 =	sadd.s32 $0x4B02, s7;
	v9 =	vand.u32 $0x7FF8, v9;
	v10 =	vld [tilespmem:s8+$0xFFFFE6B0];
	[tilespmem:v7+s24+$0x0] =	vst.idx.msk $0xffff, v18;
	v7 =	vadd.s32 s0, v1  }
0x12e: {  	v4 =	vor.u32 v4, v9;
	v9 =	vmov s1;
	v12 =	vld [tilespmem:s8+$0xFFFFE6C0];
	[tilespmem:v13+s24+$0x0] =	vst.idx.msk $0xffff, v16;
	v13 =	vadd.s32 s1, v0  }
0x12f: {  	v9 =	vand.u32 $0x6, v9;
	[tilespmem:v14+s24+$0x0] =	vst.idx.msk $0xffff, v19;
	v13 =	vand.u32 $0x5FF8, v13;
	v14 =	vadd.s32 s1, v1  }
0x130: {  	[tilespmem:v5+s24+$0x0] =	vst.idx.msk $0xffff, v15;
	v5 =	vadd.s32 s30, v1;
	v15 =	vld [tilespmem:s8+$0xFFFFFFD0];
	v13 =	vor.u32 v9, v13;
	v14 =	vand.u32 $0x7FF8, v14  }
0x131: {  	v3 =	vand.u32 $0x7FF8, v3;
	v2 =	vand.u32 $0x4, v2;
	[tilespmem:v8+s24+$0x0] =	vst.idx.msk $0xffff, v11;
	v11 =	vld [tilespmem:s8+$0xFFFFFFE0];
	v9 =	vor.u32 v9, v14  }
0x132: {  	v3 =	vor.u32 v2, v3;
	s0 =	sadd.s32 $0x4B01, s7;
	v8 =	vand.u32 $0x7FF8, v5;
	v14 =	vld [tilespmem:s8+$0xFFFFE690];
	[tilespmem:v7+s24+$0x0] =	vst.idx.msk $0xffff, v17  }
0x133: {  	s1 =	sadd.s32 $0x3203, s7;
	v5 =	vmov s11;
	v2 =	vor.u32 v2, v8;
	v7 =	vld [tilespmem:s8+$0xFFFFE6A0];
	[tilespmem:v6+s24+$0x0] =	vst.idx.msk $0xffff, v10;
	v6 =	vmov s0  }
0x134: {  	v16 =	vadd.s32 s1, v0;
	v10 =	vadd.s32 s0, v1;
	[tilespmem:v4+s24+$0x0] =	vst.idx.msk $0xffff, v12;
	v4 =	vadd.s32 s0, v0;
	v12 =	vld [tilespmem:s8+$0xFFFFE6F0]  }
0x135: {  	v6 =	vand.u32 $0x5, v6;
	v4 =	vand.u32 $0x5FF8, v4;
	[tilespmem:v13+s24+$0x0] =	vst.idx.msk $0xffff, v15;
	v13 =	vld [tilespmem:s8+$0xFFFFE700];
	v15 =	vadd.s32 s1, v1  }
0x136: {  	v8 =	vadd.s32 s11, v0;
	s0 =	sadd.s32 $0x4B00, s7;
	v17 =	vld [tilespmem:s8+$0xFFFFFFB0];
	v18 =	vor.u32 v6, v4;
	v4 =	vand.u32 $0x7FF8, v10;
	[tilespmem:v9+s24+$0x0] =	vst.idx.msk $0xffff, v11  }
0x137: {  	v9 =	vadd.s32 s0, v0;
	[tilespmem:v3+s24+$0x0] =	vst.idx.msk $0xffff, v14;
	v3 =	vmov s0;
	v11 =	vld [tilespmem:s8+$0xFFFFFFC0];
	v14 =	vor.u32 v6, v4  }
0x138: {  	v4 =	vadd.s32 s0, v1;
	[tilespmem:v2+s24+$0x0] =	vst.idx.msk $0xffff, v7;
	v2 =	vand.u32 $0x5FF8, v9;
	v3 =	vand.u32 $0x4, v3  }
0x139: {  	s0 =	sadd.s32 $0x4B03, s7;
	s7 =	smov.u32 s11;
	v9 =	vadd.s32 s11, v1;
	v19 =	vld [tilespmem:s8+$0xFFFFFF90];
	v20 =	vor.u32 v3, v2;
	v2 =	vand.u32 $0x7FF8, v4;
	[tilespmem:v16+s24+$0x0] =	vst.idx.msk $0xffff, v12  }
0x13a: {  	s30 =	sadd.s32 $0x3200, s11;
	s1 =	sadd.s32 $0x3201, s11;
	v10 =	vadd.s32 s0, v1;
	v12 =	vadd.s32 s0, v0;
	v21 =	vld [tilespmem:s8+$0xFFFFFFA0];
	v22 =	vor.u32 v3, v2;
	[tilespmem:v15+s24+$0x0] =	vst.idx.msk $0xffff, v13  }
.Ltmp1:
0x13b: {  	v4 =	vmov s1;
	s0 =	sadd.s32 $0x2, s11;
	v2 =	vmov s30;
	v3 =	vadd.s32 s30, v0;
	[tilespmem:v18+s24+$0x0] =	vst.idx.msk $0xffff, v17;
	v13 =	vld [tilespmem:s8+$0xFFFFFFF0];
	(pc) =	sbr.rel @p0 .LBB2_5-.Ltmp1, $4  }
0x13c: {  	v6 =	vadd.s32 s1, v0;
	v7 =	vmov s0;
	v15 =	vadd.s32 s0, v0;
	[tilespmem:v14+s24+$0x0] =	vst.idx.msk $0xffff, v11;
	v11 =	vld [tilespmem:s8+$0x0]  }
0x13d: {  	v15 =	vand.u32 $0x1FF8, v15;
	v17 =	vand.u32 $0x6, v7;
	v7 =	vadd.s32 s0, v1;
	s0 =	sadd.s32 $0x1903, s11;
	s8 =	sadd.s32 $0x80, s8  }
0x13e: {  	s13 =	sadd.s32 $0x1, s11;
	v15 =	vor.u32 v17, v15;
	v23 =	vand.u32 $0x3FF8, v7;
	v7 =	vadd.s32 s0, v0;
	v14 =	vld [tilespmem:s8+$0xFFFFB4D0];
	[tilespmem:v20+s24+$0x0] =	vst.idx.msk $0xffff, v19  }
0x13f: {  	v18 =	vmov s13;
	s11 =	sadd.s32 $0x4, s11;
	v17 =	vor.u32 v17, v23;
	v19 =	vadd.s32 s13, v0;
	v16 =	vld [tilespmem:s8+$0xFFFFB4E0];
	[tilespmem:v22+s24+$0x0] =	vst.idx.msk $0xffff, v21  }
0x140: {  	v19 =	vand.u32 $0x1FF8, v19;
	v18 =	vand.u32 $0x5, v18  }
0x141: {  	v20 =	vadd.s32 s13, v1;
	v22 =	vld [tilespmem:s8+$0xFFFFB4B0];
	s15 =	sadd.s32 $0x3, s7;
	v19 =	vor.u32 v18, v19  }
0x142: {  	v25 =	vld [tilespmem:s8+$0xFFFFB4F0];
	v8 =	vand.u32 $0x1FF8, v8;
	v5 =	vand.u32 $0x4, v5;
	v24 =	vadd.s32 s15, v0  }
0x143: {  	s11 =	sadd.s32 $0x1900, s7;
	v54 =	vld [tilespmem:s8+$0xFFFFB490];
	v20 =	vand.u32 $0x3FF8, v20;
	v8 =	vor.u32 v5, v8  }
0x144: {  	s12 =	sadd.s32 $0x1901, s7;
	v23 =	vld [tilespmem:s8+$0xFFFFB4C0];
	s14 =	sadd.s32 $0x1902, s7;
	v9 =	vand.u32 $0x3FF8, v9;
	v21 =	vmov s11;
	v18 =	vor.u32 v18, v20;
	[tilespmem:v15+s24+$0x0] =	vst.idx.msk $0xffff, v14  }
0x145: {  	v56 =	vld [tilespmem:s8+$0xFFFFB4A0];
	v46 =	vmov s12;
	v47 =	vmov s14;
	v5 =	vor.u32 v5, v9;
	[tilespmem:v17+s24+$0x0] =	vst.idx.msk $0xffff, v16  }
0x146: {  	v50 =	vld [tilespmem:s8+$0xFFFFB500];
	v48 =	vadd.s32 s14, v0;
	v26 =	vadd.s32 s15, v1;
	v49 =	vadd.s32 s14, v1;
	[tilespmem:v19+s24+$0x0] =	vst.idx.msk $0xffff, v22  }
0x147: {  	v51 =	vadd.s32 s12, v0;
	v15 =	vand.u32 $0x3FF8, v48;
	v14 =	vand.u32 $0x6, v47;
	[tilespmem:v24+s24+$0x0] =	vst.idx.msk $0xffff, v25  }
0x148: {  	v60 =	vadd.s32 s11, v0;
	v15 =	vor.u32 v14, v15;
	v16 =	vand.u32 $0x3FF8, v49;
	v52 =	vld [tilespmem:s8+$0xFFFFCDD0];
	[tilespmem:v8+s24+$0x0] =	vst.idx.msk $0xffff, v54  }
0x149: {  	v57 =	vand.u32 $0x3FF8, v51;
	v58 =	vand.u32 $0x5, v46;
	v53 =	vld [tilespmem:s8+$0xFFFFCDE0];
	v14 =	vor.u32 v14, v16;
	[tilespmem:v18+s24+$0x0] =	vst.idx.msk $0xffff, v23  }
0x14a: {  	v29 =	vand.u32 $0x3FF8, v60;
	v30 =	vand.u32 $0x4, v21;
	v9 =	vor.u32 v58, v57;
	[tilespmem:v5+s24+$0x0] =	vst.idx.msk $0xffff, v56;
	v59 =	vld [tilespmem:s8+$0xFFFFCDB0]  }
0x14b: {  	v55 =	vadd.s32 s12, v1;
	[tilespmem:v26+s24+$0x0] =	vst.idx.msk $0xffff, v50;
	v5 =	vor.u32 v30, v29;
	v32 =	vld [tilespmem:s8+$0xFFFFCD90]  }
0x14c: {  	[tilespmem:v12+s24+$0x0] =	vst.idx.msk $0xffff, v13;
	v27 =	vadd.s32 s11, v1;
	v18 =	vand.u32 $0x3FF8, v55;
	v24 =	vld [tilespmem:s8+$0xFFFFCDF0]  }
0x14d: {  	v8 =	vand.u32 $0x3FF8, v27;
	v61 =	vld [tilespmem:s8+$0xFFFFCDC0];
	v12 =	vor.u32 v58, v18;
	[tilespmem:v15+s24+$0x0] =	vst.idx.msk $0xffff, v52  }
0x14e: {  	s31 =	sadd.s32 $0x3202, s7;
	v8 =	vor.u32 v30, v8;
	v33 =	vld [tilespmem:s8+$0xFFFFCDA0];
	[tilespmem:v14+s24+$0x0] =	vst.idx.msk $0xffff, v53  }
0x14f: {  	v36 =	vadd.s32 s0, v1;
	v62 =	vmov s31;
	v63 =	vadd.s32 s31, v0;
	v34 =	vld [tilespmem:s8+$0xFFFFCE00];
	[tilespmem:v9+s24+$0x0] =	vst.idx.msk $0xffff, v59  }
0x150: {  	v13 =	vand.u32 $0x6, v62;
	v25 =	vand.u32 $0x7FF8, v63;
	v26 =	vadd.s32 s31, v1;
	[tilespmem:v5+s24+$0x0] =	vst.idx.msk $0xffff, v32  }
0x151: {  	v15 =	vand.u32 $0x7FF8, v26;
	v14 =	vor.u32 v13, v25;
	v28 =	vld [tilespmem:s8+$0xFFFFE6D0];
	[tilespmem:v7+s24+$0x0] =	vst.idx.msk $0xffff, v24  }
0x152: {  	v6 =	vand.u32 $0x7FF8, v6;
	v4 =	vand.u32 $0x5, v4;
	v13 =	vor.u32 v13, v15;
	v31 =	vld [tilespmem:s8+$0xFFFFE6E0];
	[tilespmem:v12+s24+$0x0] =	vst.idx.msk $0xffff, v61  }
0x153: {  	v3 =	vand.u32 $0x7FF8, v3;
	v2 =	vand.u32 $0x4, v2;
	v6 =	vor.u32 v4, v6;
	[tilespmem:v8+s24+$0x0] =	vst.idx.msk $0xffff, v33;
	v12 =	vld [tilespmem:s8+$0xFFFFE6B0]  }
0x154: {  	v35 =	vadd.s32 s1, v1;
	v3 =	vor.u32 v2, v3;
	s14 =	sadd.s32 $0x3203, s7;
	[tilespmem:v36+s24+$0x0] =	vst.idx.msk $0xffff, v34;
	v9 =	vld [tilespmem:s8+$0xFFFFE690]  }
0x155: {  	v41 =	vadd.s32 s30, v1;
	[tilespmem:v10+s24+$0x0] =	vst.idx.msk $0xffff, v11;
	s12 =	sadd.s32 $0x4B02, s7;
	v50 =	vadd.s32 s14, v0;
	v15 =	vand.u32 $0x7FF8, v35;
	v49 =	vld [tilespmem:s8+$0xFFFFE6F0]  }
0x156: {  	v38 =	vmov s12;
	v4 =	vor.u32 v4, v15;
	v5 =	vand.u32 $0x7FF8, v41;
	v37 =	vld [tilespmem:s8+$0xFFFFE6C0];
	[tilespmem:v14+s24+$0x0] =	vst.idx.msk $0xffff, v28  }
0x157: {  	s13 =	sadd.s32 $0x4B01, s7;
	v39 =	vadd.s32 s12, v0;
	v44 =	vadd.s32 s12, v1;
	v2 =	vor.u32 v2, v5;
	v45 =	vld [tilespmem:s8+$0xFFFFE6A0];
	[tilespmem:v13+s24+$0x0] =	vst.idx.msk $0xffff, v31  }
0x158: {  	v46 =	vmov s13;
	v47 =	vadd.s32 s13, v0;
	v53 =	vadd.s32 s14, v1;
	v52 =	vld [tilespmem:s8+$0xFFFFE700];
	[tilespmem:v6+s24+$0x0] =	vst.idx.msk $0xffff, v12  }
0x159: {  	s15 =	sadd.s32 $0x4B00, s7;
	v40 =	vand.u32 $0x5FF8, v39;
	v51 =	vand.u32 $0x5FF8, v47;
	v15 =	vand.u32 $0x6, v38;
	[tilespmem:v3+s24+$0x0] =	vst.idx.msk $0xffff, v9  }
0x15a: {  	v56 =	vadd.s32 s15, v0;
	v7 =	vand.u32 $0x7FF8, v44;
	v13 =	vor.u32 v15, v40;
	v42 =	vld [tilespmem:s8+$0xFFFFFFD0];
	[tilespmem:v50+s24+$0x0] =	vst.idx.msk $0xffff, v49  }
0x15b: {  	v5 =	vand.u32 $0x5, v46;
	v7 =	vor.u32 v15, v7;
	v43 =	vld [tilespmem:s8+$0xFFFFFFE0];
	v3 =	vmov s15;
	[tilespmem:v4+s24+$0x0] =	vst.idx.msk $0xffff, v37  }
0x15c: {  	v4 =	vor.u32 v5, v51;
	[tilespmem:v2+s24+$0x0] =	vst.idx.msk $0xffff, v45;
	v2 =	vand.u32 $0x5FF8, v56;
	v3 =	vand.u32 $0x4, v3;
	v55 =	vld [tilespmem:s8+$0xFFFFFFB0]  }
0x15d: {  	s30 =	sadd.s32 $0x4B03, s7;
	v48 =	vadd.s32 s13, v1;
	[tilespmem:v53+s24+$0x0] =	vst.idx.msk $0xffff, v52;
	v11 =	vld [tilespmem:s8+$0xFFFFFF90];
	v2 =	vor.u32 v3, v2  }
0x15e: {  	v60 =	vadd.s32 s30, v0;
	v54 =	vand.u32 $0x7FF8, v48;
	v58 =	vadd.s32 s15, v1;
	v61 =	vld [tilespmem:s8+$0xFFFFFFF0]  }
0x15f: {  	v9 =	vand.u32 $0x7FF8, v58;
	v5 =	vor.u32 v5, v54;
	v57 =	vld [tilespmem:s8+$0xFFFFFFC0];
	[tilespmem:v13+s24+$0x0] =	vst.idx.msk $0xffff, v42  }
0x160: {  	v59 =	vld [tilespmem:s8+$0xFFFFFFA0];
	v3 =	vor.u32 v3, v9;
	[tilespmem:v7+s24+$0x0] =	vst.idx.msk $0xffff, v43  }
0x161: {  	s9 =	sadd.s32 $0x1, s9;
	v62 =	vadd.s32 s30, v1;
	v63 =	vld [tilespmem:s8+$0x0];
	[tilespmem:v4+s24+$0x0] =	vst.idx.msk $0xffff, v55  }
0x162: {  	p0 =	sne.s32 s9, $0x10;
	[tilespmem:v2+s24+$0x0] =	vst.idx.msk $0xffff, v11  }
.Ltmp2:
0x163: {  	[tilespmem:v60+s24+$0x0] =	vst.idx.msk $0xffff, v61;
	(pc) =	sbr.rel @p0 .LBB2_2-.Ltmp2, $4  }
0x164: {  	s31 =	smul.u32 $0xC80, s25;
	[tilespmem:v5+s24+$0x0] =	vst.idx.msk $0xffff, v57  }
0x165: {  	[tilespmem:v3+s24+$0x0] =	vst.idx.msk $0xffff, v59  }
0x166: {  	s0 =	sadd.s32 s2, s31;
	[tilespmem:v62+s24+$0x0] =	vst.idx.msk $0xffff, v63  }
0x167: {  	[hbm4b:s0+s3] =	stream.linear.scatter [tilespmem:s24], [sflag:$0x4], $0x6400, $0x38;
	[tilespmem:$0x19680] =	vst v63  }
0x168: {  	s0 =	simm.s32 $0x3  }
0x169: {  	_ =	swait.ge [sflag:s0], $0x6400  }
0x16a: {  	[sflag:s0] =	ssyncset.done $0x0  }
0x16b: {  	s1 =	simm.s32 $0x4;
	[sflag:s0] =	ssyncadd.s32 $0xFFFF9C00  }
0x16c: {  	_ =	swait.ge [sflag:s1], $0x6400  }
0x16d: {  	s7 =	rddreg [dreg:$0x5]  }
0x16e: {  	s31 =	rddreg [dreg:$0x4];
	s7 =	sadd.s32 $0x1, s7  }
0x16f: {  	p0 =	sne.s32 s7, s31  }
.Ltmp3:
0x170: {  	_ = 	snop;
	(pc) =	sbr.rel @p0 .LBB2_1-.Ltmp3, $3  }
0x171: {  	_ =	sdelay $0x1  }
0x172: {  	[sflag:s1] =	ssyncset.done $0x0  }
0x173: {  	[sflag:s1] =	ssyncadd.s32 $0xFFFF9C00  }
0x174: {  	_ =	sfence.sel $0x180000  }
0x175: {  	[bflag:$0x0] =	sbarrier.arrive $0xFFFF  }
0x176: {  	_ =	strace $0x90000047  }
0x177: {  	s0 =	stileid.u32;
	[bflag:$0x2] =	sbarrier.arrive $0xFFFF  }
0x178: {  	p0 =	sne.s32 s0, $0x0;
	s0 =	rddreg [dreg:$0x2]  }
0x179: {  	s0 =	sadd.s32 @!p0 $0x100000, s0  }
0x17a: {  	[sflag:s0] =	ssyncadd.tile.s32 @!p0 $0x1;
	_ =	shalt  }
.Lfunc_end2:
_tile_overlayer_lowered:
.L_overlay_start_2:
0x17b: {  	(tag) =	ssettag $0x2  }
0x17c: {  	s0 =	rddreg [dreg:$0x0];
	s2 =	stileid.u32  }
0x17d: {  	s1 =	rddreg [dreg:$0x1];
	p0 =	sne.s32 s2, $0x0  }
0x17e: {  	s3 =	rddreg [dreg:$0x2];
	[bflag:$0x3] =	sbarrier.arrive $0xFFFF;
	s2 =	simm.s32 @!p0 $0x1C07  }
0x17f: {  	[timem:s3], [sflag:s2] =	dma.local @!p0 [hbm:s0], s1  }
0x180: {  	s0 =	simm.s32 @!p0 $0x7  }
0x181: {  	_ =	swait.ge @!p0 [sflag:s0], s1  }
0x182: {  	s1 =	ssub.s32 @!p0 $0x0, s1;
	[sflag:s0] =	ssyncset.done @!p0 $0x0  }
0x183: {  	[sflag:s0] =	ssyncadd.s32 @!p0 s1  }
0x184: {  	[bflag:$0x3] =	sbarrier.arrive $0xFFFF  }
0x185: {  	_ =	shalt  }

// kernel: sparse-core-data-format-call.cloned.1.call-start
scs
called_computation_lowered:
.L_overlay_start_0:
0x0: {  	s2 =	sld [smem:$0x3FD9]  }
0x1: {  	s3 =	sld [smem:$0x3FFE];
	_ =	sdelay $0x1  }
0x2: {  	s1 =	srdreg.scid  }
0x3: {  	s0 =	sand.u32 $0x1, s1  }
0x4: {  	s18 =	sshll.u32 s0, $0xA;
	s2 =	sadd.s32 s3, s2  }
0x5: {  	s2 =	sadd.s32 s2, s18  }
0x6: {  	[smem:$0x3FC6] =	sst s2  }
0x7: {  	_ = 	snop  }
0x8: {  	s2 =	sld [smem:$0x3FD0];
	(tm) =	ssettm $0x1  }
0x9: {  	s19 =	sld [smem:$0x3FFB];
	_ =	sdelay $0x3  }
0xa: {  	_ =	strace s19  }
0xb: {  	s3 =	sld [smem:$0x3FFC];
	_ =	sdelay $0x3  }
0xc: {  	_ =	strace s3  }
0xd: {  	s3 =	sld [smem:$0x3FFD];
	_ =	sdelay $0x3  }
0xe: {  	_ =	strace s3  }
0xf: {  	_ =	strace $0x8FFFFFFF  }
0x10: {  	s20 =	sld [smem:$0x3FDB];
	_ =	sdelay $0x1  }
0x11: {  	s4 =	simm.s32 $_scs_section_size  }
0x12: {  	s5 =	simm.s32 $_size__tile_overlayer_lowered;
	s6 =	simm.s32 $_tile_overlayer_lowered  }
0x13: {  	s23 =	simm.s32 $0x1BFF;
	s22 =	sshll.u32 s6, $0x1;
	s3 =	sadd.s32 s4, s20  }
0x14: {  	s7 =	simm.s32 $0x0;
	s21 =	sshll.u32 s5, $0x1;
	s5 =	sadd.s32 s22, s3  }
0x15: {  	[timem:s7], [sflag:s23] =	dma.local [hbm:s5], s21  }
0x16: {  	_ =	swait.ge [sflag:s23], s21  }
0x17: {  	s4 =	ssub.s32 $0x0, s21;
	[sflag:s23] =	ssyncset.done $0x0  }
0x18: {  	[sflag:s23] =	ssyncadd.s32 s4;
	_ =	sdelay $0x1  }
0x19: {  	s24 =	simm.s32 $0x1B8B  }
0x1a: {  	_ =	swait.ge [sflag:s24], $0x1  }
0x1b: {  	[sflag:s24] =	ssyncset.done $0x0  }
0x1c: {  	s26 =	simm.s32 $0x1B8E;
	s25 =	sld [smem:$0x3FFE];
	[sflag:s24] =	ssyncadd.s32 $0xFFFFFFFF  }
0x1d: {  	s27 =	simm.s32 $execute0_lowered;
	[smem:$0x3FD2] =	sst s26  }
0x1e: {  	s5 =	sshll.u32 s27, $0x1;
	_ =	strace $0x80000049;
	[dreg:$0x1] =	wrdreg $0xFFFFFFFF  }
0x1f: {  	s28 =	simm.s32 $_size_execute0_lowered;
	s3 =	sadd.s32 s3, s5;
	[dreg:$0x0] =	wrdreg $0x0  }
0x20: {  	s5 =	sshll.u32 s28, $0x1;
	[dreg:$0x2] =	wrdreg s3  }
0x21: {  	[dreg:$0x3] =	wrdreg s5  }
0x22: {  	[dreg:$0x4] =	wrdreg $0xC0  }
0x23: {  	_ =	task [dreg:s7], $0x5FFFF  }
0x24: {  	[dreg:$0x1] =	wrdreg $0xFFFFFFFF  }
0x25: {  	[dreg:$0x0] =	wrdreg $0x60  }
0x26: {  	[dreg:$0x2] =	wrdreg s25  }
0x27: {  	[dreg:$0x3] =	wrdreg s2  }
0x28: {  	[dreg:$0x4] =	wrdreg $0x9  }
0x29: {  	_ =	task.clear_ibuf [dreg:s7], $0x5FFFF;
	_ =	strace $0x90000049  }
0x2a: {  	s29 =	simm.s32 $0x9;
	_ =	strace $0x8000004B  }
0x2b: {  	_ =	swait.ge [sflag:s29], $0x1  }
0x2c: {  	[sflag:s29] =	ssyncadd.s32 $0xFFFFFFFF  }
0x2d: {  	_ =	strace $0x9000004B  }
0x2e: {  	_ =	sfence  }
0x2f: {  	s30 =	sld [smem:$0x0];
	_ =	sdelay $0x2  }
0x30: {  	s31 =	sshll.u32 s1, $0xD;
	s1 =	sshrl.u32 s1, $0x2  }
0x31: {  	s3 =	sand.u32 $0x4000, s31;
	s1 =	sadd.s32 s1, s30  }
0x32: {  	s0 =	sor.u32 s3, s0;
	s1 =	sshll.u32 s1, $0x11  }
0x33: {  	s0 =	sor.u32 s1, s0  }
0x34: {  	s0 =	sadd.s32 $0x8F2B, s0  }
0x35: {  	[sflag:s0] =	ssyncadd.remote.s32 $0x1  }
0x36: {  	_ =	sfence.sel $0xFFFF  }
0x37: {  	[dreg:$0x0] =	wrdreg $0xFFFFFFFF;
	(pc) =	sbr.abs _section_cstart, $3  }
0x38: {  	[dreg:$0x1] =	wrdreg $0xFFFFFFFF  }
0x39: {  	_ =	task.clear_ibuf [dreg:s7], $0x2FFFF;
	_ =	strace $0x9FFFFFFF  }
0x3a: {  	(tm) =	ssettm $0x7FFFFFFF  }
0x3b: {  	_ =	shalt  }
tec
execute0_lowered:
.L_overlay_start_1:
0x0: {  	(tag) =	ssettag $0x1  }
0x1: {  	s5 =	rddreg [dreg:$0x0]  }
0x2: {  	s0 =	srdreg.scid;
	s3 =	rddreg [dreg:$0x1];
	s7 =	simm.s32 $0x1  }
0x3: {  	s8 =	simm.s32 $0x2;
	s16 =	simm.s32 $0x0;
	s1 =	sshll.u32 s0, $0x4  }
0x4: {  	s18 =	simm.s32 $0x0;
	s0 =	stileid.u32;
	s1 =	sand.u32 $0x10, s1  }
0x5: {  	s17 =	simm.s32 $0x0;
	s9 =	simm.s32 $0x0;
	s1 =	sor.u32 s0, s1  }
0x6: {  	s10 =	simm.s32 $0x0;
	s11 =	simm.s32 $0x0;
	s2 =	sshll.u32 s1, $0x7  }
0x7: {  	s12 =	simm.s32 $0x0;
	s13 =	simm.s32 $0x0;
	s6 =	ssub.s32 $0x1000, s2  }
0x8: {  	s15 =	simm.s32 $0x0;
	s5 =	sadd.s32 $0xA00, s5;
	s4 =	sand.u32 $0xF80, s6  }
.Ltmp0:
0x9: {  	s1 =	rddreg [dreg:$0x2];
	p0 =	sne.s32 s4, $0x0;
	(pc) =	sbr.rel .LBB1_1-.Ltmp0, $4  }
0xa: {  	_ =	strace $0x8000004A;
	s6 =	sshrl.u32 s6, $0xC;
	s7 =	simm.s32 @!p0 $0x0  }
0xb: {  	s14 =	smov.u32 s2;
	s4 =	simm.s32 $0x1;
	s6 =	sadd.s32 s7, s6  }
0xc: {  	[sflag:s4] =	ssyncpa.u1 $0x0;
	p0 =	por $0x0, $0x0;
	s6 =	sshll.u32 s6, $0x6  }
0xd: {  	[sflag:s8] =	ssyncpa.u1 $0x0;
	s8 =	simm.s32 $0x8000;
	s7 =	sor.u32 $0x1, s6  }
.LBB1_4:
0xe: {  	s23 =	sshra.s32 s23, $0x2;
	s30 =	sshll.u32 s9, $0xC  }
0xf: {  	p1 =	sgt.s32 s10, $0x1F;
	s24 =	smov.u32 s10;
	s25 =	sshra.s32 s10, $0x1F  }
0x10: {  	s26 =	sshll.u32 s11, $0x3;
	s28 =	smov.u32 s11;
	s29 =	sshra.s32 s11, $0x1F  }
0x11: {  	s22 =	sadd.s32 s23, s22;
	s24 =	simm.s32 @!p1 $0x1F;
	s25 =	sand.u32 s25, s10  }
0x12: {  	s23 =	sand.u32 $0xFFFF8000, s30;
	s27 =	sand.u32 $0xFFFFFC00, s26;
	p1 =	sgt.s32 s9, $0x48  }
0x13: {  	s31 =	sand.u32 s29, s11;
	s29 =	sshll.u32 s9, $0x7;
	s30 =	sshra.s32 s9, $0x1F  }
0x14: {  	[tilespmem:s21+$0x2040 ss:$0x81] =	vst.msk $0xffff, v4;
	s24 =	ssub.s32 s24, s25;
	s23 =	sadd.s32 s27, s23;
	s27 =	smov.u32 s9  }
0x15: {  	[tilespmem:s21+$0x2850 ss:$0x81] =	vst.msk $0xffff, v3;
	s29 =	sand.u32 $0x380, s29;
	s25 =	sadd.s32 $0xFFFFFFE1, s24;
	s27 =	simm.s32 @!p1 $0x48  }
0x16: {  	v5 =	vld [tilespmem:s20+$0xFFFFFFD0];
	[tilespmem:s21+$0x3060 ss:$0x81] =	vst.msk $0xffff, v2;
	p1 =	sgt.s32 s11, $0xF80;
	s23 =	sshrl.u32 s23, $0xC;
	s24 =	ssub.s32 $0x20, s24  }
0x17: {  	v58 =	vld [tilespmem:s20+$0xFFFFFFE0];
	[tilespmem:s21+$0x0 ss:$0x81] =	vst.msk $0xffff, v1;
	s28 =	simm.s32 @!p1 $0xF80;
	p1 =	sgt.s32 s25, $0x0;
	s21 =	smulhi.u32 $0x147AE15, s23  }
0x18: {  	v59 =	vld [tilespmem:s20+$0xFFFFFFF0];
	s25 =	ssub.s32 s28, s31;
	s28 =	sand.u32 s30, s9;
	s24 =	simm.s32 @p1 $0x0  }
0x19: {  	v60 =	vld [tilespmem:s20+$0x0];
	s27 =	ssub.s32 s27, s28;
	s31 =	sadd.s32 $0xFFFFF080, s25;
	s25 =	ssub.s32 $0x1000, s25  }
0x1a: {  	v61 =	vld [tilespmem:s20+$0x10];
	[tilespmem:s22+$0x3870 ss:$0x81] =	vst.msk $0xffff, v0;
	s21 =	smul.u32 $0xC8, s21;
	s28 =	sand.u32 $0x7, s11;
	p1 =	sgt.s32 s31, $0x7F  }
0x1b: {  	v62 =	vld [tilespmem:s20+$0x20];
	[tilespmem:s22+$0x810 ss:$0x81] =	vst.msk $0xffff, v5;
	s30 =	sadd.s32 $0xFFFFFFB8, s27;
	s31 =	sand.u32 $0x78, s11;
	s25 =	simm.s32 @p1 $0x0  }
0x1c: {  	v63 =	vld [tilespmem:s20+$0xFFFFFFC0];
	[tilespmem:s22+$0x1020 ss:$0x81] =	vst.msk $0xffff, v58;
	p1 =	sgt.s32 s30, $0x7F;
	s30 =	sand.u32 $0xC00, s26;
	s24 =	smul.u32 s25, s24  }
0x1d: {  	[tilespmem:s22+$0x1830 ss:$0x81] =	vst.msk $0xffff, v59;
	s26 =	ssub.s32 $0xC8, s27;
	s20 =	sor.u32 s31, s30;
	s31 =	smul.u32 $0x19000, s10  }
0x1e: {  	[tilespmem:s22+$0x2040 ss:$0x81] =	vst.msk $0xffff, v60;
	s21 =	ssub.s32 s23, s21;
	s26 =	simm.s32 @p1 $0x0;
	s20 =	sor.u32 s29, s20  }
0x1f: {  	[tilespmem:s22+$0x2850 ss:$0x81] =	vst.msk $0xffff, v61;
	s26 =	smul.u32 s26, s24;
	s20 =	sshrl.u32 s20, $0x3;
	s27 =	sadd.s32 s3, s31  }
0x20: {  	[tilespmem:s22+$0x3060 ss:$0x81] =	vst.msk $0xffff, v62;
	s21 =	sshll.u32 s21, $0x9;
	s29 =	sshll.u32 s28, $0x12;
	s20 =	sadd.s32 s20, s27  }
0x21: {  	[tilespmem:s22+$0x0 ss:$0x81] =	vst.msk $0xffff, v63;
	s31 =	sor.u32 $0x400, s29;
	s30 =	sand.u32 $0x3FFFFFFF, s26;
	s20 =	sadd.s32 s21, s20  }
0x22: {  	[hbm4b:s20+s31] =	stream.strided.scatter [tilespmem:s19], [sflag:$0x2], s30, s8, s31, $0x20;
	[tilespmem:$0x10100] =	vst v63  }
.LBB1_5:
0x23: {  	p1 =	slt.u32 s15, $0x2  }
0x24: {  	p2 =	sgt.s32 @!p1 s18, $0x1F  }
0x25: {  	s19 =	smov.u32 s18;
	s20 =	sshra.s32 @!p1 s18, $0x1F;
	p2 =	por !p2, p1  }
0x26: {  	s18 =	sand.u32 @!p1 s20, s18;
	s19 =	simm.s32 @p2 $0x1F  }
0x27: {  	p3 =	sgt.s32 @!p1 s16, $0x48;
	s18 =	ssub.s32 @!p1 s19, s18  }
0x28: {  	p4 =	sgt.s32 @!p1 s17, $0xF80;
	s21 =	sshra.s32 @!p1 s17, $0x1F;
	s19 =	sadd.s32 @!p1 $0xFFFFFFE1, s18  }
0x29: {  	s20 =	smov.u32 s16;
	p2 =	sgt.s32 @!p1 s19, $0x0;
	s19 =	sshra.s32 @!p1 s16, $0x1F  }
0x2a: {  	p4 =	por !p4, p1;
	s16 =	sand.u32 @!p1 s19, s16;
	s19 =	smov.u32 s17  }
0x2b: {  	p3 =	por !p3, p1;
	s17 =	sand.u32 @!p1 s21, s17;
	s19 =	simm.s32 @p4 $0xF80  }
0x2c: {  	s20 =	simm.s32 @p3 $0x48;
	s18 =	ssub.s32 @!p1 $0x20, s18;
	s17 =	ssub.s32 @!p1 s19, s17  }
0x2d: {  	p2 =	por !p2, p1;
	s16 =	ssub.s32 @!p1 s20, s16;
	s20 =	sadd.s32 @!p1 $0xFFFFF080, s17  }
0x2e: {  	s18 =	simm.s32 @!p2 $0x0;
	p3 =	sgt.s32 @!p1 s20, $0x7F  }
0x2f: {  	s19 =	sadd.s32 @!p1 $0xFFFFFFB8, s16;
	s17 =	ssub.s32 @!p1 $0x1000, s17;
	p3 =	por !p3, p1  }
0x30: {  	p2 =	sgt.s32 @!p1 s19, $0x7F;
	s19 =	sadd.s32 $0x80, s12;
	s17 =	simm.s32 @!p3 $0x0  }
0x31: {  	p3 =	sgt.s32 s19, $0xC7;
	s17 =	smul.u32 @!p1 s17, s18;
	s18 =	simm.s32 $0x1  }
0x32: {  	s16 =	ssub.s32 @!p1 $0xC8, s16;
	p2 =	por !p2, p1;
	s18 =	simm.s32 @!p3 $0x0  }
0x33: {  	s21 =	smov.u32 s14;
	s16 =	simm.s32 @!p2 $0x0;
	s20 =	sadd.s32 s18, s13  }
0x34: {  	s16 =	smul.u32 @!p1 s16, s17;
	s17 =	sadd.s32 $0x1000, s14;
	p2 =	sgt.s32 s20, $0x1F  }
0x35: {  	p0 =	por !p0, !p0;
	s22 =	simm.s32 @!p1 $0x2;
	s21 =	smov.u32 @p2 s17  }
0x36: {  	s19 =	simm.s32 @p3 $0x0;
	s20 =	simm.s32 @p2 $0x0;
	p2 =	sgt.s32 s21, $0xFFF  }
0x37: {  	s18 =	smov.u32 s10;
	s21 =	smov.u32 @p2 s2;
	p2 =	sne.s32 s15, s7  }
.Ltmp1:
0x38: {  	s10 =	smov.u32 s13;
	s16 =	sand.u32 @!p1 $0x3FFFFFFF, s16;
	(pc) =	sbr.rel @!p2 .LBB1_6-.Ltmp1, $4  }
0x39: {  	s17 =	smov.u32 s11;
	s11 =	smov.u32 s14;
	_ =	swait.ge @!p1 [sflag:s22], s16  }
0x3a: {  	s23 =	ssub.s32 @!p1 $0x0, s16;
	s16 =	smov.u32 s9;
	s9 =	smov.u32 s12  }
0x3b: {  	s12 =	smov.u32 s19;
	s13 =	smov.u32 s20;
	[sflag:s22] =	ssyncset.done @!p1 $0x0  }
0x3c: {  	s15 =	sadd.s32 $0x1, s15;
	[sflag:s22] =	ssyncadd.s32 @!p1 s23;
	s14 =	smov.u32 s21  }
.LBB1_1:
0x3d: {  	p1 =	sge.u32 s15, s6  }
0x3e: {  	s31 =	sadd.s32 $0xFFFFFFFF, s15;
	s19 =	sxor.u32 @!p1 $0xFFFFFFFF, s15  }
0x3f: {  	s20 =	sshll.u32 @!p1 s13, $0x8;
	s21 =	sshll.u32 @!p1 s12, $0x3;
	s22 =	sshll.u32 @!p1 s13, $0x7  }
0x40: {  	s23 =	sand.u32 @!p1 $0x78, s12;
	s20 =	sand.u32 @!p1 $0x1800, s20;
	s21 =	sand.u32 @!p1 $0x1C00, s21  }
0x41: {  	s19 =	sshll.u32 @!p1 s19, $0xE;
	s20 =	sadd.s32 @!p1 s20, s21;
	s21 =	sand.u32 @!p1 $0x300, s22  }
0x42: {  	s19 =	sand.u32 @!p1 $0x4000, s19;
	s20 =	sor.u32 @!p1 s21, s20;
	s21 =	sand.u32 @!p1 $0x80, s22  }
0x43: {  	s22 =	sshll.u32 @!p1 s14, $0xA;
	s21 =	sor.u32 @!p1 s23, s21;
	s20 =	sshrl.u32 @!p1 s20, $0x3  }
0x44: {  	s22 =	sadd.s32 @!p1 s5, s22;
	s23 =	sand.u32 @!p1 $0x7, s12;
	s21 =	sshrl.u32 @!p1 s21, $0x3  }
0x45: {  	s20 =	sand.u32 @!p1 $0x3E0, s20;
	s21 =	sadd.s32 @!p1 s21, s22;
	s22 =	sshll.u32 @!p1 s23, $0x12  }
0x46: {  	s20 =	sadd.s32 @!p1 s20, s21;
	s21 =	sor.u32 @!p1 $0x80, s22;
	s22 =	simm.s32 @!p1 $0x2000  }
0x47: {  	[tilespmem:s19], [sflag:$0x1] =	stream.strided.gather @!p1 [hbm4b:s20+s21], $0x4000, s22, s21, $0x38;
	[tilespmem:$0x10100] =	vst v63  }
0x48: {  	p1 =	sge.u32 s31, s6  }
.Ltmp2:
0x49: {  	_ = 	snop;
	(pc) =	sbr.rel @p1 .LBB1_5-.Ltmp2, $1  }
0x4a: {  	_ =	sdelay $0x3  }
0x4b: {  	s19 =	simm.s32 $0x1  }
0x4c: {  	_ =	swait.ge [sflag:s4], $0x4000;
	s19 =	simm.s32 @!p0 $0x0  }
0x4d: {  	[sflag:s4] =	ssyncset.done $0x0;
	s20 =	sshll.u32 s19, $0xE  }
0x4e: {  	[sflag:s4] =	ssyncadd.s32 $0xFFFFC000;
	s20 =	sor.u32 $0x40, s20  }
0x4f: {  	s19 =	smul.u32 $0x10200, s19;
	v0 =	vld [tilespmem:s20+$0x30]  }
0x50: {  	v1 =	vld [tilespmem:s20+$0xFFFFFFD0]  }
0x51: {  	s19 =	sshrl.u32 s19, $0x2;
	v5 =	vld [tilespmem:s20+$0xFFFFFFE0]  }
0x52: {  	v6 =	vld [tilespmem:s20+$0xFFFFFFF0];
	s22 =	sor.u32 $0x8000, s19  }
0x53: {  	s31 =	sand.u32 $0x1, s15;
	v4 =	vld [tilespmem:s20+$0x0];
	s21 =	sadd.s32 $0x0, s22  }
0x54: {  	v3 =	vld [tilespmem:s20+$0x10];
	s19 =	smul.u32 $0x10200, s31;
	[tilespmem:s21+$0x3870 ss:$0x81] =	vst.msk $0xffff, v0  }
0x55: {  	v2 =	vld [tilespmem:s20+$0x20];
	[tilespmem:s21+$0x810 ss:$0x81] =	vst.msk $0xffff, v1  }
0x56: {  	s19 =	sshrl.u32 s19, $0x2;
	v1 =	vld [tilespmem:s20+$0xFFFFFFC0];
	[tilespmem:s21+$0x1020 ss:$0x81] =	vst.msk $0xffff, v5;
	s20 =	sadd.s32 $0x80, s20  }
0x57: {  	s23 =	simm.s32 $0x4;
	s24 =	simm.s32 $0x8;
	s19 =	sor.u32 $0x8000, s19;
	[tilespmem:s21+$0x1830 ss:$0x81] =	vst.msk $0xffff, v6;
	v0 =	vld [tilespmem:s20+$0x30]  }
.LBB1_3:
0x58: {  	p1 =	sne.s32 s24, $0x1FC;
	v5 =	vld [tilespmem:s20+$0xFFFFFFD0];
	[tilespmem:s21+$0x2040 ss:$0x81] =	vst.msk $0xffff, v4  }
0x59: {  	v6 =	vld [tilespmem:s20+$0xFFFFFFE0];
	[tilespmem:s21+$0x2850 ss:$0x81] =	vst.msk $0xffff, v3  }
0x5a: {  	s25 =	sshra.s32 s23, $0x2;
	s23 =	smov.u32 s24;
	v7 =	vld [tilespmem:s20+$0xFFFFFFF0];
	[tilespmem:s21+$0x3060 ss:$0x81] =	vst.msk $0xffff, v2  }
.Ltmp3:
0x5b: {  	v4 =	vld [tilespmem:s20+$0x0];
	[tilespmem:s21+$0x0 ss:$0x81] =	vst.msk $0xffff, v1;
	s21 =	sadd.s32 s25, s22;
	(pc) =	sbr.rel @p1 .LBB1_3-.Ltmp3, $4  }
0x5c: {  	v3 =	vld [tilespmem:s20+$0x10];
	[tilespmem:s21+$0x3870 ss:$0x81] =	vst.msk $0xffff, v0  }
0x5d: {  	[tilespmem:s21+$0x810 ss:$0x81] =	vst.msk $0xffff, v5;
	v2 =	vld [tilespmem:s20+$0x20]  }
0x5e: {  	v1 =	vld [tilespmem:s20+$0xFFFFFFC0];
	[tilespmem:s21+$0x1020 ss:$0x81] =	vst.msk $0xffff, v6;
	s20 =	sadd.s32 $0x80, s20  }
0x5f: {  	s24 =	sadd.s32 $0x4, s24;
	v0 =	vld [tilespmem:s20+$0x30];
	[tilespmem:s21+$0x1830 ss:$0x81] =	vst.msk $0xffff, v7  }
.Ltmp4:
0x60: {  	_ = 	snop;
	(pc) =	sbr.rel .LBB1_4-.Ltmp4, $1  }
0x61: {  	_ =	sdelay $0x3  }
.LBB1_6:
0x62: {  	_ =	sfence.sel $0x180000  }
0x63: {  	s2 =	simm.s32 $0x1;
	[bflag:$0x0] =	sbarrier.arrive $0xFFFF  }
0x64: {  	s31 =	simm.s32 $0x2;
	[sflag:s2] =	ssyncpa.u1 $0x1  }
0x65: {  	[sflag:s31] =	ssyncpa.u1 $0x1  }
0x66: {  	p0 =	sne.s32 s0, $0x0;
	_ =	strace $0x9000004A  }
0x67: {  	s0 =	sadd.s32 @!p0 $0x100000, s1;
	[bflag:$0x2] =	sbarrier.arrive $0xFFFF  }
0x68: {  	[sflag:s0] =	ssyncadd.tile.s32 @!p0 $0x1;
	_ =	shalt  }
.Lfunc_end1:
_tile_overlayer_lowered:
.L_overlay_start_2:
0x69: {  	(tag) =	ssettag $0x2  }
0x6a: {  	s0 =	rddreg [dreg:$0x0];
	s2 =	stileid.u32  }
0x6b: {  	s1 =	rddreg [dreg:$0x1];
	p0 =	sne.s32 s2, $0x0  }
0x6c: {  	s3 =	rddreg [dreg:$0x2];
	[bflag:$0x3] =	sbarrier.arrive $0xFFFF;
	s2 =	simm.s32 @!p0 $0x1C01  }
0x6d: {  	[timem:s3], [sflag:s2] =	dma.local @!p0 [hbm:s0], s1  }
0x6e: {  	s0 =	simm.s32 @!p0 $0x1  }
0x6f: {  	_ =	swait.ge @!p0 [sflag:s0], s1  }
0x70: {  	s1 =	ssub.s32 @!p0 $0x0, s1;
	[sflag:s0] =	ssyncset.done @!p0 $0x0  }
0x71: {  	[sflag:s0] =	ssyncadd.s32 @!p0 s1  }
0x72: {  	[bflag:$0x3] =	sbarrier.arrive $0xFFFF  }
0x73: {  	_ =	shalt  }

</sc_bundles>
